<compile_context>
chip_gen: v7x
topology: tpu7x:2x2x1
jax: 0.10.2.dev20260603
libtpu: 0.0.44.dev20260713+nightly
codegen_flags: <defaults>
</compile_context>

<pallas_src>
import functools

import jax
import jax.numpy as jnp
from jax import lax
from jax.experimental import pallas as pl
from jax.experimental.pallas import tpu as pltpu
from jax.experimental.pallas import tpu_sc as plsc

NC, NS, L = 2, 16, 16
NW = NC * NS
UNROLL = 8
RPS = 64
NBUF = 4
LOOKAHEAD = 2
RANGE = 4000


def _sc_body_a(M, B, nid_hbm, tall_hbm, tab_hbm,
               nid_v, table_v, tflat_v, negones_v, sem_nid, sem_out):
    wid = lax.axis_index("s") * NC + lax.axis_index("c")
    chunk = B // NW
    base = wid * chunk
    iota = lax.iota(jnp.int32, L)
    full = iota >= 0

    cp_nid = pltpu.async_copy(nid_hbm, nid_v, sem_nid)

    for k in range(8):
        negones_v[pl.ds(k * L, L)] = jnp.full((L,), -1, jnp.int32)
    rbase = wid * RANGE

    @pl.when(wid < M // RANGE)
    def _():
        def init(i, c):
            table_v[pl.ds(rbase + i * L, L)] = negones_v[pl.ds(0, L)]
            return c

        lax.fori_loop(0, RANGE // L, init, 0)

    cp_nid.wait()

    def body(j, c):
        idss = [nid_v[pl.ds((j * UNROLL + u) * L, L)] for u in range(UNROLL)]
        wins = [plsc.scan_count(ids)[1] for ids in idss]
        for u in range(UNROLL):
            pos = (j * UNROLL + u) * L + iota
            plsc.store_scatter(table_v, [idss[u]], pos, mask=wins[u])
        return c

    lax.fori_loop(0, B // (L * UNROLL), body, 0)

    for j in range(chunk // L):
        ids = nid_v[pl.ds(base + j * L, L)]
        t = plsc.load_gather(table_v, [ids], mask=full)
        tflat_v[pl.ds(j * L, L)] = t
    cp_tall = pltpu.async_copy(tflat_v, tall_hbm.at[pl.ds(base, chunk)],
                               sem_out)

    @pl.when(wid < M // RANGE)
    def _():
        pltpu.sync_copy(table_v.at[pl.ds(rbase, RANGE)],
                        tab_hbm.at[pl.ds(rbase, RANGE)])

    cp_tall.wait()


def _sc_body_b(M, B, D, nid_hbm, tall_hbm, msg_hbm, ts_hbm, memts_hbm,
               tab_hbm, newmem_hbm, newts_hbm, has_hbm,
               nid512_v, tflat_v, dst2d_v, ts_v, tabr_v, memtsr_v,
               hasb_v, ntsb_v, rb0, rb1, rb2, rb3,
               sg0, sg1, sg2, sg3, ss0, ss1, ss2, ss3, sem_misc):
    wid = lax.axis_index("s") * NC + lax.axis_index("c")
    chunk = B // NW
    base = wid * chunk
    iota = lax.iota(jnp.int32, L)
    full = iota >= 0
    rbase = wid * RANGE
    in_range = wid < M // RANGE

    cp_nid = pltpu.async_copy(nid_hbm.at[pl.ds(base, chunk)], nid512_v,
                              sem_misc)
    cp_t = pltpu.async_copy(tall_hbm.at[pl.ds(base, chunk)], tflat_v,
                            sem_misc)
    cp_ts = pltpu.async_copy(ts_hbm, ts_v, sem_misc)

    cp_nid.wait()
    cp_t.wait()
    for j in range(chunk // RPS):
        for u in range(RPS // L):
            dst2d_v[j, pl.ds(u * L, L)] = nid512_v[pl.ds(j * RPS + u * L, L)]

    n_it = chunk // RPS
    rbufs = (rb0, rb1, rb2, rb3)
    gsems = (sg0, sg1, sg2, sg3)
    ssems = (ss0, ss1, ss2, ss3)
    pend_g = [None] * NBUF
    pend_s = [None] * NBUF

    def gather(k):
        b = k % NBUF
        return pltpu.async_copy(msg_hbm.at[tflat_v.at[pl.ds(k * RPS, RPS)]],
                                rbufs[b], gsems[b])

    def scatter(k):
        b = k % NBUF
        return pltpu.async_copy(rbufs[b], newmem_hbm.at[dst2d_v.at[k]],
                                ssems[b])

    for k in range(min(LOOKAHEAD, n_it)):
        pend_g[k % NBUF] = gather(k)

    cp_ts.wait()

    @pl.when(in_range)
    def _():
        cp_a = pltpu.async_copy(tab_hbm.at[pl.ds(rbase, RANGE)], tabr_v,
                                sem_misc)
        cp_b = pltpu.async_copy(memts_hbm.at[pl.ds(rbase, RANGE)],
                                memtsr_v, sem_misc)
        cp_a.wait()
        cp_b.wait()

        def dense(i, c):
            tab = tabr_v[pl.ds(i * L, L)]
            has = tab >= 0
            tsg = plsc.load_gather(ts_v, [jnp.maximum(tab, 0)], mask=full)
            mts = memtsr_v[pl.ds(i * L, L)]
            hasb_v[pl.ds(i * L, L)] = jnp.where(has, 1, 0)
            ntsb_v[pl.ds(i * L, L)] = jnp.where(has, tsg, mts)
            return c

        lax.fori_loop(0, RANGE // L, dense, 0)
        pltpu.async_copy(hasb_v, has_hbm.at[pl.ds(rbase, RANGE)],
                         sem_misc).wait()
        pltpu.async_copy(ntsb_v, newts_hbm.at[pl.ds(rbase, RANGE)],
                         sem_misc).wait()

    for k in range(n_it):
        b = k % NBUF
        ka = k + LOOKAHEAD
        if ka < n_it:
            ba = ka % NBUF
            if pend_s[ba] is not None:
                pend_s[ba].wait()
                pend_s[ba] = None
            pend_g[ba] = gather(ka)
        pend_g[b].wait()
        pend_s[b] = scatter(k)
    for b in range(NBUF):
        if pend_s[b] is not None:
            pend_s[b].wait()


def _make_call_a(M, B, interpret=False):
    chunk = B // NW
    mesh = plsc.VectorSubcoreMesh(core_axis_name="c", subcore_axis_name="s",
                                  num_cores=NC, num_subcores=NS)
    return pl.kernel(
        functools.partial(_sc_body_a, M, B),
        out_type=(jax.ShapeDtypeStruct((B,), jnp.int32),
                  jax.ShapeDtypeStruct((M,), jnp.int32)),
        mesh=mesh,
        scratch_types=[
            pltpu.VMEM((B,), jnp.int32),
            pltpu.VMEM((M,), jnp.int32),
            pltpu.VMEM((chunk,), jnp.int32),
            pltpu.VMEM((128,), jnp.int32),
            pltpu.SemaphoreType.DMA,
            pltpu.SemaphoreType.DMA,
        ],
        interpret=interpret,
        compiler_params=pltpu.CompilerParams(needs_layout_passes=False),
        name="msg_agg_sc_table",
    )


def _make_call_b(M, B, D, interpret=False):
    chunk = B // NW
    mesh = plsc.VectorSubcoreMesh(core_axis_name="c", subcore_axis_name="s",
                                  num_cores=NC, num_subcores=NS)
    return pl.kernel(
        functools.partial(_sc_body_b, M, B, D),
        out_type=(jax.ShapeDtypeStruct((M,), jnp.float32),
                  jax.ShapeDtypeStruct((M,), jnp.int32)),
        mesh=mesh,
        scratch_types=[
            pltpu.VMEM((chunk,), jnp.int32),
            pltpu.VMEM((chunk,), jnp.int32),
            pltpu.VMEM((chunk // RPS, RPS), jnp.int32),
            pltpu.VMEM((B,), jnp.float32),
            pltpu.VMEM((RANGE,), jnp.int32),
            pltpu.VMEM((RANGE,), jnp.float32),
            pltpu.VMEM((RANGE,), jnp.int32),
            pltpu.VMEM((RANGE,), jnp.float32),
            pltpu.VMEM((RPS, D), jnp.float32),
            pltpu.VMEM((RPS, D), jnp.float32),
            pltpu.VMEM((RPS, D), jnp.float32),
            pltpu.VMEM((RPS, D), jnp.float32),
            pltpu.SemaphoreType.DMA,
            pltpu.SemaphoreType.DMA,
            pltpu.SemaphoreType.DMA,
            pltpu.SemaphoreType.DMA,
            pltpu.SemaphoreType.DMA,
            pltpu.SemaphoreType.DMA,
            pltpu.SemaphoreType.DMA,
            pltpu.SemaphoreType.DMA,
            pltpu.SemaphoreType.DMA,
        ],
        interpret=interpret,
        compiler_params=pltpu.CompilerParams(needs_layout_passes=False),
        name="msg_agg_sc_rows",
    )


def kernel(mem, mem_ts, node_ids, messages, timestamps):
    M, D = mem.shape
    B = node_ids.shape[0]
    newmem = jax.new_ref(mem)
    t_all, table = _make_call_a(M, B)(node_ids)
    new_ts, has = _make_call_b(M, B, D)(node_ids, t_all, messages,
                                        timestamps, mem_ts, table, newmem)
    return newmem[...], new_ts, has.astype(jnp.bool_)

# --- scband reference (transcript-rebuilt; emitter-appended) ---
"""Pipeline reference for scband-message-aggregator-deco-lp-38474317037916 (READ-ONLY COPY).

The authoritative reference and input builder live on the scoring server;
editing this copy changes nothing except your own understanding.
"""

import jax, jax.numpy as jnp
import numpy as np

M, B, D = 100000, 16384, 256

def setup_inputs(seed: int = 0) -> dict:
    key = jax.random.key(seed)
    k1, k2, k3, k4, k5 = jax.random.split(key, 5)
    mem = jax.random.normal(k1, (M, D), dtype=jnp.float32)
    mem_ts = jax.random.uniform(k2, (M,), dtype=jnp.float32)
    node_ids = jax.random.randint(k3, (B,), 0, M)
    messages = jax.random.normal(k4, (B, D), dtype=jnp.float32)
    timestamps = jax.random.uniform(k5, (B,), dtype=jnp.float32)
    return {"mem": mem, "mem_ts": mem_ts, "node_ids": node_ids,
            "messages": messages, "timestamps": timestamps}

def reference(mem, mem_ts, node_ids, messages, timestamps):
    # Tensorized form of MessageAggregatorDecoLP.aggregate_messages:
    # for each unique node id in the batch, keep only the LAST (most recent)
    # raw message and its timestamp, and overwrite that node's memory slot.
    n_slots = mem.shape[0]
    n_batch = node_ids.shape[0]
    pos = jnp.arange(n_batch, dtype=jnp.int32)
    # last occurrence position of each node id in the batch; slots with no
    # message get iinfo(int32).min from segment_max (empty-segment identity)
    last_pos = jax.ops.segment_max(pos, node_ids, num_segments=n_slots)
    has_msg = last_pos >= 0  # == to_update mask (unique ids with messages)
    safe_pos = jnp.clip(last_pos, 0, n_batch - 1)
    # gather the last message / timestamp per unique node id
    unique_node_messages = messages[safe_pos]
    unique_node_timestamps = timestamps[safe_pos]
    # scatter-overwrite into node memory (keep-last semantics, deterministic)
    new_mem = jnp.where(has_msg[:, None], unique_node_messages, mem)
    new_ts = jnp.where(has_msg, unique_node_timestamps, mem_ts)
    return new_mem, new_ts, has_msg

if __name__ == "__main__":
    import jax
    _d = setup_inputs()
    print(jax.jit(kernel)(*tuple(_d.values())))

</pallas_src>

<mosaic_0001>
#map = affine_map<(d0, d1) -> (0)>
module attributes {stable_mosaic.version = 14 : i64} {
  func.func @msg_agg_sc_table(%arg0: i32, %arg1: i32, %arg2: memref<16384xi32, #tpu.memory_space<hbm>>, %arg3: memref<16384xi32, #tpu.memory_space<hbm>>, %arg4: memref<100000xi32, #tpu.memory_space<hbm>>, %arg5: memref<16384xi32, #tpu.memory_space<vmem>>, %arg6: memref<100000xi32, #tpu.memory_space<vmem>>, %arg7: memref<512xi32, #tpu.memory_space<vmem>>, %arg8: memref<128xi32, #tpu.memory_space<vmem>>, %arg9: memref<!tpu.dma_semaphore, #tpu.memory_space<semaphore_mem>>, %arg10: memref<!tpu.dma_semaphore, #tpu.memory_space<semaphore_mem>>) attributes {dimension_semantics = [#tpu.dimension_semantics<core_parallel>, #tpu.dimension_semantics<subcore_parallel>], iteration_bounds = array<i64: 2, 16>, scalar_prefetch = 0 : i64, scratch_operands = 6 : i64, tpu.core_type = #tpu.core_type<sc_vector_subcore>, window_params = [{transform_indices = #map}, {transform_indices = #map}, {transform_indices = #map}]} {
    %mul3A = arith.constant 2 : i32
    %mul3A_0 = arith.muli %arg1, %mul3A : i32
    %add3A = arith.addi %mul3A_0, %arg0 : i32
    %mul3A_1 = arith.constant 512 : i32
    %mul3A_2 = arith.muli %add3A, %mul3A_1 : i32
    %iota3A = tpu.iota {dimensions = array<i32: 0>} : vector<16xi32>
    %ge3A = arith.constant 0 : i32
    %ge3A_3 = vector.broadcast %ge3A : i32 to vector<16xi32>
    %ge3A_4 = arith.cmpi sge, %iota3A, %ge3A_3 : vector<16xi32>
    tpu.enqueue_dma source(%arg2 : memref<16384xi32, #tpu.memory_space<hbm>>) target(%arg5 : memref<16384xi32, #tpu.memory_space<vmem>>) target_semaphore(%arg9 : memref<!tpu.dma_semaphore, #tpu.memory_space<semaphore_mem>>)
    %broadcast_in_dim3A = arith.constant -1 : i32
    %broadcast_in_dim3A_5 = vector.broadcast %broadcast_in_dim3A : i32 to vector<16xi32>
    %swap3A = arith.constant 0 : index
    %swap3A_6 = tpu.vector_load %arg8[%swap3A] {strides = array<i32>} : memref<128xi32, #tpu.memory_space<vmem>>, vector<16xi32>,
    tpu.vector_store %arg8[%swap3A], %broadcast_in_dim3A_5 {strides = array<i32>} : memref<128xi32, #tpu.memory_space<vmem>>, vector<16xi32>,
    %broadcast_in_dim3A_7 = arith.constant -1 : i32
    %broadcast_in_dim3A_8 = vector.broadcast %broadcast_in_dim3A_7 : i32 to vector<16xi32>
    %swap3A_9 = arith.constant 16 : index
    %swap3A_10 = tpu.vector_load %arg8[%swap3A_9] {strides = array<i32>} : memref<128xi32, #tpu.memory_space<vmem>>, vector<16xi32>,
    tpu.vector_store %arg8[%swap3A_9], %broadcast_in_dim3A_8 {strides = array<i32>} : memref<128xi32, #tpu.memory_space<vmem>>, vector<16xi32>,
    %broadcast_in_dim3A_11 = arith.constant -1 : i32
    %broadcast_in_dim3A_12 = vector.broadcast %broadcast_in_dim3A_11 : i32 to vector<16xi32>
    %swap3A_13 = arith.constant 32 : index
    %swap3A_14 = tpu.vector_load %arg8[%swap3A_13] {strides = array<i32>} : memref<128xi32, #tpu.memory_space<vmem>>, vector<16xi32>,
    tpu.vector_store %arg8[%swap3A_13], %broadcast_in_dim3A_12 {strides = array<i32>} : memref<128xi32, #tpu.memory_space<vmem>>, vector<16xi32>,
    %broadcast_in_dim3A_15 = arith.constant -1 : i32
    %broadcast_in_dim3A_16 = vector.broadcast %broadcast_in_dim3A_15 : i32 to vector<16xi32>
    %swap3A_17 = arith.constant 48 : index
    %swap3A_18 = tpu.vector_load %arg8[%swap3A_17] {strides = array<i32>} : memref<128xi32, #tpu.memory_space<vmem>>, vector<16xi32>,
    tpu.vector_store %arg8[%swap3A_17], %broadcast_in_dim3A_16 {strides = array<i32>} : memref<128xi32, #tpu.memory_space<vmem>>, vector<16xi32>,
    %broadcast_in_dim3A_19 = arith.constant -1 : i32
    %broadcast_in_dim3A_20 = vector.broadcast %broadcast_in_dim3A_19 : i32 to vector<16xi32>
    %swap3A_21 = arith.constant 64 : index
    %swap3A_22 = tpu.vector_load %arg8[%swap3A_21] {strides = array<i32>} : memref<128xi32, #tpu.memory_space<vmem>>, vector<16xi32>,
    tpu.vector_store %arg8[%swap3A_21], %broadcast_in_dim3A_20 {strides = array<i32>} : memref<128xi32, #tpu.memory_space<vmem>>, vector<16xi32>,
    %broadcast_in_dim3A_23 = arith.constant -1 : i32
    %broadcast_in_dim3A_24 = vector.broadcast %broadcast_in_dim3A_23 : i32 to vector<16xi32>
    %swap3A_25 = arith.constant 80 : index
    %swap3A_26 = tpu.vector_load %arg8[%swap3A_25] {strides = array<i32>} : memref<128xi32, #tpu.memory_space<vmem>>, vector<16xi32>,
    tpu.vector_store %arg8[%swap3A_25], %broadcast_in_dim3A_24 {strides = array<i32>} : memref<128xi32, #tpu.memory_space<vmem>>, vector<16xi32>,
    %broadcast_in_dim3A_27 = arith.constant -1 : i32
    %broadcast_in_dim3A_28 = vector.broadcast %broadcast_in_dim3A_27 : i32 to vector<16xi32>
    %swap3A_29 = arith.constant 96 : index
    %swap3A_30 = tpu.vector_load %arg8[%swap3A_29] {strides = array<i32>} : memref<128xi32, #tpu.memory_space<vmem>>, vector<16xi32>,
    tpu.vector_store %arg8[%swap3A_29], %broadcast_in_dim3A_28 {strides = array<i32>} : memref<128xi32, #tpu.memory_space<vmem>>, vector<16xi32>,
    %broadcast_in_dim3A_31 = arith.constant -1 : i32
    %broadcast_in_dim3A_32 = vector.broadcast %broadcast_in_dim3A_31 : i32 to vector<16xi32>
    %swap3A_33 = arith.constant 112 : index
    %swap3A_34 = tpu.vector_load %arg8[%swap3A_33] {strides = array<i32>} : memref<128xi32, #tpu.memory_space<vmem>>, vector<16xi32>,
    tpu.vector_store %arg8[%swap3A_33], %broadcast_in_dim3A_32 {strides = array<i32>} : memref<128xi32, #tpu.memory_space<vmem>>, vector<16xi32>,
    %mul3A_35 = arith.constant 4000 : i32
    %mul3A_36 = arith.muli %add3A, %mul3A_35 : i32
    %lt3A = arith.constant 25 : i32
    %lt3A_37 = arith.cmpi slt, %add3A, %lt3A : i32
    %convert_element_type3A = arith.extui %lt3A_37 : i1 to i32
    %cond3A = arith.constant 0 : i32
    %cond3A_38 = arith.cmpi ne, %convert_element_type3A, %cond3A : i32
    scf.if %cond3A_38 {
      %scan3A_273 = arith.constant 0 : i32
      %scan3A_274 = arith.constant 0 : i32
      %scan3A_275 = arith.constant 250 : i32
      %scan3A_276 = arith.addi %scan3A_274, %scan3A_275 : i32
      %scan3A_277 = arith.constant 1 : i32
      scf.for %scan3A_279 = %scan3A_274 to %scan3A_276 step %scan3A_277  : i32 {
        %get3A_280 = arith.constant 0 : index
        %get3A_281 = tpu.vector_load %arg8[%get3A_280] {strides = array<i32>} : memref<128xi32, #tpu.memory_space<vmem>>, vector<16xi32>,
        %mul3A_282 = arith.constant 16 : i32
        %mul3A_283 = arith.muli %scan3A_279, %mul3A_282 : i32
        %add3A_284 = arith.addi %mul3A_36, %mul3A_283 : i32
        %swap3A_285 = arith.index_cast %add3A_284 : i32 to index
        %swap3A_286 = tpu.vector_load %arg6[%swap3A_285] {strides = array<i32>} : memref<100000xi32, #tpu.memory_space<vmem>>, vector<16xi32>,
        tpu.vector_store %arg6[%swap3A_285], %get3A_281 {strides = array<i32>} : memref<100000xi32, #tpu.memory_space<vmem>>, vector<16xi32>,
      }
      %scan3A_278 = arith.constant 250 : i32
    } else {
    }
    tpu.wait_dma2 semaphore(%arg9 : memref<!tpu.dma_semaphore, #tpu.memory_space<semaphore_mem>>) src(%arg2 : memref<16384xi32, #tpu.memory_space<hbm>>) dst(%arg5 : memref<16384xi32, #tpu.memory_space<vmem>>)
    %scan3A = arith.constant 0 : i32
    %scan3A_39 = arith.constant 0 : i32
    %scan3A_40 = arith.constant 128 : i32
    %scan3A_41 = arith.addi %scan3A_39, %scan3A_40 : i32
    %scan3A_42 = arith.constant 1 : i32
    scf.for %scan3A_273 = %scan3A_39 to %scan3A_41 step %scan3A_42  : i32 {
      %mul3A_274 = arith.constant 8 : i32
      %mul3A_275 = arith.muli %scan3A_273, %mul3A_274 : i32
      %add3A_276 = arith.constant 0 : i32
      %add3A_277 = arith.addi %mul3A_275, %add3A_276 : i32
      %mul3A_278 = arith.constant 16 : i32
      %mul3A_279 = arith.muli %add3A_277, %mul3A_278 : i32
      %get3A_280 = arith.index_cast %mul3A_279 : i32 to index
      %get3A_281 = tpu.vector_load %arg5[%get3A_280] {strides = array<i32>} : memref<16384xi32, #tpu.memory_space<vmem>>, vector<16xi32>,
      %mul3A_282 = arith.constant 8 : i32
      %mul3A_283 = arith.muli %scan3A_273, %mul3A_282 : i32
      %add3A_284 = arith.constant 1 : i32
      %add3A_285 = arith.addi %mul3A_283, %add3A_284 : i32
      %mul3A_286 = arith.constant 16 : i32
      %mul3A_287 = arith.muli %add3A_285, %mul3A_286 : i32
      %get3A_288 = arith.index_cast %mul3A_287 : i32 to index
      %get3A_289 = tpu.vector_load %arg5[%get3A_288] {strides = array<i32>} : memref<16384xi32, #tpu.memory_space<vmem>>, vector<16xi32>,
      %mul3A_290 = arith.constant 8 : i32
      %mul3A_291 = arith.muli %scan3A_273, %mul3A_290 : i32
      %add3A_292 = arith.constant 2 : i32
      %add3A_293 = arith.addi %mul3A_291, %add3A_292 : i32
      %mul3A_294 = arith.constant 16 : i32
      %mul3A_295 = arith.muli %add3A_293, %mul3A_294 : i32
      %get3A_296 = arith.index_cast %mul3A_295 : i32 to index
      %get3A_297 = tpu.vector_load %arg5[%get3A_296] {strides = array<i32>} : memref<16384xi32, #tpu.memory_space<vmem>>, vector<16xi32>,
      %mul3A_298 = arith.constant 8 : i32
      %mul3A_299 = arith.muli %scan3A_273, %mul3A_298 : i32
      %add3A_300 = arith.constant 3 : i32
      %add3A_301 = arith.addi %mul3A_299, %add3A_300 : i32
      %mul3A_302 = arith.constant 16 : i32
      %mul3A_303 = arith.muli %add3A_301, %mul3A_302 : i32
      %get3A_304 = arith.index_cast %mul3A_303 : i32 to index
      %get3A_305 = tpu.vector_load %arg5[%get3A_304] {strides = array<i32>} : memref<16384xi32, #tpu.memory_space<vmem>>, vector<16xi32>,
      %mul3A_306 = arith.constant 8 : i32
      %mul3A_307 = arith.muli %scan3A_273, %mul3A_306 : i32
      %add3A_308 = arith.constant 4 : i32
      %add3A_309 = arith.addi %mul3A_307, %add3A_308 : i32
      %mul3A_310 = arith.constant 16 : i32
      %mul3A_311 = arith.muli %add3A_309, %mul3A_310 : i32
      %get3A_312 = arith.index_cast %mul3A_311 : i32 to index
      %get3A_313 = tpu.vector_load %arg5[%get3A_312] {strides = array<i32>} : memref<16384xi32, #tpu.memory_space<vmem>>, vector<16xi32>,
      %mul3A_314 = arith.constant 8 : i32
      %mul3A_315 = arith.muli %scan3A_273, %mul3A_314 : i32
      %add3A_316 = arith.constant 5 : i32
      %add3A_317 = arith.addi %mul3A_315, %add3A_316 : i32
      %mul3A_318 = arith.constant 16 : i32
      %mul3A_319 = arith.muli %add3A_317, %mul3A_318 : i32
      %get3A_320 = arith.index_cast %mul3A_319 : i32 to index
      %get3A_321 = tpu.vector_load %arg5[%get3A_320] {strides = array<i32>} : memref<16384xi32, #tpu.memory_space<vmem>>, vector<16xi32>,
      %mul3A_322 = arith.constant 8 : i32
      %mul3A_323 = arith.muli %scan3A_273, %mul3A_322 : i32
      %add3A_324 = arith.constant 6 : i32
      %add3A_325 = arith.addi %mul3A_323, %add3A_324 : i32
      %mul3A_326 = arith.constant 16 : i32
      %mul3A_327 = arith.muli %add3A_325, %mul3A_326 : i32
      %get3A_328 = arith.index_cast %mul3A_327 : i32 to index
      %get3A_329 = tpu.vector_load %arg5[%get3A_328] {strides = array<i32>} : memref<16384xi32, #tpu.memory_space<vmem>>, vector<16xi32>,
      %mul3A_330 = arith.constant 8 : i32
      %mul3A_331 = arith.muli %scan3A_273, %mul3A_330 : i32
      %add3A_332 = arith.constant 7 : i32
      %add3A_333 = arith.addi %mul3A_331, %add3A_332 : i32
      %mul3A_334 = arith.constant 16 : i32
      %mul3A_335 = arith.muli %add3A_333, %mul3A_334 : i32
      %get3A_336 = arith.index_cast %mul3A_335 : i32 to index
      %get3A_337 = tpu.vector_load %arg5[%get3A_336] {strides = array<i32>} : memref<16384xi32, #tpu.memory_space<vmem>>, vector<16xi32>,
      %broadcast_in_dim3A_338 = arith.constant true
      %broadcast_in_dim3A_339 = vector.broadcast %broadcast_in_dim3A_338 : i1 to vector<16xi1>
      %unique3A, %unique3A_340 = tpu.scan_count mask(%broadcast_in_dim3A_339 : vector<16xi1>) value(%get3A_281 : vector<16xi32>) : vector<16xi1>, vector<16xi32>
      %broadcast_in_dim3A_341 = arith.constant true
      %broadcast_in_dim3A_342 = vector.broadcast %broadcast_in_dim3A_341 : i1 to vector<16xi1>
      %unique3A_343, %unique3A_344 = tpu.scan_count mask(%broadcast_in_dim3A_342 : vector<16xi1>) value(%get3A_289 : vector<16xi32>) : vector<16xi1>, vector<16xi32>
      %broadcast_in_dim3A_345 = arith.constant true
      %broadcast_in_dim3A_346 = vector.broadcast %broadcast_in_dim3A_345 : i1 to vector<16xi1>
      %unique3A_347, %unique3A_348 = tpu.scan_count mask(%broadcast_in_dim3A_346 : vector<16xi1>) value(%get3A_297 : vector<16xi32>) : vector<16xi1>, vector<16xi32>
      %broadcast_in_dim3A_349 = arith.constant true
      %broadcast_in_dim3A_350 = vector.broadcast %broadcast_in_dim3A_349 : i1 to vector<16xi1>
      %unique3A_351, %unique3A_352 = tpu.scan_count mask(%broadcast_in_dim3A_350 : vector<16xi1>) value(%get3A_305 : vector<16xi32>) : vector<16xi1>, vector<16xi32>
      %broadcast_in_dim3A_353 = arith.constant true
      %broadcast_in_dim3A_354 = vector.broadcast %broadcast_in_dim3A_353 : i1 to vector<16xi1>
      %unique3A_355, %unique3A_356 = tpu.scan_count mask(%broadcast_in_dim3A_354 : vector<16xi1>) value(%get3A_313 : vector<16xi32>) : vector<16xi1>, vector<16xi32>
      %broadcast_in_dim3A_357 = arith.constant true
      %broadcast_in_dim3A_358 = vector.broadcast %broadcast_in_dim3A_357 : i1 to vector<16xi1>
      %unique3A_359, %unique3A_360 = tpu.scan_count mask(%broadcast_in_dim3A_358 : vector<16xi1>) value(%get3A_321 : vector<16xi32>) : vector<16xi1>, vector<16xi32>
      %broadcast_in_dim3A_361 = arith.constant true
      %broadcast_in_dim3A_362 = vector.broadcast %broadcast_in_dim3A_361 : i1 to vector<16xi1>
      %unique3A_363, %unique3A_364 = tpu.scan_count mask(%broadcast_in_dim3A_362 : vector<16xi1>) value(%get3A_329 : vector<16xi32>) : vector<16xi1>, vector<16xi32>
      %broadcast_in_dim3A_365 = arith.constant true
      %broadcast_in_dim3A_366 = vector.broadcast %broadcast_in_dim3A_365 : i1 to vector<16xi1>
      %unique3A_367, %unique3A_368 = tpu.scan_count mask(%broadcast_in_dim3A_366 : vector<16xi1>) value(%get3A_337 : vector<16xi32>) : vector<16xi1>, vector<16xi32>
      %mul3A_369 = arith.constant 8 : i32
      %mul3A_370 = arith.muli %scan3A_273, %mul3A_369 : i32
      %add3A_371 = arith.constant 0 : i32
      %add3A_372 = arith.addi %mul3A_370, %add3A_371 : i32
      %mul3A_373 = arith.constant 16 : i32
      %mul3A_374 = arith.muli %add3A_372, %mul3A_373 : i32
      %add3A_375 = vector.broadcast %mul3A_374 : i32 to vector<16xi32>
      %add3A_376 = arith.addi %add3A_375, %iota3A : vector<16xi32>
      tpu.vector_store_idx %arg6[%get3A_281], %add3A_376 masked %unique3A : memref<100000xi32, #tpu.memory_space<vmem>>[vector<16xi32>], vector<16xi32>, vector<16xi1>
      %mul3A_377 = arith.constant 8 : i32
      %mul3A_378 = arith.muli %scan3A_273, %mul3A_377 : i32
      %add3A_379 = arith.constant 1 : i32
      %add3A_380 = arith.addi %mul3A_378, %add3A_379 : i32
      %mul3A_381 = arith.constant 16 : i32
      %mul3A_382 = arith.muli %add3A_380, %mul3A_381 : i32
      %add3A_383 = vector.broadcast %mul3A_382 : i32 to vector<16xi32>
      %add3A_384 = arith.addi %add3A_383, %iota3A : vector<16xi32>
      tpu.vector_store_idx %arg6[%get3A_289], %add3A_384 masked %unique3A_343 : memref<100000xi32, #tpu.memory_space<vmem>>[vector<16xi32>], vector<16xi32>, vector<16xi1>
      %mul3A_385 = arith.constant 8 : i32
      %mul3A_386 = arith.muli %scan3A_273, %mul3A_385 : i32
      %add3A_387 = arith.constant 2 : i32
      %add3A_388 = arith.addi %mul3A_386, %add3A_387 : i32
      %mul3A_389 = arith.constant 16 : i32
      %mul3A_390 = arith.muli %add3A_388, %mul3A_389 : i32
      %add3A_391 = vector.broadcast %mul3A_390 : i32 to vector<16xi32>
      %add3A_392 = arith.addi %add3A_391, %iota3A : vector<16xi32>
      tpu.vector_store_idx %arg6[%get3A_297], %add3A_392 masked %unique3A_347 : memref<100000xi32, #tpu.memory_space<vmem>>[vector<16xi32>], vector<16xi32>, vector<16xi1>
      %mul3A_393 = arith.constant 8 : i32
      %mul3A_394 = arith.muli %scan3A_273, %mul3A_393 : i32
      %add3A_395 = arith.constant 3 : i32
      %add3A_396 = arith.addi %mul3A_394, %add3A_395 : i32
      %mul3A_397 = arith.constant 16 : i32
      %mul3A_398 = arith.muli %add3A_396, %mul3A_397 : i32
      %add3A_399 = vector.broadcast %mul3A_398 : i32 to vector<16xi32>
      %add3A_400 = arith.addi %add3A_399, %iota3A : vector<16xi32>
      tpu.vector_store_idx %arg6[%get3A_305], %add3A_400 masked %unique3A_351 : memref<100000xi32, #tpu.memory_space<vmem>>[vector<16xi32>], vector<16xi32>, vector<16xi1>
      %mul3A_401 = arith.constant 8 : i32
      %mul3A_402 = arith.muli %scan3A_273, %mul3A_401 : i32
      %add3A_403 = arith.constant 4 : i32
      %add3A_404 = arith.addi %mul3A_402, %add3A_403 : i32
      %mul3A_405 = arith.constant 16 : i32
      %mul3A_406 = arith.muli %add3A_404, %mul3A_405 : i32
      %add3A_407 = vector.broadcast %mul3A_406 : i32 to vector<16xi32>
      %add3A_408 = arith.addi %add3A_407, %iota3A : vector<16xi32>
      tpu.vector_store_idx %arg6[%get3A_313], %add3A_408 masked %unique3A_355 : memref<100000xi32, #tpu.memory_space<vmem>>[vector<16xi32>], vector<16xi32>, vector<16xi1>
      %mul3A_409 = arith.constant 8 : i32
      %mul3A_410 = arith.muli %scan3A_273, %mul3A_409 : i32
      %add3A_411 = arith.constant 5 : i32
      %add3A_412 = arith.addi %mul3A_410, %add3A_411 : i32
      %mul3A_413 = arith.constant 16 : i32
      %mul3A_414 = arith.muli %add3A_412, %mul3A_413 : i32
      %add3A_415 = vector.broadcast %mul3A_414 : i32 to vector<16xi32>
      %add3A_416 = arith.addi %add3A_415, %iota3A : vector<16xi32>
      tpu.vector_store_idx %arg6[%get3A_321], %add3A_416 masked %unique3A_359 : memref<100000xi32, #tpu.memory_space<vmem>>[vector<16xi32>], vector<16xi32>, vector<16xi1>
      %mul3A_417 = arith.constant 8 : i32
      %mul3A_418 = arith.muli %scan3A_273, %mul3A_417 : i32
      %add3A_419 = arith.constant 6 : i32
      %add3A_420 = arith.addi %mul3A_418, %add3A_419 : i32
      %mul3A_421 = arith.constant 16 : i32
      %mul3A_422 = arith.muli %add3A_420, %mul3A_421 : i32
      %add3A_423 = vector.broadcast %mul3A_422 : i32 to vector<16xi32>
      %add3A_424 = arith.addi %add3A_423, %iota3A : vector<16xi32>
      tpu.vector_store_idx %arg6[%get3A_329], %add3A_424 masked %unique3A_363 : memref<100000xi32, #tpu.memory_space<vmem>>[vector<16xi32>], vector<16xi32>, vector<16xi1>
      %mul3A_425 = arith.constant 8 : i32
      %mul3A_426 = arith.muli %scan3A_273, %mul3A_425 : i32
      %add3A_427 = arith.constant 7 : i32
      %add3A_428 = arith.addi %mul3A_426, %add3A_427 : i32
      %mul3A_429 = arith.constant 16 : i32
      %mul3A_430 = arith.muli %add3A_428, %mul3A_429 : i32
      %add3A_431 = vector.broadcast %mul3A_430 : i32 to vector<16xi32>
      %add3A_432 = arith.addi %add3A_431, %iota3A : vector<16xi32>
      tpu.vector_store_idx %arg6[%get3A_337], %add3A_432 masked %unique3A_367 : memref<100000xi32, #tpu.memory_space<vmem>>[vector<16xi32>], vector<16xi32>, vector<16xi1>
    }
    %scan3A_43 = arith.constant 128 : i32
    %add3A_44 = arith.constant 0 : i32
    %add3A_45 = arith.addi %mul3A_2, %add3A_44 : i32
    %get3A = arith.index_cast %add3A_45 : i32 to index
    %get3A_46 = tpu.vector_load %arg5[%get3A] {strides = array<i32>} : memref<16384xi32, #tpu.memory_space<vmem>>, vector<16xi32>,
    %gather3A = tpu.vector_load_idx %arg6[%get3A_46] masked %ge3A_4 : memref<100000xi32, #tpu.memory_space<vmem>>[vector<16xi32>], vector<16xi32>, vector<16xi1>
    %swap3A_47 = arith.constant 0 : index
    %swap3A_48 = tpu.vector_load %arg7[%swap3A_47] {strides = array<i32>} : memref<512xi32, #tpu.memory_space<vmem>>, vector<16xi32>,
    tpu.vector_store %arg7[%swap3A_47], %gather3A {strides = array<i32>} : memref<512xi32, #tpu.memory_space<vmem>>, vector<16xi32>,
    %add3A_49 = arith.constant 16 : i32
    %add3A_50 = arith.addi %mul3A_2, %add3A_49 : i32
    %get3A_51 = arith.index_cast %add3A_50 : i32 to index
    %get3A_52 = tpu.vector_load %arg5[%get3A_51] {strides = array<i32>} : memref<16384xi32, #tpu.memory_space<vmem>>, vector<16xi32>,
    %gather3A_53 = tpu.vector_load_idx %arg6[%get3A_52] masked %ge3A_4 : memref<100000xi32, #tpu.memory_space<vmem>>[vector<16xi32>], vector<16xi32>, vector<16xi1>
    %swap3A_54 = arith.constant 16 : index
    %swap3A_55 = tpu.vector_load %arg7[%swap3A_54] {strides = array<i32>} : memref<512xi32, #tpu.memory_space<vmem>>, vector<16xi32>,
    tpu.vector_store %arg7[%swap3A_54], %gather3A_53 {strides = array<i32>} : memref<512xi32, #tpu.memory_space<vmem>>, vector<16xi32>,
    %add3A_56 = arith.constant 32 : i32
    %add3A_57 = arith.addi %mul3A_2, %add3A_56 : i32
    %get3A_58 = arith.index_cast %add3A_57 : i32 to index
    %get3A_59 = tpu.vector_load %arg5[%get3A_58] {strides = array<i32>} : memref<16384xi32, #tpu.memory_space<vmem>>, vector<16xi32>,
    %gather3A_60 = tpu.vector_load_idx %arg6[%get3A_59] masked %ge3A_4 : memref<100000xi32, #tpu.memory_space<vmem>>[vector<16xi32>], vector<16xi32>, vector<16xi1>
    %swap3A_61 = arith.constant 32 : index
    %swap3A_62 = tpu.vector_load %arg7[%swap3A_61] {strides = array<i32>} : memref<512xi32, #tpu.memory_space<vmem>>, vector<16xi32>,
    tpu.vector_store %arg7[%swap3A_61], %gather3A_60 {strides = array<i32>} : memref<512xi32, #tpu.memory_space<vmem>>, vector<16xi32>,
    %add3A_63 = arith.constant 48 : i32
    %add3A_64 = arith.addi %mul3A_2, %add3A_63 : i32
    %get3A_65 = arith.index_cast %add3A_64 : i32 to index
    %get3A_66 = tpu.vector_load %arg5[%get3A_65] {strides = array<i32>} : memref<16384xi32, #tpu.memory_space<vmem>>, vector<16xi32>,
    %gather3A_67 = tpu.vector_load_idx %arg6[%get3A_66] masked %ge3A_4 : memref<100000xi32, #tpu.memory_space<vmem>>[vector<16xi32>], vector<16xi32>, vector<16xi1>
    %swap3A_68 = arith.constant 48 : index
    %swap3A_69 = tpu.vector_load %arg7[%swap3A_68] {strides = array<i32>} : memref<512xi32, #tpu.memory_space<vmem>>, vector<16xi32>,
    tpu.vector_store %arg7[%swap3A_68], %gather3A_67 {strides = array<i32>} : memref<512xi32, #tpu.memory_space<vmem>>, vector<16xi32>,
    %add3A_70 = arith.constant 64 : i32
    %add3A_71 = arith.addi %mul3A_2, %add3A_70 : i32
    %get3A_72 = arith.index_cast %add3A_71 : i32 to index
    %get3A_73 = tpu.vector_load %arg5[%get3A_72] {strides = array<i32>} : memref<16384xi32, #tpu.memory_space<vmem>>, vector<16xi32>,
    %gather3A_74 = tpu.vector_load_idx %arg6[%get3A_73] masked %ge3A_4 : memref<100000xi32, #tpu.memory_space<vmem>>[vector<16xi32>], vector<16xi32>, vector<16xi1>
    %swap3A_75 = arith.constant 64 : index
    %swap3A_76 = tpu.vector_load %arg7[%swap3A_75] {strides = array<i32>} : memref<512xi32, #tpu.memory_space<vmem>>, vector<16xi32>,
    tpu.vector_store %arg7[%swap3A_75], %gather3A_74 {strides = array<i32>} : memref<512xi32, #tpu.memory_space<vmem>>, vector<16xi32>,
    %add3A_77 = arith.constant 80 : i32
    %add3A_78 = arith.addi %mul3A_2, %add3A_77 : i32
    %get3A_79 = arith.index_cast %add3A_78 : i32 to index
    %get3A_80 = tpu.vector_load %arg5[%get3A_79] {strides = array<i32>} : memref<16384xi32, #tpu.memory_space<vmem>>, vector<16xi32>,
    %gather3A_81 = tpu.vector_load_idx %arg6[%get3A_80] masked %ge3A_4 : memref<100000xi32, #tpu.memory_space<vmem>>[vector<16xi32>], vector<16xi32>, vector<16xi1>
    %swap3A_82 = arith.constant 80 : index
    %swap3A_83 = tpu.vector_load %arg7[%swap3A_82] {strides = array<i32>} : memref<512xi32, #tpu.memory_space<vmem>>, vector<16xi32>,
    tpu.vector_store %arg7[%swap3A_82], %gather3A_81 {strides = array<i32>} : memref<512xi32, #tpu.memory_space<vmem>>, vector<16xi32>,
    %add3A_84 = arith.constant 96 : i32
    %add3A_85 = arith.addi %mul3A_2, %add3A_84 : i32
    %get3A_86 = arith.index_cast %add3A_85 : i32 to index
    %get3A_87 = tpu.vector_load %arg5[%get3A_86] {strides = array<i32>} : memref<16384xi32, #tpu.memory_space<vmem>>, vector<16xi32>,
    %gather3A_88 = tpu.vector_load_idx %arg6[%get3A_87] masked %ge3A_4 : memref<100000xi32, #tpu.memory_space<vmem>>[vector<16xi32>], vector<16xi32>, vector<16xi1>
    %swap3A_89 = arith.constant 96 : index
    %swap3A_90 = tpu.vector_load %arg7[%swap3A_89] {strides = array<i32>} : memref<512xi32, #tpu.memory_space<vmem>>, vector<16xi32>,
    tpu.vector_store %arg7[%swap3A_89], %gather3A_88 {strides = array<i32>} : memref<512xi32, #tpu.memory_space<vmem>>, vector<16xi32>,
    %add3A_91 = arith.constant 112 : i32
    %add3A_92 = arith.addi %mul3A_2, %add3A_91 : i32
    %get3A_93 = arith.index_cast %add3A_92 : i32 to index
    %get3A_94 = tpu.vector_load %arg5[%get3A_93] {strides = array<i32>} : memref<16384xi32, #tpu.memory_space<vmem>>, vector<16xi32>,
    %gather3A_95 = tpu.vector_load_idx %arg6[%get3A_94] masked %ge3A_4 : memref<100000xi32, #tpu.memory_space<vmem>>[vector<16xi32>], vector<16xi32>, vector<16xi1>
    %swap3A_96 = arith.constant 112 : index
    %swap3A_97 = tpu.vector_load %arg7[%swap3A_96] {strides = array<i32>} : memref<512xi32, #tpu.memory_space<vmem>>, vector<16xi32>,
    tpu.vector_store %arg7[%swap3A_96], %gather3A_95 {strides = array<i32>} : memref<512xi32, #tpu.memory_space<vmem>>, vector<16xi32>,
    %add3A_98 = arith.constant 128 : i32
    %add3A_99 = arith.addi %mul3A_2, %add3A_98 : i32
    %get3A_100 = arith.index_cast %add3A_99 : i32 to index
    %get3A_101 = tpu.vector_load %arg5[%get3A_100] {strides = array<i32>} : memref<16384xi32, #tpu.memory_space<vmem>>, vector<16xi32>,
    %gather3A_102 = tpu.vector_load_idx %arg6[%get3A_101] masked %ge3A_4 : memref<100000xi32, #tpu.memory_space<vmem>>[vector<16xi32>], vector<16xi32>, vector<16xi1>
    %swap3A_103 = arith.constant 128 : index
    %swap3A_104 = tpu.vector_load %arg7[%swap3A_103] {strides = array<i32>} : memref<512xi32, #tpu.memory_space<vmem>>, vector<16xi32>,
    tpu.vector_store %arg7[%swap3A_103], %gather3A_102 {strides = array<i32>} : memref<512xi32, #tpu.memory_space<vmem>>, vector<16xi32>,
    %add3A_105 = arith.constant 144 : i32
    %add3A_106 = arith.addi %mul3A_2, %add3A_105 : i32
    %get3A_107 = arith.index_cast %add3A_106 : i32 to index
    %get3A_108 = tpu.vector_load %arg5[%get3A_107] {strides = array<i32>} : memref<16384xi32, #tpu.memory_space<vmem>>, vector<16xi32>,
    %gather3A_109 = tpu.vector_load_idx %arg6[%get3A_108] masked %ge3A_4 : memref<100000xi32, #tpu.memory_space<vmem>>[vector<16xi32>], vector<16xi32>, vector<16xi1>
    %swap3A_110 = arith.constant 144 : index
    %swap3A_111 = tpu.vector_load %arg7[%swap3A_110] {strides = array<i32>} : memref<512xi32, #tpu.memory_space<vmem>>, vector<16xi32>,
    tpu.vector_store %arg7[%swap3A_110], %gather3A_109 {strides = array<i32>} : memref<512xi32, #tpu.memory_space<vmem>>, vector<16xi32>,
    %add3A_112 = arith.constant 160 : i32
    %add3A_113 = arith.addi %mul3A_2, %add3A_112 : i32
    %get3A_114 = arith.index_cast %add3A_113 : i32 to index
    %get3A_115 = tpu.vector_load %arg5[%get3A_114] {strides = array<i32>} : memref<16384xi32, #tpu.memory_space<vmem>>, vector<16xi32>,
    %gather3A_116 = tpu.vector_load_idx %arg6[%get3A_115] masked %ge3A_4 : memref<100000xi32, #tpu.memory_space<vmem>>[vector<16xi32>], vector<16xi32>, vector<16xi1>
    %swap3A_117 = arith.constant 160 : index
    %swap3A_118 = tpu.vector_load %arg7[%swap3A_117] {strides = array<i32>} : memref<512xi32, #tpu.memory_space<vmem>>, vector<16xi32>,
    tpu.vector_store %arg7[%swap3A_117], %gather3A_116 {strides = array<i32>} : memref<512xi32, #tpu.memory_space<vmem>>, vector<16xi32>,
    %add3A_119 = arith.constant 176 : i32
    %add3A_120 = arith.addi %mul3A_2, %add3A_119 : i32
    %get3A_121 = arith.index_cast %add3A_120 : i32 to index
    %get3A_122 = tpu.vector_load %arg5[%get3A_121] {strides = array<i32>} : memref<16384xi32, #tpu.memory_space<vmem>>, vector<16xi32>,
    %gather3A_123 = tpu.vector_load_idx %arg6[%get3A_122] masked %ge3A_4 : memref<100000xi32, #tpu.memory_space<vmem>>[vector<16xi32>], vector<16xi32>, vector<16xi1>
    %swap3A_124 = arith.constant 176 : index
    %swap3A_125 = tpu.vector_load %arg7[%swap3A_124] {strides = array<i32>} : memref<512xi32, #tpu.memory_space<vmem>>, vector<16xi32>,
    tpu.vector_store %arg7[%swap3A_124], %gather3A_123 {strides = array<i32>} : memref<512xi32, #tpu.memory_space<vmem>>, vector<16xi32>,
    %add3A_126 = arith.constant 192 : i32
    %add3A_127 = arith.addi %mul3A_2, %add3A_126 : i32
    %get3A_128 = arith.index_cast %add3A_127 : i32 to index
    %get3A_129 = tpu.vector_load %arg5[%get3A_128] {strides = array<i32>} : memref<16384xi32, #tpu.memory_space<vmem>>, vector<16xi32>,
    %gather3A_130 = tpu.vector_load_idx %arg6[%get3A_129] masked %ge3A_4 : memref<100000xi32, #tpu.memory_space<vmem>>[vector<16xi32>], vector<16xi32>, vector<16xi1>
    %swap3A_131 = arith.constant 192 : index
    %swap3A_132 = tpu.vector_load %arg7[%swap3A_131] {strides = array<i32>} : memref<512xi32, #tpu.memory_space<vmem>>, vector<16xi32>,
    tpu.vector_store %arg7[%swap3A_131], %gather3A_130 {strides = array<i32>} : memref<512xi32, #tpu.memory_space<vmem>>, vector<16xi32>,
    %add3A_133 = arith.constant 208 : i32
    %add3A_134 = arith.addi %mul3A_2, %add3A_133 : i32
    %get3A_135 = arith.index_cast %add3A_134 : i32 to index
    %get3A_136 = tpu.vector_load %arg5[%get3A_135] {strides = array<i32>} : memref<16384xi32, #tpu.memory_space<vmem>>, vector<16xi32>,
    %gather3A_137 = tpu.vector_load_idx %arg6[%get3A_136] masked %ge3A_4 : memref<100000xi32, #tpu.memory_space<vmem>>[vector<16xi32>], vector<16xi32>, vector<16xi1>
    %swap3A_138 = arith.constant 208 : index
    %swap3A_139 = tpu.vector_load %arg7[%swap3A_138] {strides = array<i32>} : memref<512xi32, #tpu.memory_space<vmem>>, vector<16xi32>,
    tpu.vector_store %arg7[%swap3A_138], %gather3A_137 {strides = array<i32>} : memref<512xi32, #tpu.memory_space<vmem>>, vector<16xi32>,
    %add3A_140 = arith.constant 224 : i32
    %add3A_141 = arith.addi %mul3A_2, %add3A_140 : i32
    %get3A_142 = arith.index_cast %add3A_141 : i32 to index
    %get3A_143 = tpu.vector_load %arg5[%get3A_142] {strides = array<i32>} : memref<16384xi32, #tpu.memory_space<vmem>>, vector<16xi32>,
    %gather3A_144 = tpu.vector_load_idx %arg6[%get3A_143] masked %ge3A_4 : memref<100000xi32, #tpu.memory_space<vmem>>[vector<16xi32>], vector<16xi32>, vector<16xi1>
    %swap3A_145 = arith.constant 224 : index
    %swap3A_146 = tpu.vector_load %arg7[%swap3A_145] {strides = array<i32>} : memref<512xi32, #tpu.memory_space<vmem>>, vector<16xi32>,
    tpu.vector_store %arg7[%swap3A_145], %gather3A_144 {strides = array<i32>} : memref<512xi32, #tpu.memory_space<vmem>>, vector<16xi32>,
    %add3A_147 = arith.constant 240 : i32
    %add3A_148 = arith.addi %mul3A_2, %add3A_147 : i32
    %get3A_149 = arith.index_cast %add3A_148 : i32 to index
    %get3A_150 = tpu.vector_load %arg5[%get3A_149] {strides = array<i32>} : memref<16384xi32, #tpu.memory_space<vmem>>, vector<16xi32>,
    %gather3A_151 = tpu.vector_load_idx %arg6[%get3A_150] masked %ge3A_4 : memref<100000xi32, #tpu.memory_space<vmem>>[vector<16xi32>], vector<16xi32>, vector<16xi1>
    %swap3A_152 = arith.constant 240 : index
    %swap3A_153 = tpu.vector_load %arg7[%swap3A_152] {strides = array<i32>} : memref<512xi32, #tpu.memory_space<vmem>>, vector<16xi32>,
    tpu.vector_store %arg7[%swap3A_152], %gather3A_151 {strides = array<i32>} : memref<512xi32, #tpu.memory_space<vmem>>, vector<16xi32>,
    %add3A_154 = arith.constant 256 : i32
    %add3A_155 = arith.addi %mul3A_2, %add3A_154 : i32
    %get3A_156 = arith.index_cast %add3A_155 : i32 to index
    %get3A_157 = tpu.vector_load %arg5[%get3A_156] {strides = array<i32>} : memref<16384xi32, #tpu.memory_space<vmem>>, vector<16xi32>,
    %gather3A_158 = tpu.vector_load_idx %arg6[%get3A_157] masked %ge3A_4 : memref<100000xi32, #tpu.memory_space<vmem>>[vector<16xi32>], vector<16xi32>, vector<16xi1>
    %swap3A_159 = arith.constant 256 : index
    %swap3A_160 = tpu.vector_load %arg7[%swap3A_159] {strides = array<i32>} : memref<512xi32, #tpu.memory_space<vmem>>, vector<16xi32>,
    tpu.vector_store %arg7[%swap3A_159], %gather3A_158 {strides = array<i32>} : memref<512xi32, #tpu.memory_space<vmem>>, vector<16xi32>,
    %add3A_161 = arith.constant 272 : i32
    %add3A_162 = arith.addi %mul3A_2, %add3A_161 : i32
    %get3A_163 = arith.index_cast %add3A_162 : i32 to index
    %get3A_164 = tpu.vector_load %arg5[%get3A_163] {strides = array<i32>} : memref<16384xi32, #tpu.memory_space<vmem>>, vector<16xi32>,
    %gather3A_165 = tpu.vector_load_idx %arg6[%get3A_164] masked %ge3A_4 : memref<100000xi32, #tpu.memory_space<vmem>>[vector<16xi32>], vector<16xi32>, vector<16xi1>
    %swap3A_166 = arith.constant 272 : index
    %swap3A_167 = tpu.vector_load %arg7[%swap3A_166] {strides = array<i32>} : memref<512xi32, #tpu.memory_space<vmem>>, vector<16xi32>,
    tpu.vector_store %arg7[%swap3A_166], %gather3A_165 {strides = array<i32>} : memref<512xi32, #tpu.memory_space<vmem>>, vector<16xi32>,
    %add3A_168 = arith.constant 288 : i32
    %add3A_169 = arith.addi %mul3A_2, %add3A_168 : i32
    %get3A_170 = arith.index_cast %add3A_169 : i32 to index
    %get3A_171 = tpu.vector_load %arg5[%get3A_170] {strides = array<i32>} : memref<16384xi32, #tpu.memory_space<vmem>>, vector<16xi32>,
    %gather3A_172 = tpu.vector_load_idx %arg6[%get3A_171] masked %ge3A_4 : memref<100000xi32, #tpu.memory_space<vmem>>[vector<16xi32>], vector<16xi32>, vector<16xi1>
    %swap3A_173 = arith.constant 288 : index
    %swap3A_174 = tpu.vector_load %arg7[%swap3A_173] {strides = array<i32>} : memref<512xi32, #tpu.memory_space<vmem>>, vector<16xi32>,
    tpu.vector_store %arg7[%swap3A_173], %gather3A_172 {strides = array<i32>} : memref<512xi32, #tpu.memory_space<vmem>>, vector<16xi32>,
    %add3A_175 = arith.constant 304 : i32
    %add3A_176 = arith.addi %mul3A_2, %add3A_175 : i32
    %get3A_177 = arith.index_cast %add3A_176 : i32 to index
    %get3A_178 = tpu.vector_load %arg5[%get3A_177] {strides = array<i32>} : memref<16384xi32, #tpu.memory_space<vmem>>, vector<16xi32>,
    %gather3A_179 = tpu.vector_load_idx %arg6[%get3A_178] masked %ge3A_4 : memref<100000xi32, #tpu.memory_space<vmem>>[vector<16xi32>], vector<16xi32>, vector<16xi1>
    %swap3A_180 = arith.constant 304 : index
    %swap3A_181 = tpu.vector_load %arg7[%swap3A_180] {strides = array<i32>} : memref<512xi32, #tpu.memory_space<vmem>>, vector<16xi32>,
    tpu.vector_store %arg7[%swap3A_180], %gather3A_179 {strides = array<i32>} : memref<512xi32, #tpu.memory_space<vmem>>, vector<16xi32>,
    %add3A_182 = arith.constant 320 : i32
    %add3A_183 = arith.addi %mul3A_2, %add3A_182 : i32
    %get3A_184 = arith.index_cast %add3A_183 : i32 to index
    %get3A_185 = tpu.vector_load %arg5[%get3A_184] {strides = array<i32>} : memref<16384xi32, #tpu.memory_space<vmem>>, vector<16xi32>,
    %gather3A_186 = tpu.vector_load_idx %arg6[%get3A_185] masked %ge3A_4 : memref<100000xi32, #tpu.memory_space<vmem>>[vector<16xi32>], vector<16xi32>, vector<16xi1>
    %swap3A_187 = arith.constant 320 : index
    %swap3A_188 = tpu.vector_load %arg7[%swap3A_187] {strides = array<i32>} : memref<512xi32, #tpu.memory_space<vmem>>, vector<16xi32>,
    tpu.vector_store %arg7[%swap3A_187], %gather3A_186 {strides = array<i32>} : memref<512xi32, #tpu.memory_space<vmem>>, vector<16xi32>,
    %add3A_189 = arith.constant 336 : i32
    %add3A_190 = arith.addi %mul3A_2, %add3A_189 : i32
    %get3A_191 = arith.index_cast %add3A_190 : i32 to index
    %get3A_192 = tpu.vector_load %arg5[%get3A_191] {strides = array<i32>} : memref<16384xi32, #tpu.memory_space<vmem>>, vector<16xi32>,
    %gather3A_193 = tpu.vector_load_idx %arg6[%get3A_192] masked %ge3A_4 : memref<100000xi32, #tpu.memory_space<vmem>>[vector<16xi32>], vector<16xi32>, vector<16xi1>
    %swap3A_194 = arith.constant 336 : index
    %swap3A_195 = tpu.vector_load %arg7[%swap3A_194] {strides = array<i32>} : memref<512xi32, #tpu.memory_space<vmem>>, vector<16xi32>,
    tpu.vector_store %arg7[%swap3A_194], %gather3A_193 {strides = array<i32>} : memref<512xi32, #tpu.memory_space<vmem>>, vector<16xi32>,
    %add3A_196 = arith.constant 352 : i32
    %add3A_197 = arith.addi %mul3A_2, %add3A_196 : i32
    %get3A_198 = arith.index_cast %add3A_197 : i32 to index
    %get3A_199 = tpu.vector_load %arg5[%get3A_198] {strides = array<i32>} : memref<16384xi32, #tpu.memory_space<vmem>>, vector<16xi32>,
    %gather3A_200 = tpu.vector_load_idx %arg6[%get3A_199] masked %ge3A_4 : memref<100000xi32, #tpu.memory_space<vmem>>[vector<16xi32>], vector<16xi32>, vector<16xi1>
    %swap3A_201 = arith.constant 352 : index
    %swap3A_202 = tpu.vector_load %arg7[%swap3A_201] {strides = array<i32>} : memref<512xi32, #tpu.memory_space<vmem>>, vector<16xi32>,
    tpu.vector_store %arg7[%swap3A_201], %gather3A_200 {strides = array<i32>} : memref<512xi32, #tpu.memory_space<vmem>>, vector<16xi32>,
    %add3A_203 = arith.constant 368 : i32
    %add3A_204 = arith.addi %mul3A_2, %add3A_203 : i32
    %get3A_205 = arith.index_cast %add3A_204 : i32 to index
    %get3A_206 = tpu.vector_load %arg5[%get3A_205] {strides = array<i32>} : memref<16384xi32, #tpu.memory_space<vmem>>, vector<16xi32>,
    %gather3A_207 = tpu.vector_load_idx %arg6[%get3A_206] masked %ge3A_4 : memref<100000xi32, #tpu.memory_space<vmem>>[vector<16xi32>], vector<16xi32>, vector<16xi1>
    %swap3A_208 = arith.constant 368 : index
    %swap3A_209 = tpu.vector_load %arg7[%swap3A_208] {strides = array<i32>} : memref<512xi32, #tpu.memory_space<vmem>>, vector<16xi32>,
    tpu.vector_store %arg7[%swap3A_208], %gather3A_207 {strides = array<i32>} : memref<512xi32, #tpu.memory_space<vmem>>, vector<16xi32>,
    %add3A_210 = arith.constant 384 : i32
    %add3A_211 = arith.addi %mul3A_2, %add3A_210 : i32
    %get3A_212 = arith.index_cast %add3A_211 : i32 to index
    %get3A_213 = tpu.vector_load %arg5[%get3A_212] {strides = array<i32>} : memref<16384xi32, #tpu.memory_space<vmem>>, vector<16xi32>,
    %gather3A_214 = tpu.vector_load_idx %arg6[%get3A_213] masked %ge3A_4 : memref<100000xi32, #tpu.memory_space<vmem>>[vector<16xi32>], vector<16xi32>, vector<16xi1>
    %swap3A_215 = arith.constant 384 : index
    %swap3A_216 = tpu.vector_load %arg7[%swap3A_215] {strides = array<i32>} : memref<512xi32, #tpu.memory_space<vmem>>, vector<16xi32>,
    tpu.vector_store %arg7[%swap3A_215], %gather3A_214 {strides = array<i32>} : memref<512xi32, #tpu.memory_space<vmem>>, vector<16xi32>,
    %add3A_217 = arith.constant 400 : i32
    %add3A_218 = arith.addi %mul3A_2, %add3A_217 : i32
    %get3A_219 = arith.index_cast %add3A_218 : i32 to index
    %get3A_220 = tpu.vector_load %arg5[%get3A_219] {strides = array<i32>} : memref<16384xi32, #tpu.memory_space<vmem>>, vector<16xi32>,
    %gather3A_221 = tpu.vector_load_idx %arg6[%get3A_220] masked %ge3A_4 : memref<100000xi32, #tpu.memory_space<vmem>>[vector<16xi32>], vector<16xi32>, vector<16xi1>
    %swap3A_222 = arith.constant 400 : index
    %swap3A_223 = tpu.vector_load %arg7[%swap3A_222] {strides = array<i32>} : memref<512xi32, #tpu.memory_space<vmem>>, vector<16xi32>,
    tpu.vector_store %arg7[%swap3A_222], %gather3A_221 {strides = array<i32>} : memref<512xi32, #tpu.memory_space<vmem>>, vector<16xi32>,
    %add3A_224 = arith.constant 416 : i32
    %add3A_225 = arith.addi %mul3A_2, %add3A_224 : i32
    %get3A_226 = arith.index_cast %add3A_225 : i32 to index
    %get3A_227 = tpu.vector_load %arg5[%get3A_226] {strides = array<i32>} : memref<16384xi32, #tpu.memory_space<vmem>>, vector<16xi32>,
    %gather3A_228 = tpu.vector_load_idx %arg6[%get3A_227] masked %ge3A_4 : memref<100000xi32, #tpu.memory_space<vmem>>[vector<16xi32>], vector<16xi32>, vector<16xi1>
    %swap3A_229 = arith.constant 416 : index
    %swap3A_230 = tpu.vector_load %arg7[%swap3A_229] {strides = array<i32>} : memref<512xi32, #tpu.memory_space<vmem>>, vector<16xi32>,
    tpu.vector_store %arg7[%swap3A_229], %gather3A_228 {strides = array<i32>} : memref<512xi32, #tpu.memory_space<vmem>>, vector<16xi32>,
    %add3A_231 = arith.constant 432 : i32
    %add3A_232 = arith.addi %mul3A_2, %add3A_231 : i32
    %get3A_233 = arith.index_cast %add3A_232 : i32 to index
    %get3A_234 = tpu.vector_load %arg5[%get3A_233] {strides = array<i32>} : memref<16384xi32, #tpu.memory_space<vmem>>, vector<16xi32>,
    %gather3A_235 = tpu.vector_load_idx %arg6[%get3A_234] masked %ge3A_4 : memref<100000xi32, #tpu.memory_space<vmem>>[vector<16xi32>], vector<16xi32>, vector<16xi1>
    %swap3A_236 = arith.constant 432 : index
    %swap3A_237 = tpu.vector_load %arg7[%swap3A_236] {strides = array<i32>} : memref<512xi32, #tpu.memory_space<vmem>>, vector<16xi32>,
    tpu.vector_store %arg7[%swap3A_236], %gather3A_235 {strides = array<i32>} : memref<512xi32, #tpu.memory_space<vmem>>, vector<16xi32>,
    %add3A_238 = arith.constant 448 : i32
    %add3A_239 = arith.addi %mul3A_2, %add3A_238 : i32
    %get3A_240 = arith.index_cast %add3A_239 : i32 to index
    %get3A_241 = tpu.vector_load %arg5[%get3A_240] {strides = array<i32>} : memref<16384xi32, #tpu.memory_space<vmem>>, vector<16xi32>,
    %gather3A_242 = tpu.vector_load_idx %arg6[%get3A_241] masked %ge3A_4 : memref<100000xi32, #tpu.memory_space<vmem>>[vector<16xi32>], vector<16xi32>, vector<16xi1>
    %swap3A_243 = arith.constant 448 : index
    %swap3A_244 = tpu.vector_load %arg7[%swap3A_243] {strides = array<i32>} : memref<512xi32, #tpu.memory_space<vmem>>, vector<16xi32>,
    tpu.vector_store %arg7[%swap3A_243], %gather3A_242 {strides = array<i32>} : memref<512xi32, #tpu.memory_space<vmem>>, vector<16xi32>,
    %add3A_245 = arith.constant 464 : i32
    %add3A_246 = arith.addi %mul3A_2, %add3A_245 : i32
    %get3A_247 = arith.index_cast %add3A_246 : i32 to index
    %get3A_248 = tpu.vector_load %arg5[%get3A_247] {strides = array<i32>} : memref<16384xi32, #tpu.memory_space<vmem>>, vector<16xi32>,
    %gather3A_249 = tpu.vector_load_idx %arg6[%get3A_248] masked %ge3A_4 : memref<100000xi32, #tpu.memory_space<vmem>>[vector<16xi32>], vector<16xi32>, vector<16xi1>
    %swap3A_250 = arith.constant 464 : index
    %swap3A_251 = tpu.vector_load %arg7[%swap3A_250] {strides = array<i32>} : memref<512xi32, #tpu.memory_space<vmem>>, vector<16xi32>,
    tpu.vector_store %arg7[%swap3A_250], %gather3A_249 {strides = array<i32>} : memref<512xi32, #tpu.memory_space<vmem>>, vector<16xi32>,
    %add3A_252 = arith.constant 480 : i32
    %add3A_253 = arith.addi %mul3A_2, %add3A_252 : i32
    %get3A_254 = arith.index_cast %add3A_253 : i32 to index
    %get3A_255 = tpu.vector_load %arg5[%get3A_254] {strides = array<i32>} : memref<16384xi32, #tpu.memory_space<vmem>>, vector<16xi32>,
    %gather3A_256 = tpu.vector_load_idx %arg6[%get3A_255] masked %ge3A_4 : memref<100000xi32, #tpu.memory_space<vmem>>[vector<16xi32>], vector<16xi32>, vector<16xi1>
    %swap3A_257 = arith.constant 480 : index
    %swap3A_258 = tpu.vector_load %arg7[%swap3A_257] {strides = array<i32>} : memref<512xi32, #tpu.memory_space<vmem>>, vector<16xi32>,
    tpu.vector_store %arg7[%swap3A_257], %gather3A_256 {strides = array<i32>} : memref<512xi32, #tpu.memory_space<vmem>>, vector<16xi32>,
    %add3A_259 = arith.constant 496 : i32
    %add3A_260 = arith.addi %mul3A_2, %add3A_259 : i32
    %get3A_261 = arith.index_cast %add3A_260 : i32 to index
    %get3A_262 = tpu.vector_load %arg5[%get3A_261] {strides = array<i32>} : memref<16384xi32, #tpu.memory_space<vmem>>, vector<16xi32>,
    %gather3A_263 = tpu.vector_load_idx %arg6[%get3A_262] masked %ge3A_4 : memref<100000xi32, #tpu.memory_space<vmem>>[vector<16xi32>], vector<16xi32>, vector<16xi1>
    %swap3A_264 = arith.constant 496 : index
    %swap3A_265 = tpu.vector_load %arg7[%swap3A_264] {strides = array<i32>} : memref<512xi32, #tpu.memory_space<vmem>>, vector<16xi32>,
    tpu.vector_store %arg7[%swap3A_264], %gather3A_263 {strides = array<i32>} : memref<512xi32, #tpu.memory_space<vmem>>, vector<16xi32>,
    %dma_start3A = tpu.memref_slice %arg3[%mul3A_2] : memref<16384xi32, #tpu.memory_space<hbm>> -> memref<512xi32, #tpu.memory_space<hbm>>
    %dma_start3A_266 = tpu.memref_slice %arg3[%mul3A_2] : memref<16384xi32, #tpu.memory_space<hbm>> -> memref<512xi32, #tpu.memory_space<hbm>>
    tpu.enqueue_dma source(%arg7 : memref<512xi32, #tpu.memory_space<vmem>>) target(%dma_start3A_266 : memref<512xi32, #tpu.memory_space<hbm>>) target_semaphore(%arg10 : memref<!tpu.dma_semaphore, #tpu.memory_space<semaphore_mem>>)
    %lt3A_267 = arith.constant 25 : i32
    %lt3A_268 = arith.cmpi slt, %add3A, %lt3A_267 : i32
    %convert_element_type3A_269 = arith.extui %lt3A_268 : i1 to i32
    %cond3A_270 = arith.constant 0 : i32
    %cond3A_271 = arith.cmpi ne, %convert_element_type3A_269, %cond3A_270 : i32
    scf.if %cond3A_271 {
      "tpu.region"() ({
        %run_scoped3A = tpu.sem_alloc : memref<!tpu.dma_semaphore, #tpu.memory_space<semaphore_mem>>
        %dma_start3A_273 = tpu.memref_slice %arg6[%mul3A_36] : memref<100000xi32, #tpu.memory_space<vmem>> -> memref<4000xi32, #tpu.memory_space<vmem>>
        %dma_start3A_274 = tpu.memref_slice %arg4[%mul3A_36] : memref<100000xi32, #tpu.memory_space<hbm>> -> memref<4000xi32, #tpu.memory_space<hbm>>
        %dma_start3A_275 = tpu.memref_slice %arg4[%mul3A_36] : memref<100000xi32, #tpu.memory_space<hbm>> -> memref<4000xi32, #tpu.memory_space<hbm>>
        %dma_start3A_276 = tpu.memref_slice %arg6[%mul3A_36] : memref<100000xi32, #tpu.memory_space<vmem>> -> memref<4000xi32, #tpu.memory_space<vmem>>
        tpu.enqueue_dma source(%dma_start3A_276 : memref<4000xi32, #tpu.memory_space<vmem>>) target(%dma_start3A_275 : memref<4000xi32, #tpu.memory_space<hbm>>) target_semaphore(%run_scoped3A : memref<!tpu.dma_semaphore, #tpu.memory_space<semaphore_mem>>)
        %dma_wait3A_277 = tpu.memref_slice %arg6[%mul3A_36] : memref<100000xi32, #tpu.memory_space<vmem>> -> memref<4000xi32, #tpu.memory_space<vmem>>
        %dma_wait3A_278 = tpu.memref_slice %arg4[%mul3A_36] : memref<100000xi32, #tpu.memory_space<hbm>> -> memref<4000xi32, #tpu.memory_space<hbm>>
        %dma_wait3A_279 = tpu.memref_slice %arg4[%mul3A_36] : memref<100000xi32, #tpu.memory_space<hbm>> -> memref<4000xi32, #tpu.memory_space<hbm>>
        %dma_wait3A_280 = tpu.memref_slice %arg6[%mul3A_36] : memref<100000xi32, #tpu.memory_space<vmem>> -> memref<4000xi32, #tpu.memory_space<vmem>>
        tpu.wait_dma2 semaphore(%run_scoped3A : memref<!tpu.dma_semaphore, #tpu.memory_space<semaphore_mem>>) src(%dma_wait3A_280 : memref<4000xi32, #tpu.memory_space<vmem>>) dst(%dma_wait3A_279 : memref<4000xi32, #tpu.memory_space<hbm>>)
        tpu.yield
      }) : () -> ()
    } else {
    }
    %dma_wait3A = tpu.memref_slice %arg3[%mul3A_2] : memref<16384xi32, #tpu.memory_space<hbm>> -> memref<512xi32, #tpu.memory_space<hbm>>
    %dma_wait3A_272 = tpu.memref_slice %arg3[%mul3A_2] : memref<16384xi32, #tpu.memory_space<hbm>> -> memref<512xi32, #tpu.memory_space<hbm>>
    tpu.wait_dma2 semaphore(%arg10 : memref<!tpu.dma_semaphore, #tpu.memory_space<semaphore_mem>>) src(%arg7 : memref<512xi32, #tpu.memory_space<vmem>>) dst(%dma_wait3A_272 : memref<512xi32, #tpu.memory_space<hbm>>)
    return
  }
}

#map = affine_map<(d0, d1) -> (0)>
#map1 = affine_map<(d0, d1) -> (0, 0)>
module attributes {stable_mosaic.version = 14 : i64} {
  func.func @new_body(%arg0: i32, %arg1: i32, %arg2: memref<16384xi32, #tpu.memory_space<hbm>>, %arg3: memref<16384xi32, #tpu.memory_space<hbm>>, %arg4: memref<16384x256xf32, #tpu.memory_space<hbm>>, %arg5: memref<16384xf32, #tpu.memory_space<hbm>>, %arg6: memref<100000xf32, #tpu.memory_space<hbm>>, %arg7: memref<100000xi32, #tpu.memory_space<hbm>>, %arg8: memref<100000x256xf32, #tpu.memory_space<hbm>>, %arg9: memref<100000xf32, #tpu.memory_space<hbm>>, %arg10: memref<100000xi32, #tpu.memory_space<hbm>>, %arg11: memref<100000x256xf32, #tpu.memory_space<hbm>>, %arg12: memref<512xi32, #tpu.memory_space<vmem>>, %arg13: memref<512xi32, #tpu.memory_space<vmem>>, %arg14: memref<8x64xi32, #tpu.memory_space<vmem>>, %arg15: memref<16384xf32, #tpu.memory_space<vmem>>, %arg16: memref<4000xi32, #tpu.memory_space<vmem>>, %arg17: memref<4000xf32, #tpu.memory_space<vmem>>, %arg18: memref<4000xi32, #tpu.memory_space<vmem>>, %arg19: memref<4000xf32, #tpu.memory_space<vmem>>, %arg20: memref<64x256xf32, #tpu.memory_space<vmem>>, %arg21: memref<64x256xf32, #tpu.memory_space<vmem>>, %arg22: memref<64x256xf32, #tpu.memory_space<vmem>>, %arg23: memref<64x256xf32, #tpu.memory_space<vmem>>, %arg24: memref<!tpu.dma_semaphore, #tpu.memory_space<semaphore_mem>>, %arg25: memref<!tpu.dma_semaphore, #tpu.memory_space<semaphore_mem>>, %arg26: memref<!tpu.dma_semaphore, #tpu.memory_space<semaphore_mem>>, %arg27: memref<!tpu.dma_semaphore, #tpu.memory_space<semaphore_mem>>, %arg28: memref<!tpu.dma_semaphore, #tpu.memory_space<semaphore_mem>>, %arg29: memref<!tpu.dma_semaphore, #tpu.memory_space<semaphore_mem>>, %arg30: memref<!tpu.dma_semaphore, #tpu.memory_space<semaphore_mem>>, %arg31: memref<!tpu.dma_semaphore, #tpu.memory_space<semaphore_mem>>, %arg32: memref<!tpu.dma_semaphore, #tpu.memory_space<semaphore_mem>>) attributes {dimension_semantics = [#tpu.dimension_semantics<core_parallel>, #tpu.dimension_semantics<subcore_parallel>], iteration_bounds = array<i64: 2, 16>, scalar_prefetch = 0 : i64, scratch_operands = 21 : i64, tpu.core_type = #tpu.core_type<sc_vector_subcore>, window_params = [{transform_indices = #map}, {transform_indices = #map}, {transform_indices = #map1}, {transform_indices = #map}, {transform_indices = #map}, {transform_indices = #map}, {transform_indices = #map1}, {transform_indices = #map}, {transform_indices = #map}, {transform_indices = #map1}]} {
    %mul3A = arith.constant 2 : i32
    %mul3A_0 = arith.muli %arg1, %mul3A : i32
    %add3A = arith.addi %mul3A_0, %arg0 : i32
    %mul3A_1 = arith.constant 512 : i32
    %mul3A_2 = arith.muli %add3A, %mul3A_1 : i32
    %iota3A = tpu.iota {dimensions = array<i32: 0>} : vector<16xi32>
    %ge3A = arith.constant 0 : i32
    %ge3A_3 = vector.broadcast %ge3A : i32 to vector<16xi32>
    %ge3A_4 = arith.cmpi sge, %iota3A, %ge3A_3 : vector<16xi32>
    %mul3A_5 = arith.constant 4000 : i32
    %mul3A_6 = arith.muli %add3A, %mul3A_5 : i32
    %lt3A = arith.constant 25 : i32
    %lt3A_7 = arith.cmpi slt, %add3A, %lt3A : i32
    %dma_start3A = tpu.memref_slice %arg2[%mul3A_2] : memref<16384xi32, #tpu.memory_space<hbm>> -> memref<512xi32, #tpu.memory_space<hbm>>
    %dma_start3A_8 = tpu.memref_slice %arg2[%mul3A_2] : memref<16384xi32, #tpu.memory_space<hbm>> -> memref<512xi32, #tpu.memory_space<hbm>>
    tpu.enqueue_dma source(%dma_start3A_8 : memref<512xi32, #tpu.memory_space<hbm>>) target(%arg12 : memref<512xi32, #tpu.memory_space<vmem>>) target_semaphore(%arg32 : memref<!tpu.dma_semaphore, #tpu.memory_space<semaphore_mem>>)
    %dma_start3A_9 = tpu.memref_slice %arg3[%mul3A_2] : memref<16384xi32, #tpu.memory_space<hbm>> -> memref<512xi32, #tpu.memory_space<hbm>>
    %dma_start3A_10 = tpu.memref_slice %arg3[%mul3A_2] : memref<16384xi32, #tpu.memory_space<hbm>> -> memref<512xi32, #tpu.memory_space<hbm>>
    tpu.enqueue_dma source(%dma_start3A_10 : memref<512xi32, #tpu.memory_space<hbm>>) target(%arg13 : memref<512xi32, #tpu.memory_space<vmem>>) target_semaphore(%arg32 : memref<!tpu.dma_semaphore, #tpu.memory_space<semaphore_mem>>)
    tpu.enqueue_dma source(%arg5 : memref<16384xf32, #tpu.memory_space<hbm>>) target(%arg15 : memref<16384xf32, #tpu.memory_space<vmem>>) target_semaphore(%arg32 : memref<!tpu.dma_semaphore, #tpu.memory_space<semaphore_mem>>)
    %dma_wait3A = tpu.memref_slice %arg2[%mul3A_2] : memref<16384xi32, #tpu.memory_space<hbm>> -> memref<512xi32, #tpu.memory_space<hbm>>
    %dma_wait3A_11 = tpu.memref_slice %arg2[%mul3A_2] : memref<16384xi32, #tpu.memory_space<hbm>> -> memref<512xi32, #tpu.memory_space<hbm>>
    tpu.wait_dma2 semaphore(%arg32 : memref<!tpu.dma_semaphore, #tpu.memory_space<semaphore_mem>>) src(%dma_wait3A_11 : memref<512xi32, #tpu.memory_space<hbm>>) dst(%arg12 : memref<512xi32, #tpu.memory_space<vmem>>)
    %dma_wait3A_12 = tpu.memref_slice %arg3[%mul3A_2] : memref<16384xi32, #tpu.memory_space<hbm>> -> memref<512xi32, #tpu.memory_space<hbm>>
    %dma_wait3A_13 = tpu.memref_slice %arg3[%mul3A_2] : memref<16384xi32, #tpu.memory_space<hbm>> -> memref<512xi32, #tpu.memory_space<hbm>>
    tpu.wait_dma2 semaphore(%arg32 : memref<!tpu.dma_semaphore, #tpu.memory_space<semaphore_mem>>) src(%dma_wait3A_13 : memref<512xi32, #tpu.memory_space<hbm>>) dst(%arg13 : memref<512xi32, #tpu.memory_space<vmem>>)
    %get3A = arith.constant 0 : index
    %get3A_14 = tpu.vector_load %arg12[%get3A] {strides = array<i32>} : memref<512xi32, #tpu.memory_space<vmem>>, vector<16xi32>,
    %swap3A = arith.constant 0 : i32
    %swap3A_15 = arith.index_cast %swap3A : i32 to index
    %swap3A_16 = arith.constant 0 : index
    %swap3A_17 = tpu.vector_load %arg14[%swap3A_15, %swap3A_16] {strides = array<i32>} : memref<8x64xi32, #tpu.memory_space<vmem>>, vector<16xi32>,
    tpu.vector_store %arg14[%swap3A_15, %swap3A_16], %get3A_14 {strides = array<i32>} : memref<8x64xi32, #tpu.memory_space<vmem>>, vector<16xi32>,
    %get3A_18 = arith.constant 16 : index
    %get3A_19 = tpu.vector_load %arg12[%get3A_18] {strides = array<i32>} : memref<512xi32, #tpu.memory_space<vmem>>, vector<16xi32>,
    %swap3A_20 = arith.constant 0 : i32
    %swap3A_21 = arith.index_cast %swap3A_20 : i32 to index
    %swap3A_22 = arith.constant 16 : index
    %swap3A_23 = tpu.vector_load %arg14[%swap3A_21, %swap3A_22] {strides = array<i32>} : memref<8x64xi32, #tpu.memory_space<vmem>>, vector<16xi32>,
    tpu.vector_store %arg14[%swap3A_21, %swap3A_22], %get3A_19 {strides = array<i32>} : memref<8x64xi32, #tpu.memory_space<vmem>>, vector<16xi32>,
    %get3A_24 = arith.constant 32 : index
    %get3A_25 = tpu.vector_load %arg12[%get3A_24] {strides = array<i32>} : memref<512xi32, #tpu.memory_space<vmem>>, vector<16xi32>,
    %swap3A_26 = arith.constant 0 : i32
    %swap3A_27 = arith.index_cast %swap3A_26 : i32 to index
    %swap3A_28 = arith.constant 32 : index
    %swap3A_29 = tpu.vector_load %arg14[%swap3A_27, %swap3A_28] {strides = array<i32>} : memref<8x64xi32, #tpu.memory_space<vmem>>, vector<16xi32>,
    tpu.vector_store %arg14[%swap3A_27, %swap3A_28], %get3A_25 {strides = array<i32>} : memref<8x64xi32, #tpu.memory_space<vmem>>, vector<16xi32>,
    %get3A_30 = arith.constant 48 : index
    %get3A_31 = tpu.vector_load %arg12[%get3A_30] {strides = array<i32>} : memref<512xi32, #tpu.memory_space<vmem>>, vector<16xi32>,
    %swap3A_32 = arith.constant 0 : i32
    %swap3A_33 = arith.index_cast %swap3A_32 : i32 to index
    %swap3A_34 = arith.constant 48 : index
    %swap3A_35 = tpu.vector_load %arg14[%swap3A_33, %swap3A_34] {strides = array<i32>} : memref<8x64xi32, #tpu.memory_space<vmem>>, vector<16xi32>,
    tpu.vector_store %arg14[%swap3A_33, %swap3A_34], %get3A_31 {strides = array<i32>} : memref<8x64xi32, #tpu.memory_space<vmem>>, vector<16xi32>,
    %get3A_36 = arith.constant 64 : index
    %get3A_37 = tpu.vector_load %arg12[%get3A_36] {strides = array<i32>} : memref<512xi32, #tpu.memory_space<vmem>>, vector<16xi32>,
    %swap3A_38 = arith.constant 1 : i32
    %swap3A_39 = arith.index_cast %swap3A_38 : i32 to index
    %swap3A_40 = arith.constant 0 : index
    %swap3A_41 = tpu.vector_load %arg14[%swap3A_39, %swap3A_40] {strides = array<i32>} : memref<8x64xi32, #tpu.memory_space<vmem>>, vector<16xi32>,
    tpu.vector_store %arg14[%swap3A_39, %swap3A_40], %get3A_37 {strides = array<i32>} : memref<8x64xi32, #tpu.memory_space<vmem>>, vector<16xi32>,
    %get3A_42 = arith.constant 80 : index
    %get3A_43 = tpu.vector_load %arg12[%get3A_42] {strides = array<i32>} : memref<512xi32, #tpu.memory_space<vmem>>, vector<16xi32>,
    %swap3A_44 = arith.constant 1 : i32
    %swap3A_45 = arith.index_cast %swap3A_44 : i32 to index
    %swap3A_46 = arith.constant 16 : index
    %swap3A_47 = tpu.vector_load %arg14[%swap3A_45, %swap3A_46] {strides = array<i32>} : memref<8x64xi32, #tpu.memory_space<vmem>>, vector<16xi32>,
    tpu.vector_store %arg14[%swap3A_45, %swap3A_46], %get3A_43 {strides = array<i32>} : memref<8x64xi32, #tpu.memory_space<vmem>>, vector<16xi32>,
    %get3A_48 = arith.constant 96 : index
    %get3A_49 = tpu.vector_load %arg12[%get3A_48] {strides = array<i32>} : memref<512xi32, #tpu.memory_space<vmem>>, vector<16xi32>,
    %swap3A_50 = arith.constant 1 : i32
    %swap3A_51 = arith.index_cast %swap3A_50 : i32 to index
    %swap3A_52 = arith.constant 32 : index
    %swap3A_53 = tpu.vector_load %arg14[%swap3A_51, %swap3A_52] {strides = array<i32>} : memref<8x64xi32, #tpu.memory_space<vmem>>, vector<16xi32>,
    tpu.vector_store %arg14[%swap3A_51, %swap3A_52], %get3A_49 {strides = array<i32>} : memref<8x64xi32, #tpu.memory_space<vmem>>, vector<16xi32>,
    %get3A_54 = arith.constant 112 : index
    %get3A_55 = tpu.vector_load %arg12[%get3A_54] {strides = array<i32>} : memref<512xi32, #tpu.memory_space<vmem>>, vector<16xi32>,
    %swap3A_56 = arith.constant 1 : i32
    %swap3A_57 = arith.index_cast %swap3A_56 : i32 to index
    %swap3A_58 = arith.constant 48 : index
    %swap3A_59 = tpu.vector_load %arg14[%swap3A_57, %swap3A_58] {strides = array<i32>} : memref<8x64xi32, #tpu.memory_space<vmem>>, vector<16xi32>,
    tpu.vector_store %arg14[%swap3A_57, %swap3A_58], %get3A_55 {strides = array<i32>} : memref<8x64xi32, #tpu.memory_space<vmem>>, vector<16xi32>,
    %get3A_60 = arith.constant 128 : index
    %get3A_61 = tpu.vector_load %arg12[%get3A_60] {strides = array<i32>} : memref<512xi32, #tpu.memory_space<vmem>>, vector<16xi32>,
    %swap3A_62 = arith.constant 2 : i32
    %swap3A_63 = arith.index_cast %swap3A_62 : i32 to index
    %swap3A_64 = arith.constant 0 : index
    %swap3A_65 = tpu.vector_load %arg14[%swap3A_63, %swap3A_64] {strides = array<i32>} : memref<8x64xi32, #tpu.memory_space<vmem>>, vector<16xi32>,
    tpu.vector_store %arg14[%swap3A_63, %swap3A_64], %get3A_61 {strides = array<i32>} : memref<8x64xi32, #tpu.memory_space<vmem>>, vector<16xi32>,
    %get3A_66 = arith.constant 144 : index
    %get3A_67 = tpu.vector_load %arg12[%get3A_66] {strides = array<i32>} : memref<512xi32, #tpu.memory_space<vmem>>, vector<16xi32>,
    %swap3A_68 = arith.constant 2 : i32
    %swap3A_69 = arith.index_cast %swap3A_68 : i32 to index
    %swap3A_70 = arith.constant 16 : index
    %swap3A_71 = tpu.vector_load %arg14[%swap3A_69, %swap3A_70] {strides = array<i32>} : memref<8x64xi32, #tpu.memory_space<vmem>>, vector<16xi32>,
    tpu.vector_store %arg14[%swap3A_69, %swap3A_70], %get3A_67 {strides = array<i32>} : memref<8x64xi32, #tpu.memory_space<vmem>>, vector<16xi32>,
    %get3A_72 = arith.constant 160 : index
    %get3A_73 = tpu.vector_load %arg12[%get3A_72] {strides = array<i32>} : memref<512xi32, #tpu.memory_space<vmem>>, vector<16xi32>,
    %swap3A_74 = arith.constant 2 : i32
    %swap3A_75 = arith.index_cast %swap3A_74 : i32 to index
    %swap3A_76 = arith.constant 32 : index
    %swap3A_77 = tpu.vector_load %arg14[%swap3A_75, %swap3A_76] {strides = array<i32>} : memref<8x64xi32, #tpu.memory_space<vmem>>, vector<16xi32>,
    tpu.vector_store %arg14[%swap3A_75, %swap3A_76], %get3A_73 {strides = array<i32>} : memref<8x64xi32, #tpu.memory_space<vmem>>, vector<16xi32>,
    %get3A_78 = arith.constant 176 : index
    %get3A_79 = tpu.vector_load %arg12[%get3A_78] {strides = array<i32>} : memref<512xi32, #tpu.memory_space<vmem>>, vector<16xi32>,
    %swap3A_80 = arith.constant 2 : i32
    %swap3A_81 = arith.index_cast %swap3A_80 : i32 to index
    %swap3A_82 = arith.constant 48 : index
    %swap3A_83 = tpu.vector_load %arg14[%swap3A_81, %swap3A_82] {strides = array<i32>} : memref<8x64xi32, #tpu.memory_space<vmem>>, vector<16xi32>,
    tpu.vector_store %arg14[%swap3A_81, %swap3A_82], %get3A_79 {strides = array<i32>} : memref<8x64xi32, #tpu.memory_space<vmem>>, vector<16xi32>,
    %get3A_84 = arith.constant 192 : index
    %get3A_85 = tpu.vector_load %arg12[%get3A_84] {strides = array<i32>} : memref<512xi32, #tpu.memory_space<vmem>>, vector<16xi32>,
    %swap3A_86 = arith.constant 3 : i32
    %swap3A_87 = arith.index_cast %swap3A_86 : i32 to index
    %swap3A_88 = arith.constant 0 : index
    %swap3A_89 = tpu.vector_load %arg14[%swap3A_87, %swap3A_88] {strides = array<i32>} : memref<8x64xi32, #tpu.memory_space<vmem>>, vector<16xi32>,
    tpu.vector_store %arg14[%swap3A_87, %swap3A_88], %get3A_85 {strides = array<i32>} : memref<8x64xi32, #tpu.memory_space<vmem>>, vector<16xi32>,
    %get3A_90 = arith.constant 208 : index
    %get3A_91 = tpu.vector_load %arg12[%get3A_90] {strides = array<i32>} : memref<512xi32, #tpu.memory_space<vmem>>, vector<16xi32>,
    %swap3A_92 = arith.constant 3 : i32
    %swap3A_93 = arith.index_cast %swap3A_92 : i32 to index
    %swap3A_94 = arith.constant 16 : index
    %swap3A_95 = tpu.vector_load %arg14[%swap3A_93, %swap3A_94] {strides = array<i32>} : memref<8x64xi32, #tpu.memory_space<vmem>>, vector<16xi32>,
    tpu.vector_store %arg14[%swap3A_93, %swap3A_94], %get3A_91 {strides = array<i32>} : memref<8x64xi32, #tpu.memory_space<vmem>>, vector<16xi32>,
    %get3A_96 = arith.constant 224 : index
    %get3A_97 = tpu.vector_load %arg12[%get3A_96] {strides = array<i32>} : memref<512xi32, #tpu.memory_space<vmem>>, vector<16xi32>,
    %swap3A_98 = arith.constant 3 : i32
    %swap3A_99 = arith.index_cast %swap3A_98 : i32 to index
    %swap3A_100 = arith.constant 32 : index
    %swap3A_101 = tpu.vector_load %arg14[%swap3A_99, %swap3A_100] {strides = array<i32>} : memref<8x64xi32, #tpu.memory_space<vmem>>, vector<16xi32>,
    tpu.vector_store %arg14[%swap3A_99, %swap3A_100], %get3A_97 {strides = array<i32>} : memref<8x64xi32, #tpu.memory_space<vmem>>, vector<16xi32>,
    %get3A_102 = arith.constant 240 : index
    %get3A_103 = tpu.vector_load %arg12[%get3A_102] {strides = array<i32>} : memref<512xi32, #tpu.memory_space<vmem>>, vector<16xi32>,
    %swap3A_104 = arith.constant 3 : i32
    %swap3A_105 = arith.index_cast %swap3A_104 : i32 to index
    %swap3A_106 = arith.constant 48 : index
    %swap3A_107 = tpu.vector_load %arg14[%swap3A_105, %swap3A_106] {strides = array<i32>} : memref<8x64xi32, #tpu.memory_space<vmem>>, vector<16xi32>,
    tpu.vector_store %arg14[%swap3A_105, %swap3A_106], %get3A_103 {strides = array<i32>} : memref<8x64xi32, #tpu.memory_space<vmem>>, vector<16xi32>,
    %get3A_108 = arith.constant 256 : index
    %get3A_109 = tpu.vector_load %arg12[%get3A_108] {strides = array<i32>} : memref<512xi32, #tpu.memory_space<vmem>>, vector<16xi32>,
    %swap3A_110 = arith.constant 4 : i32
    %swap3A_111 = arith.index_cast %swap3A_110 : i32 to index
    %swap3A_112 = arith.constant 0 : index
    %swap3A_113 = tpu.vector_load %arg14[%swap3A_111, %swap3A_112] {strides = array<i32>} : memref<8x64xi32, #tpu.memory_space<vmem>>, vector<16xi32>,
    tpu.vector_store %arg14[%swap3A_111, %swap3A_112], %get3A_109 {strides = array<i32>} : memref<8x64xi32, #tpu.memory_space<vmem>>, vector<16xi32>,
    %get3A_114 = arith.constant 272 : index
    %get3A_115 = tpu.vector_load %arg12[%get3A_114] {strides = array<i32>} : memref<512xi32, #tpu.memory_space<vmem>>, vector<16xi32>,
    %swap3A_116 = arith.constant 4 : i32
    %swap3A_117 = arith.index_cast %swap3A_116 : i32 to index
    %swap3A_118 = arith.constant 16 : index
    %swap3A_119 = tpu.vector_load %arg14[%swap3A_117, %swap3A_118] {strides = array<i32>} : memref<8x64xi32, #tpu.memory_space<vmem>>, vector<16xi32>,
    tpu.vector_store %arg14[%swap3A_117, %swap3A_118], %get3A_115 {strides = array<i32>} : memref<8x64xi32, #tpu.memory_space<vmem>>, vector<16xi32>,
    %get3A_120 = arith.constant 288 : index
    %get3A_121 = tpu.vector_load %arg12[%get3A_120] {strides = array<i32>} : memref<512xi32, #tpu.memory_space<vmem>>, vector<16xi32>,
    %swap3A_122 = arith.constant 4 : i32
    %swap3A_123 = arith.index_cast %swap3A_122 : i32 to index
    %swap3A_124 = arith.constant 32 : index
    %swap3A_125 = tpu.vector_load %arg14[%swap3A_123, %swap3A_124] {strides = array<i32>} : memref<8x64xi32, #tpu.memory_space<vmem>>, vector<16xi32>,
    tpu.vector_store %arg14[%swap3A_123, %swap3A_124], %get3A_121 {strides = array<i32>} : memref<8x64xi32, #tpu.memory_space<vmem>>, vector<16xi32>,
    %get3A_126 = arith.constant 304 : index
    %get3A_127 = tpu.vector_load %arg12[%get3A_126] {strides = array<i32>} : memref<512xi32, #tpu.memory_space<vmem>>, vector<16xi32>,
    %swap3A_128 = arith.constant 4 : i32
    %swap3A_129 = arith.index_cast %swap3A_128 : i32 to index
    %swap3A_130 = arith.constant 48 : index
    %swap3A_131 = tpu.vector_load %arg14[%swap3A_129, %swap3A_130] {strides = array<i32>} : memref<8x64xi32, #tpu.memory_space<vmem>>, vector<16xi32>,
    tpu.vector_store %arg14[%swap3A_129, %swap3A_130], %get3A_127 {strides = array<i32>} : memref<8x64xi32, #tpu.memory_space<vmem>>, vector<16xi32>,
    %get3A_132 = arith.constant 320 : index
    %get3A_133 = tpu.vector_load %arg12[%get3A_132] {strides = array<i32>} : memref<512xi32, #tpu.memory_space<vmem>>, vector<16xi32>,
    %swap3A_134 = arith.constant 5 : i32
    %swap3A_135 = arith.index_cast %swap3A_134 : i32 to index
    %swap3A_136 = arith.constant 0 : index
    %swap3A_137 = tpu.vector_load %arg14[%swap3A_135, %swap3A_136] {strides = array<i32>} : memref<8x64xi32, #tpu.memory_space<vmem>>, vector<16xi32>,
    tpu.vector_store %arg14[%swap3A_135, %swap3A_136], %get3A_133 {strides = array<i32>} : memref<8x64xi32, #tpu.memory_space<vmem>>, vector<16xi32>,
    %get3A_138 = arith.constant 336 : index
    %get3A_139 = tpu.vector_load %arg12[%get3A_138] {strides = array<i32>} : memref<512xi32, #tpu.memory_space<vmem>>, vector<16xi32>,
    %swap3A_140 = arith.constant 5 : i32
    %swap3A_141 = arith.index_cast %swap3A_140 : i32 to index
    %swap3A_142 = arith.constant 16 : index
    %swap3A_143 = tpu.vector_load %arg14[%swap3A_141, %swap3A_142] {strides = array<i32>} : memref<8x64xi32, #tpu.memory_space<vmem>>, vector<16xi32>,
    tpu.vector_store %arg14[%swap3A_141, %swap3A_142], %get3A_139 {strides = array<i32>} : memref<8x64xi32, #tpu.memory_space<vmem>>, vector<16xi32>,
    %get3A_144 = arith.constant 352 : index
    %get3A_145 = tpu.vector_load %arg12[%get3A_144] {strides = array<i32>} : memref<512xi32, #tpu.memory_space<vmem>>, vector<16xi32>,
    %swap3A_146 = arith.constant 5 : i32
    %swap3A_147 = arith.index_cast %swap3A_146 : i32 to index
    %swap3A_148 = arith.constant 32 : index
    %swap3A_149 = tpu.vector_load %arg14[%swap3A_147, %swap3A_148] {strides = array<i32>} : memref<8x64xi32, #tpu.memory_space<vmem>>, vector<16xi32>,
    tpu.vector_store %arg14[%swap3A_147, %swap3A_148], %get3A_145 {strides = array<i32>} : memref<8x64xi32, #tpu.memory_space<vmem>>, vector<16xi32>,
    %get3A_150 = arith.constant 368 : index
    %get3A_151 = tpu.vector_load %arg12[%get3A_150] {strides = array<i32>} : memref<512xi32, #tpu.memory_space<vmem>>, vector<16xi32>,
    %swap3A_152 = arith.constant 5 : i32
    %swap3A_153 = arith.index_cast %swap3A_152 : i32 to index
    %swap3A_154 = arith.constant 48 : index
    %swap3A_155 = tpu.vector_load %arg14[%swap3A_153, %swap3A_154] {strides = array<i32>} : memref<8x64xi32, #tpu.memory_space<vmem>>, vector<16xi32>,
    tpu.vector_store %arg14[%swap3A_153, %swap3A_154], %get3A_151 {strides = array<i32>} : memref<8x64xi32, #tpu.memory_space<vmem>>, vector<16xi32>,
    %get3A_156 = arith.constant 384 : index
    %get3A_157 = tpu.vector_load %arg12[%get3A_156] {strides = array<i32>} : memref<512xi32, #tpu.memory_space<vmem>>, vector<16xi32>,
    %swap3A_158 = arith.constant 6 : i32
    %swap3A_159 = arith.index_cast %swap3A_158 : i32 to index
    %swap3A_160 = arith.constant 0 : index
    %swap3A_161 = tpu.vector_load %arg14[%swap3A_159, %swap3A_160] {strides = array<i32>} : memref<8x64xi32, #tpu.memory_space<vmem>>, vector<16xi32>,
    tpu.vector_store %arg14[%swap3A_159, %swap3A_160], %get3A_157 {strides = array<i32>} : memref<8x64xi32, #tpu.memory_space<vmem>>, vector<16xi32>,
    %get3A_162 = arith.constant 400 : index
    %get3A_163 = tpu.vector_load %arg12[%get3A_162] {strides = array<i32>} : memref<512xi32, #tpu.memory_space<vmem>>, vector<16xi32>,
    %swap3A_164 = arith.constant 6 : i32
    %swap3A_165 = arith.index_cast %swap3A_164 : i32 to index
    %swap3A_166 = arith.constant 16 : index
    %swap3A_167 = tpu.vector_load %arg14[%swap3A_165, %swap3A_166] {strides = array<i32>} : memref<8x64xi32, #tpu.memory_space<vmem>>, vector<16xi32>,
    tpu.vector_store %arg14[%swap3A_165, %swap3A_166], %get3A_163 {strides = array<i32>} : memref<8x64xi32, #tpu.memory_space<vmem>>, vector<16xi32>,
    %get3A_168 = arith.constant 416 : index
    %get3A_169 = tpu.vector_load %arg12[%get3A_168] {strides = array<i32>} : memref<512xi32, #tpu.memory_space<vmem>>, vector<16xi32>,
    %swap3A_170 = arith.constant 6 : i32
    %swap3A_171 = arith.index_cast %swap3A_170 : i32 to index
    %swap3A_172 = arith.constant 32 : index
    %swap3A_173 = tpu.vector_load %arg14[%swap3A_171, %swap3A_172] {strides = array<i32>} : memref<8x64xi32, #tpu.memory_space<vmem>>, vector<16xi32>,
    tpu.vector_store %arg14[%swap3A_171, %swap3A_172], %get3A_169 {strides = array<i32>} : memref<8x64xi32, #tpu.memory_space<vmem>>, vector<16xi32>,
    %get3A_174 = arith.constant 432 : index
    %get3A_175 = tpu.vector_load %arg12[%get3A_174] {strides = array<i32>} : memref<512xi32, #tpu.memory_space<vmem>>, vector<16xi32>,
    %swap3A_176 = arith.constant 6 : i32
    %swap3A_177 = arith.index_cast %swap3A_176 : i32 to index
    %swap3A_178 = arith.constant 48 : index
    %swap3A_179 = tpu.vector_load %arg14[%swap3A_177, %swap3A_178] {strides = array<i32>} : memref<8x64xi32, #tpu.memory_space<vmem>>, vector<16xi32>,
    tpu.vector_store %arg14[%swap3A_177, %swap3A_178], %get3A_175 {strides = array<i32>} : memref<8x64xi32, #tpu.memory_space<vmem>>, vector<16xi32>,
    %get3A_180 = arith.constant 448 : index
    %get3A_181 = tpu.vector_load %arg12[%get3A_180] {strides = array<i32>} : memref<512xi32, #tpu.memory_space<vmem>>, vector<16xi32>,
    %swap3A_182 = arith.constant 7 : i32
    %swap3A_183 = arith.index_cast %swap3A_182 : i32 to index
    %swap3A_184 = arith.constant 0 : index
    %swap3A_185 = tpu.vector_load %arg14[%swap3A_183, %swap3A_184] {strides = array<i32>} : memref<8x64xi32, #tpu.memory_space<vmem>>, vector<16xi32>,
    tpu.vector_store %arg14[%swap3A_183, %swap3A_184], %get3A_181 {strides = array<i32>} : memref<8x64xi32, #tpu.memory_space<vmem>>, vector<16xi32>,
    %get3A_186 = arith.constant 464 : index
    %get3A_187 = tpu.vector_load %arg12[%get3A_186] {strides = array<i32>} : memref<512xi32, #tpu.memory_space<vmem>>, vector<16xi32>,
    %swap3A_188 = arith.constant 7 : i32
    %swap3A_189 = arith.index_cast %swap3A_188 : i32 to index
    %swap3A_190 = arith.constant 16 : index
    %swap3A_191 = tpu.vector_load %arg14[%swap3A_189, %swap3A_190] {strides = array<i32>} : memref<8x64xi32, #tpu.memory_space<vmem>>, vector<16xi32>,
    tpu.vector_store %arg14[%swap3A_189, %swap3A_190], %get3A_187 {strides = array<i32>} : memref<8x64xi32, #tpu.memory_space<vmem>>, vector<16xi32>,
    %get3A_192 = arith.constant 480 : index
    %get3A_193 = tpu.vector_load %arg12[%get3A_192] {strides = array<i32>} : memref<512xi32, #tpu.memory_space<vmem>>, vector<16xi32>,
    %swap3A_194 = arith.constant 7 : i32
    %swap3A_195 = arith.index_cast %swap3A_194 : i32 to index
    %swap3A_196 = arith.constant 32 : index
    %swap3A_197 = tpu.vector_load %arg14[%swap3A_195, %swap3A_196] {strides = array<i32>} : memref<8x64xi32, #tpu.memory_space<vmem>>, vector<16xi32>,
    tpu.vector_store %arg14[%swap3A_195, %swap3A_196], %get3A_193 {strides = array<i32>} : memref<8x64xi32, #tpu.memory_space<vmem>>, vector<16xi32>,
    %get3A_198 = arith.constant 496 : index
    %get3A_199 = tpu.vector_load %arg12[%get3A_198] {strides = array<i32>} : memref<512xi32, #tpu.memory_space<vmem>>, vector<16xi32>,
    %swap3A_200 = arith.constant 7 : i32
    %swap3A_201 = arith.index_cast %swap3A_200 : i32 to index
    %swap3A_202 = arith.constant 48 : index
    %swap3A_203 = tpu.vector_load %arg14[%swap3A_201, %swap3A_202] {strides = array<i32>} : memref<8x64xi32, #tpu.memory_space<vmem>>, vector<16xi32>,
    tpu.vector_store %arg14[%swap3A_201, %swap3A_202], %get3A_199 {strides = array<i32>} : memref<8x64xi32, #tpu.memory_space<vmem>>, vector<16xi32>,
    %dma_start3A_204 = arith.constant 0 : i32
    %dma_start3A_205 = tpu.memref_slice %arg13[%dma_start3A_204] : memref<512xi32, #tpu.memory_space<vmem>> -> memref<64xi32, #tpu.memory_space<vmem>>
    %dma_start3A_206 = arith.constant 0 : i32
    %dma_start3A_207 = arith.constant 0 : i32
    %dma_start3A_208 = tpu.memref_slice %arg4[%dma_start3A_206, %dma_start3A_207] : memref<16384x256xf32, #tpu.memory_space<hbm>> -> memref<16384x256xf32, #tpu.memory_space<hbm>>
    tpu.enqueue_indirect_dma source(%dma_start3A_208 : memref<16384x256xf32, #tpu.memory_space<hbm>>) target(%arg20 : memref<64x256xf32, #tpu.memory_space<vmem>>) offsets(%dma_start3A_205 : memref<64xi32, #tpu.memory_space<vmem>>) semaphore(%arg24 : memref<!tpu.dma_semaphore, #tpu.memory_space<semaphore_mem>>)
    %dma_start3A_209 = arith.constant 64 : i32
    %dma_start3A_210 = tpu.memref_slice %arg13[%dma_start3A_209] : memref<512xi32, #tpu.memory_space<vmem>> -> memref<64xi32, #tpu.memory_space<vmem>>
    %dma_start3A_211 = arith.constant 0 : i32
    %dma_start3A_212 = arith.constant 0 : i32
    %dma_start3A_213 = tpu.memref_slice %arg4[%dma_start3A_211, %dma_start3A_212] : memref<16384x256xf32, #tpu.memory_space<hbm>> -> memref<16384x256xf32, #tpu.memory_space<hbm>>
    tpu.enqueue_indirect_dma source(%dma_start3A_213 : memref<16384x256xf32, #tpu.memory_space<hbm>>) target(%arg21 : memref<64x256xf32, #tpu.memory_space<vmem>>) offsets(%dma_start3A_210 : memref<64xi32, #tpu.memory_space<vmem>>) semaphore(%arg25 : memref<!tpu.dma_semaphore, #tpu.memory_space<semaphore_mem>>)
    tpu.wait_dma2 semaphore(%arg32 : memref<!tpu.dma_semaphore, #tpu.memory_space<semaphore_mem>>) src(%arg5 : memref<16384xf32, #tpu.memory_space<hbm>>) dst(%arg15 : memref<16384xf32, #tpu.memory_space<vmem>>)
    %convert_element_type3A = arith.extui %lt3A_7 : i1 to i32
    %cond3A = arith.constant 0 : i32
    %cond3A_214 = arith.cmpi ne, %convert_element_type3A, %cond3A : i32
    scf.if %cond3A_214 {
      %dma_start3A_397 = tpu.memref_slice %arg7[%mul3A_6] : memref<100000xi32, #tpu.memory_space<hbm>> -> memref<4000xi32, #tpu.memory_space<hbm>>
      %dma_start3A_398 = tpu.memref_slice %arg7[%mul3A_6] : memref<100000xi32, #tpu.memory_space<hbm>> -> memref<4000xi32, #tpu.memory_space<hbm>>
      tpu.enqueue_dma source(%dma_start3A_398 : memref<4000xi32, #tpu.memory_space<hbm>>) target(%arg16 : memref<4000xi32, #tpu.memory_space<vmem>>) target_semaphore(%arg32 : memref<!tpu.dma_semaphore, #tpu.memory_space<semaphore_mem>>)
      %dma_start3A_399 = tpu.memref_slice %arg6[%mul3A_6] : memref<100000xf32, #tpu.memory_space<hbm>> -> memref<4000xf32, #tpu.memory_space<hbm>>
      %dma_start3A_400 = tpu.memref_slice %arg6[%mul3A_6] : memref<100000xf32, #tpu.memory_space<hbm>> -> memref<4000xf32, #tpu.memory_space<hbm>>
      tpu.enqueue_dma source(%dma_start3A_400 : memref<4000xf32, #tpu.memory_space<hbm>>) target(%arg17 : memref<4000xf32, #tpu.memory_space<vmem>>) target_semaphore(%arg32 : memref<!tpu.dma_semaphore, #tpu.memory_space<semaphore_mem>>)
      %dma_wait3A_401 = tpu.memref_slice %arg7[%mul3A_6] : memref<100000xi32, #tpu.memory_space<hbm>> -> memref<4000xi32, #tpu.memory_space<hbm>>
      %dma_wait3A_402 = tpu.memref_slice %arg7[%mul3A_6] : memref<100000xi32, #tpu.memory_space<hbm>> -> memref<4000xi32, #tpu.memory_space<hbm>>
      tpu.wait_dma2 semaphore(%arg32 : memref<!tpu.dma_semaphore, #tpu.memory_space<semaphore_mem>>) src(%dma_wait3A_402 : memref<4000xi32, #tpu.memory_space<hbm>>) dst(%arg16 : memref<4000xi32, #tpu.memory_space<vmem>>)
      %dma_wait3A_403 = tpu.memref_slice %arg6[%mul3A_6] : memref<100000xf32, #tpu.memory_space<hbm>> -> memref<4000xf32, #tpu.memory_space<hbm>>
      %dma_wait3A_404 = tpu.memref_slice %arg6[%mul3A_6] : memref<100000xf32, #tpu.memory_space<hbm>> -> memref<4000xf32, #tpu.memory_space<hbm>>
      tpu.wait_dma2 semaphore(%arg32 : memref<!tpu.dma_semaphore, #tpu.memory_space<semaphore_mem>>) src(%dma_wait3A_404 : memref<4000xf32, #tpu.memory_space<hbm>>) dst(%arg17 : memref<4000xf32, #tpu.memory_space<vmem>>)
      %scan3A = arith.constant 0 : i32
      %scan3A_405 = arith.constant 0 : i32
      %scan3A_406 = arith.constant 250 : i32
      %scan3A_407 = arith.addi %scan3A_405, %scan3A_406 : i32
      %scan3A_408 = arith.constant 1 : i32
      scf.for %scan3A_418 = %scan3A_405 to %scan3A_407 step %scan3A_408  : i32 {
        %mul3A_419 = arith.constant 16 : i32
        %mul3A_420 = arith.muli %scan3A_418, %mul3A_419 : i32
        %get3A_421 = arith.index_cast %mul3A_420 : i32 to index
        %get3A_422 = tpu.vector_load %arg16[%get3A_421] {strides = array<i32>} : memref<4000xi32, #tpu.memory_space<vmem>>, vector<16xi32>,
        %ge3A_423 = arith.constant 0 : i32
        %ge3A_424 = vector.broadcast %ge3A_423 : i32 to vector<16xi32>
        %ge3A_425 = arith.cmpi sge, %get3A_422, %ge3A_424 : vector<16xi32>
        %max3A = arith.constant 0 : i32
        %max3A_426 = vector.broadcast %max3A : i32 to vector<16xi32>
        %max3A_427 = arith.maxsi %get3A_422, %max3A_426 : vector<16xi32>
        %gather3A = tpu.vector_load_idx %arg15[%max3A_427] masked %ge3A_4 : memref<16384xf32, #tpu.memory_space<vmem>>[vector<16xi32>], vector<16xf32>, vector<16xi1>
        %mul3A_428 = arith.constant 16 : i32
        %mul3A_429 = arith.muli %scan3A_418, %mul3A_428 : i32
        %get3A_430 = arith.index_cast %mul3A_429 : i32 to index
        %get3A_431 = tpu.vector_load %arg17[%get3A_430] {strides = array<i32>} : memref<4000xf32, #tpu.memory_space<vmem>>, vector<16xf32>,
        %jit3A = arith.constant 1 : i32
        %jit3A_432 = arith.constant 0 : i32
        %broadcast_in_dim3A = vector.broadcast %jit3A : i32 to vector<16xi32>
        %broadcast_in_dim3A_433 = vector.broadcast %jit3A_432 : i32 to vector<16xi32>
        %select_n3A = arith.select %ge3A_425, %broadcast_in_dim3A, %broadcast_in_dim3A_433 : vector<16xi1>, vector<16xi32>
        %mul3A_434 = arith.constant 16 : i32
        %mul3A_435 = arith.muli %scan3A_418, %mul3A_434 : i32
        %swap3A_436 = arith.index_cast %mul3A_435 : i32 to index
        %swap3A_437 = tpu.vector_load %arg18[%swap3A_436] {strides = array<i32>} : memref<4000xi32, #tpu.memory_space<vmem>>, vector<16xi32>,
        tpu.vector_store %arg18[%swap3A_436], %select_n3A {strides = array<i32>} : memref<4000xi32, #tpu.memory_space<vmem>>, vector<16xi32>,
        %select_n3A_438 = arith.select %ge3A_425, %gather3A, %get3A_431 : vector<16xi1>, vector<16xf32>
        %mul3A_439 = arith.constant 16 : i32
        %mul3A_440 = arith.muli %scan3A_418, %mul3A_439 : i32
        %swap3A_441 = arith.index_cast %mul3A_440 : i32 to index
        %swap3A_442 = tpu.vector_load %arg19[%swap3A_441] {strides = array<i32>} : memref<4000xf32, #tpu.memory_space<vmem>>, vector<16xf32>,
        tpu.vector_store %arg19[%swap3A_441], %select_n3A_438 {strides = array<i32>} : memref<4000xf32, #tpu.memory_space<vmem>>, vector<16xf32>,
      }
      %scan3A_409 = arith.constant 250 : i32
      %dma_start3A_410 = tpu.memref_slice %arg10[%mul3A_6] : memref<100000xi32, #tpu.memory_space<hbm>> -> memref<4000xi32, #tpu.memory_space<hbm>>
      %dma_start3A_411 = tpu.memref_slice %arg10[%mul3A_6] : memref<100000xi32, #tpu.memory_space<hbm>> -> memref<4000xi32, #tpu.memory_space<hbm>>
      tpu.enqueue_dma source(%arg18 : memref<4000xi32, #tpu.memory_space<vmem>>) target(%dma_start3A_411 : memref<4000xi32, #tpu.memory_space<hbm>>) target_semaphore(%arg32 : memref<!tpu.dma_semaphore, #tpu.memory_space<semaphore_mem>>)
      %dma_wait3A_412 = tpu.memref_slice %arg10[%mul3A_6] : memref<100000xi32, #tpu.memory_space<hbm>> -> memref<4000xi32, #tpu.memory_space<hbm>>
      %dma_wait3A_413 = tpu.memref_slice %arg10[%mul3A_6] : memref<100000xi32, #tpu.memory_space<hbm>> -> memref<4000xi32, #tpu.memory_space<hbm>>
      tpu.wait_dma2 semaphore(%arg32 : memref<!tpu.dma_semaphore, #tpu.memory_space<semaphore_mem>>) src(%arg18 : memref<4000xi32, #tpu.memory_space<vmem>>) dst(%dma_wait3A_413 : memref<4000xi32, #tpu.memory_space<hbm>>)
      %dma_start3A_414 = tpu.memref_slice %arg9[%mul3A_6] : memref<100000xf32, #tpu.memory_space<hbm>> -> memref<4000xf32, #tpu.memory_space<hbm>>
      %dma_start3A_415 = tpu.memref_slice %arg9[%mul3A_6] : memref<100000xf32, #tpu.memory_space<hbm>> -> memref<4000xf32, #tpu.memory_space<hbm>>
      tpu.enqueue_dma source(%arg19 : memref<4000xf32, #tpu.memory_space<vmem>>) target(%dma_start3A_415 : memref<4000xf32, #tpu.memory_space<hbm>>) target_semaphore(%arg32 : memref<!tpu.dma_semaphore, #tpu.memory_space<semaphore_mem>>)
      %dma_wait3A_416 = tpu.memref_slice %arg9[%mul3A_6] : memref<100000xf32, #tpu.memory_space<hbm>> -> memref<4000xf32, #tpu.memory_space<hbm>>
      %dma_wait3A_417 = tpu.memref_slice %arg9[%mul3A_6] : memref<100000xf32, #tpu.memory_space<hbm>> -> memref<4000xf32, #tpu.memory_space<hbm>>
      tpu.wait_dma2 semaphore(%arg32 : memref<!tpu.dma_semaphore, #tpu.memory_space<semaphore_mem>>) src(%arg19 : memref<4000xf32, #tpu.memory_space<vmem>>) dst(%dma_wait3A_417 : memref<4000xf32, #tpu.memory_space<hbm>>)
    } else {
    }
    %dma_start3A_215 = arith.constant 128 : i32
    %dma_start3A_216 = tpu.memref_slice %arg13[%dma_start3A_215] : memref<512xi32, #tpu.memory_space<vmem>> -> memref<64xi32, #tpu.memory_space<vmem>>
    %dma_start3A_217 = arith.constant 0 : i32
    %dma_start3A_218 = arith.constant 0 : i32
    %dma_start3A_219 = tpu.memref_slice %arg4[%dma_start3A_217, %dma_start3A_218] : memref<16384x256xf32, #tpu.memory_space<hbm>> -> memref<16384x256xf32, #tpu.memory_space<hbm>>
    tpu.enqueue_indirect_dma source(%dma_start3A_219 : memref<16384x256xf32, #tpu.memory_space<hbm>>) target(%arg22 : memref<64x256xf32, #tpu.memory_space<vmem>>) offsets(%dma_start3A_216 : memref<64xi32, #tpu.memory_space<vmem>>) semaphore(%arg26 : memref<!tpu.dma_semaphore, #tpu.memory_space<semaphore_mem>>)
    %dma_wait3A_220 = arith.constant 0 : i32
    %dma_wait3A_221 = tpu.memref_slice %arg13[%dma_wait3A_220] : memref<512xi32, #tpu.memory_space<vmem>> -> memref<64xi32, #tpu.memory_space<vmem>>
    %dma_wait3A_222 = arith.constant 0 : i32
    %dma_wait3A_223 = arith.constant 0 : i32
    %dma_wait3A_224 = tpu.memref_slice %arg4[%dma_wait3A_222, %dma_wait3A_223] : memref<16384x256xf32, #tpu.memory_space<hbm>> -> memref<16384x256xf32, #tpu.memory_space<hbm>>
    tpu.wait_indirect_dma semaphore(%arg24 : memref<!tpu.dma_semaphore, #tpu.memory_space<semaphore_mem>>) src(%dma_wait3A_224 : memref<16384x256xf32, #tpu.memory_space<hbm>>) dst(%arg20 : memref<64x256xf32, #tpu.memory_space<vmem>>)
    %dma_start3A_225 = arith.constant 0 : i32
    %dma_start3A_226 = arith.constant 0 : i32
    %dma_start3A_227 = tpu.memref_slice %arg14[%dma_start3A_225, %dma_start3A_226] : memref<8x64xi32, #tpu.memory_space<vmem>> -> memref<1x64xi32, #tpu.memory_space<vmem>>
    %dma_start3A_228 = tpu.memref_squeeze %dma_start3A_227 : memref<1x64xi32, #tpu.memory_space<vmem>> -> memref<64xi32, #tpu.memory_space<vmem>>
    %dma_start3A_229 = arith.constant 0 : i32
    %dma_start3A_230 = arith.constant 0 : i32
    %dma_start3A_231 = tpu.memref_slice %arg8[%dma_start3A_229, %dma_start3A_230] : memref<100000x256xf32, #tpu.memory_space<hbm>> -> memref<100000x256xf32, #tpu.memory_space<hbm>>
    tpu.enqueue_indirect_dma source(%arg20 : memref<64x256xf32, #tpu.memory_space<vmem>>) target(%dma_start3A_231 : memref<100000x256xf32, #tpu.memory_space<hbm>>) offsets(%dma_start3A_228 : memref<64xi32, #tpu.memory_space<vmem>>) semaphore(%arg28 : memref<!tpu.dma_semaphore, #tpu.memory_space<semaphore_mem>>)
    %dma_start3A_232 = arith.constant 192 : i32
    %dma_start3A_233 = tpu.memref_slice %arg13[%dma_start3A_232] : memref<512xi32, #tpu.memory_space<vmem>> -> memref<64xi32, #tpu.memory_space<vmem>>
    %dma_start3A_234 = arith.constant 0 : i32
    %dma_start3A_235 = arith.constant 0 : i32
    %dma_start3A_236 = tpu.memref_slice %arg4[%dma_start3A_234, %dma_start3A_235] : memref<16384x256xf32, #tpu.memory_space<hbm>> -> memref<16384x256xf32, #tpu.memory_space<hbm>>
    tpu.enqueue_indirect_dma source(%dma_start3A_236 : memref<16384x256xf32, #tpu.memory_space<hbm>>) target(%arg23 : memref<64x256xf32, #tpu.memory_space<vmem>>) offsets(%dma_start3A_233 : memref<64xi32, #tpu.memory_space<vmem>>) semaphore(%arg27 : memref<!tpu.dma_semaphore, #tpu.memory_space<semaphore_mem>>)
    %dma_wait3A_237 = arith.constant 64 : i32
    %dma_wait3A_238 = tpu.memref_slice %arg13[%dma_wait3A_237] : memref<512xi32, #tpu.memory_space<vmem>> -> memref<64xi32, #tpu.memory_space<vmem>>
    %dma_wait3A_239 = arith.constant 0 : i32
    %dma_wait3A_240 = arith.constant 0 : i32
    %dma_wait3A_241 = tpu.memref_slice %arg4[%dma_wait3A_239, %dma_wait3A_240] : memref<16384x256xf32, #tpu.memory_space<hbm>> -> memref<16384x256xf32, #tpu.memory_space<hbm>>
    tpu.wait_indirect_dma semaphore(%arg25 : memref<!tpu.dma_semaphore, #tpu.memory_space<semaphore_mem>>) src(%dma_wait3A_241 : memref<16384x256xf32, #tpu.memory_space<hbm>>) dst(%arg21 : memref<64x256xf32, #tpu.memory_space<vmem>>)
    %dma_start3A_242 = arith.constant 1 : i32
    %dma_start3A_243 = arith.constant 0 : i32
    %dma_start3A_244 = tpu.memref_slice %arg14[%dma_start3A_242, %dma_start3A_243] : memref<8x64xi32, #tpu.memory_space<vmem>> -> memref<1x64xi32, #tpu.memory_space<vmem>>
    %dma_start3A_245 = tpu.memref_squeeze %dma_start3A_244 : memref<1x64xi32, #tpu.memory_space<vmem>> -> memref<64xi32, #tpu.memory_space<vmem>>
    %dma_start3A_246 = arith.constant 0 : i32
    %dma_start3A_247 = arith.constant 0 : i32
    %dma_start3A_248 = tpu.memref_slice %arg8[%dma_start3A_246, %dma_start3A_247] : memref<100000x256xf32, #tpu.memory_space<hbm>> -> memref<100000x256xf32, #tpu.memory_space<hbm>>
    tpu.enqueue_indirect_dma source(%arg21 : memref<64x256xf32, #tpu.memory_space<vmem>>) target(%dma_start3A_248 : memref<100000x256xf32, #tpu.memory_space<hbm>>) offsets(%dma_start3A_245 : memref<64xi32, #tpu.memory_space<vmem>>) semaphore(%arg29 : memref<!tpu.dma_semaphore, #tpu.memory_space<semaphore_mem>>)
    %dma_wait3A_249 = arith.constant 0 : i32
    %dma_wait3A_250 = arith.constant 0 : i32
    %dma_wait3A_251 = tpu.memref_slice %arg14[%dma_wait3A_249, %dma_wait3A_250] : memref<8x64xi32, #tpu.memory_space<vmem>> -> memref<1x64xi32, #tpu.memory_space<vmem>>
    %dma_wait3A_252 = tpu.memref_squeeze %dma_wait3A_251 : memref<1x64xi32, #tpu.memory_space<vmem>> -> memref<64xi32, #tpu.memory_space<vmem>>
    %dma_wait3A_253 = arith.constant 0 : i32
    %dma_wait3A_254 = arith.constant 0 : i32
    %dma_wait3A_255 = tpu.memref_slice %arg8[%dma_wait3A_253, %dma_wait3A_254] : memref<100000x256xf32, #tpu.memory_space<hbm>> -> memref<100000x256xf32, #tpu.memory_space<hbm>>
    tpu.wait_indirect_dma semaphore(%arg28 : memref<!tpu.dma_semaphore, #tpu.memory_space<semaphore_mem>>) src(%arg20 : memref<64x256xf32, #tpu.memory_space<vmem>>) dst(%dma_wait3A_255 : memref<100000x256xf32, #tpu.memory_space<hbm>>)
    %dma_start3A_256 = arith.constant 256 : i32
    %dma_start3A_257 = tpu.memref_slice %arg13[%dma_start3A_256] : memref<512xi32, #tpu.memory_space<vmem>> -> memref<64xi32, #tpu.memory_space<vmem>>
    %dma_start3A_258 = arith.constant 0 : i32
    %dma_start3A_259 = arith.constant 0 : i32
    %dma_start3A_260 = tpu.memref_slice %arg4[%dma_start3A_258, %dma_start3A_259] : memref<16384x256xf32, #tpu.memory_space<hbm>> -> memref<16384x256xf32, #tpu.memory_space<hbm>>
    tpu.enqueue_indirect_dma source(%dma_start3A_260 : memref<16384x256xf32, #tpu.memory_space<hbm>>) target(%arg20 : memref<64x256xf32, #tpu.memory_space<vmem>>) offsets(%dma_start3A_257 : memref<64xi32, #tpu.memory_space<vmem>>) semaphore(%arg24 : memref<!tpu.dma_semaphore, #tpu.memory_space<semaphore_mem>>)
    %dma_wait3A_261 = arith.constant 128 : i32
    %dma_wait3A_262 = tpu.memref_slice %arg13[%dma_wait3A_261] : memref<512xi32, #tpu.memory_space<vmem>> -> memref<64xi32, #tpu.memory_space<vmem>>
    %dma_wait3A_263 = arith.constant 0 : i32
    %dma_wait3A_264 = arith.constant 0 : i32
    %dma_wait3A_265 = tpu.memref_slice %arg4[%dma_wait3A_263, %dma_wait3A_264] : memref<16384x256xf32, #tpu.memory_space<hbm>> -> memref<16384x256xf32, #tpu.memory_space<hbm>>
    tpu.wait_indirect_dma semaphore(%arg26 : memref<!tpu.dma_semaphore, #tpu.memory_space<semaphore_mem>>) src(%dma_wait3A_265 : memref<16384x256xf32, #tpu.memory_space<hbm>>) dst(%arg22 : memref<64x256xf32, #tpu.memory_space<vmem>>)
    %dma_start3A_266 = arith.constant 2 : i32
    %dma_start3A_267 = arith.constant 0 : i32
    %dma_start3A_268 = tpu.memref_slice %arg14[%dma_start3A_266, %dma_start3A_267] : memref<8x64xi32, #tpu.memory_space<vmem>> -> memref<1x64xi32, #tpu.memory_space<vmem>>
    %dma_start3A_269 = tpu.memref_squeeze %dma_start3A_268 : memref<1x64xi32, #tpu.memory_space<vmem>> -> memref<64xi32, #tpu.memory_space<vmem>>
    %dma_start3A_270 = arith.constant 0 : i32
    %dma_start3A_271 = arith.constant 0 : i32
    %dma_start3A_272 = tpu.memref_slice %arg8[%dma_start3A_270, %dma_start3A_271] : memref<100000x256xf32, #tpu.memory_space<hbm>> -> memref<100000x256xf32, #tpu.memory_space<hbm>>
    tpu.enqueue_indirect_dma source(%arg22 : memref<64x256xf32, #tpu.memory_space<vmem>>) target(%dma_start3A_272 : memref<100000x256xf32, #tpu.memory_space<hbm>>) offsets(%dma_start3A_269 : memref<64xi32, #tpu.memory_space<vmem>>) semaphore(%arg30 : memref<!tpu.dma_semaphore, #tpu.memory_space<semaphore_mem>>)
    %dma_wait3A_273 = arith.constant 1 : i32
    %dma_wait3A_274 = arith.constant 0 : i32
    %dma_wait3A_275 = tpu.memref_slice %arg14[%dma_wait3A_273, %dma_wait3A_274] : memref<8x64xi32, #tpu.memory_space<vmem>> -> memref<1x64xi32, #tpu.memory_space<vmem>>
    %dma_wait3A_276 = tpu.memref_squeeze %dma_wait3A_275 : memref<1x64xi32, #tpu.memory_space<vmem>> -> memref<64xi32, #tpu.memory_space<vmem>>
    %dma_wait3A_277 = arith.constant 0 : i32
    %dma_wait3A_278 = arith.constant 0 : i32
    %dma_wait3A_279 = tpu.memref_slice %arg8[%dma_wait3A_277, %dma_wait3A_278] : memref<100000x256xf32, #tpu.memory_space<hbm>> -> memref<100000x256xf32, #tpu.memory_space<hbm>>
    tpu.wait_indirect_dma semaphore(%arg29 : memref<!tpu.dma_semaphore, #tpu.memory_space<semaphore_mem>>) src(%arg21 : memref<64x256xf32, #tpu.memory_space<vmem>>) dst(%dma_wait3A_279 : memref<100000x256xf32, #tpu.memory_space<hbm>>)
    %dma_start3A_280 = arith.constant 320 : i32
    %dma_start3A_281 = tpu.memref_slice %arg13[%dma_start3A_280] : memref<512xi32, #tpu.memory_space<vmem>> -> memref<64xi32, #tpu.memory_space<vmem>>
    %dma_start3A_282 = arith.constant 0 : i32
    %dma_start3A_283 = arith.constant 0 : i32
    %dma_start3A_284 = tpu.memref_slice %arg4[%dma_start3A_282, %dma_start3A_283] : memref<16384x256xf32, #tpu.memory_space<hbm>> -> memref<16384x256xf32, #tpu.memory_space<hbm>>
    tpu.enqueue_indirect_dma source(%dma_start3A_284 : memref<16384x256xf32, #tpu.memory_space<hbm>>) target(%arg21 : memref<64x256xf32, #tpu.memory_space<vmem>>) offsets(%dma_start3A_281 : memref<64xi32, #tpu.memory_space<vmem>>) semaphore(%arg25 : memref<!tpu.dma_semaphore, #tpu.memory_space<semaphore_mem>>)
    %dma_wait3A_285 = arith.constant 192 : i32
    %dma_wait3A_286 = tpu.memref_slice %arg13[%dma_wait3A_285] : memref<512xi32, #tpu.memory_space<vmem>> -> memref<64xi32, #tpu.memory_space<vmem>>
    %dma_wait3A_287 = arith.constant 0 : i32
    %dma_wait3A_288 = arith.constant 0 : i32
    %dma_wait3A_289 = tpu.memref_slice %arg4[%dma_wait3A_287, %dma_wait3A_288] : memref<16384x256xf32, #tpu.memory_space<hbm>> -> memref<16384x256xf32, #tpu.memory_space<hbm>>
    tpu.wait_indirect_dma semaphore(%arg27 : memref<!tpu.dma_semaphore, #tpu.memory_space<semaphore_mem>>) src(%dma_wait3A_289 : memref<16384x256xf32, #tpu.memory_space<hbm>>) dst(%arg23 : memref<64x256xf32, #tpu.memory_space<vmem>>)
    %dma_start3A_290 = arith.constant 3 : i32
    %dma_start3A_291 = arith.constant 0 : i32
    %dma_start3A_292 = tpu.memref_slice %arg14[%dma_start3A_290, %dma_start3A_291] : memref<8x64xi32, #tpu.memory_space<vmem>> -> memref<1x64xi32, #tpu.memory_space<vmem>>
    %dma_start3A_293 = tpu.memref_squeeze %dma_start3A_292 : memref<1x64xi32, #tpu.memory_space<vmem>> -> memref<64xi32, #tpu.memory_space<vmem>>
    %dma_start3A_294 = arith.constant 0 : i32
    %dma_start3A_295 = arith.constant 0 : i32
    %dma_start3A_296 = tpu.memref_slice %arg8[%dma_start3A_294, %dma_start3A_295] : memref<100000x256xf32, #tpu.memory_space<hbm>> -> memref<100000x256xf32, #tpu.memory_space<hbm>>
    tpu.enqueue_indirect_dma source(%arg23 : memref<64x256xf32, #tpu.memory_space<vmem>>) target(%dma_start3A_296 : memref<100000x256xf32, #tpu.memory_space<hbm>>) offsets(%dma_start3A_293 : memref<64xi32, #tpu.memory_space<vmem>>) semaphore(%arg31 : memref<!tpu.dma_semaphore, #tpu.memory_space<semaphore_mem>>)
    %dma_wait3A_297 = arith.constant 2 : i32
    %dma_wait3A_298 = arith.constant 0 : i32
    %dma_wait3A_299 = tpu.memref_slice %arg14[%dma_wait3A_297, %dma_wait3A_298] : memref<8x64xi32, #tpu.memory_space<vmem>> -> memref<1x64xi32, #tpu.memory_space<vmem>>
    %dma_wait3A_300 = tpu.memref_squeeze %dma_wait3A_299 : memref<1x64xi32, #tpu.memory_space<vmem>> -> memref<64xi32, #tpu.memory_space<vmem>>
    %dma_wait3A_301 = arith.constant 0 : i32
    %dma_wait3A_302 = arith.constant 0 : i32
    %dma_wait3A_303 = tpu.memref_slice %arg8[%dma_wait3A_301, %dma_wait3A_302] : memref<100000x256xf32, #tpu.memory_space<hbm>> -> memref<100000x256xf32, #tpu.memory_space<hbm>>
    tpu.wait_indirect_dma semaphore(%arg30 : memref<!tpu.dma_semaphore, #tpu.memory_space<semaphore_mem>>) src(%arg22 : memref<64x256xf32, #tpu.memory_space<vmem>>) dst(%dma_wait3A_303 : memref<100000x256xf32, #tpu.memory_space<hbm>>)
    %dma_start3A_304 = arith.constant 384 : i32
    %dma_start3A_305 = tpu.memref_slice %arg13[%dma_start3A_304] : memref<512xi32, #tpu.memory_space<vmem>> -> memref<64xi32, #tpu.memory_space<vmem>>
    %dma_start3A_306 = arith.constant 0 : i32
    %dma_start3A_307 = arith.constant 0 : i32
    %dma_start3A_308 = tpu.memref_slice %arg4[%dma_start3A_306, %dma_start3A_307] : memref<16384x256xf32, #tpu.memory_space<hbm>> -> memref<16384x256xf32, #tpu.memory_space<hbm>>
    tpu.enqueue_indirect_dma source(%dma_start3A_308 : memref<16384x256xf32, #tpu.memory_space<hbm>>) target(%arg22 : memref<64x256xf32, #tpu.memory_space<vmem>>) offsets(%dma_start3A_305 : memref<64xi32, #tpu.memory_space<vmem>>) semaphore(%arg26 : memref<!tpu.dma_semaphore, #tpu.memory_space<semaphore_mem>>)
    %dma_wait3A_309 = arith.constant 256 : i32
    %dma_wait3A_310 = tpu.memref_slice %arg13[%dma_wait3A_309] : memref<512xi32, #tpu.memory_space<vmem>> -> memref<64xi32, #tpu.memory_space<vmem>>
    %dma_wait3A_311 = arith.constant 0 : i32
    %dma_wait3A_312 = arith.constant 0 : i32
    %dma_wait3A_313 = tpu.memref_slice %arg4[%dma_wait3A_311, %dma_wait3A_312] : memref<16384x256xf32, #tpu.memory_space<hbm>> -> memref<16384x256xf32, #tpu.memory_space<hbm>>
    tpu.wait_indirect_dma semaphore(%arg24 : memref<!tpu.dma_semaphore, #tpu.memory_space<semaphore_mem>>) src(%dma_wait3A_313 : memref<16384x256xf32, #tpu.memory_space<hbm>>) dst(%arg20 : memref<64x256xf32, #tpu.memory_space<vmem>>)
    %dma_start3A_314 = arith.constant 4 : i32
    %dma_start3A_315 = arith.constant 0 : i32
    %dma_start3A_316 = tpu.memref_slice %arg14[%dma_start3A_314, %dma_start3A_315] : memref<8x64xi32, #tpu.memory_space<vmem>> -> memref<1x64xi32, #tpu.memory_space<vmem>>
    %dma_start3A_317 = tpu.memref_squeeze %dma_start3A_316 : memref<1x64xi32, #tpu.memory_space<vmem>> -> memref<64xi32, #tpu.memory_space<vmem>>
    %dma_start3A_318 = arith.constant 0 : i32
    %dma_start3A_319 = arith.constant 0 : i32
    %dma_start3A_320 = tpu.memref_slice %arg8[%dma_start3A_318, %dma_start3A_319] : memref<100000x256xf32, #tpu.memory_space<hbm>> -> memref<100000x256xf32, #tpu.memory_space<hbm>>
    tpu.enqueue_indirect_dma source(%arg20 : memref<64x256xf32, #tpu.memory_space<vmem>>) target(%dma_start3A_320 : memref<100000x256xf32, #tpu.memory_space<hbm>>) offsets(%dma_start3A_317 : memref<64xi32, #tpu.memory_space<vmem>>) semaphore(%arg28 : memref<!tpu.dma_semaphore, #tpu.memory_space<semaphore_mem>>)
    %dma_wait3A_321 = arith.constant 3 : i32
    %dma_wait3A_322 = arith.constant 0 : i32
    %dma_wait3A_323 = tpu.memref_slice %arg14[%dma_wait3A_321, %dma_wait3A_322] : memref<8x64xi32, #tpu.memory_space<vmem>> -> memref<1x64xi32, #tpu.memory_space<vmem>>
    %dma_wait3A_324 = tpu.memref_squeeze %dma_wait3A_323 : memref<1x64xi32, #tpu.memory_space<vmem>> -> memref<64xi32, #tpu.memory_space<vmem>>
    %dma_wait3A_325 = arith.constant 0 : i32
    %dma_wait3A_326 = arith.constant 0 : i32
    %dma_wait3A_327 = tpu.memref_slice %arg8[%dma_wait3A_325, %dma_wait3A_326] : memref<100000x256xf32, #tpu.memory_space<hbm>> -> memref<100000x256xf32, #tpu.memory_space<hbm>>
    tpu.wait_indirect_dma semaphore(%arg31 : memref<!tpu.dma_semaphore, #tpu.memory_space<semaphore_mem>>) src(%arg23 : memref<64x256xf32, #tpu.memory_space<vmem>>) dst(%dma_wait3A_327 : memref<100000x256xf32, #tpu.memory_space<hbm>>)
    %dma_start3A_328 = arith.constant 448 : i32
    %dma_start3A_329 = tpu.memref_slice %arg13[%dma_start3A_328] : memref<512xi32, #tpu.memory_space<vmem>> -> memref<64xi32, #tpu.memory_space<vmem>>
    %dma_start3A_330 = arith.constant 0 : i32
    %dma_start3A_331 = arith.constant 0 : i32
    %dma_start3A_332 = tpu.memref_slice %arg4[%dma_start3A_330, %dma_start3A_331] : memref<16384x256xf32, #tpu.memory_space<hbm>> -> memref<16384x256xf32, #tpu.memory_space<hbm>>
    tpu.enqueue_indirect_dma source(%dma_start3A_332 : memref<16384x256xf32, #tpu.memory_space<hbm>>) target(%arg23 : memref<64x256xf32, #tpu.memory_space<vmem>>) offsets(%dma_start3A_329 : memref<64xi32, #tpu.memory_space<vmem>>) semaphore(%arg27 : memref<!tpu.dma_semaphore, #tpu.memory_space<semaphore_mem>>)
    %dma_wait3A_333 = arith.constant 320 : i32
    %dma_wait3A_334 = tpu.memref_slice %arg13[%dma_wait3A_333] : memref<512xi32, #tpu.memory_space<vmem>> -> memref<64xi32, #tpu.memory_space<vmem>>
    %dma_wait3A_335 = arith.constant 0 : i32
    %dma_wait3A_336 = arith.constant 0 : i32
    %dma_wait3A_337 = tpu.memref_slice %arg4[%dma_wait3A_335, %dma_wait3A_336] : memref<16384x256xf32, #tpu.memory_space<hbm>> -> memref<16384x256xf32, #tpu.memory_space<hbm>>
    tpu.wait_indirect_dma semaphore(%arg25 : memref<!tpu.dma_semaphore, #tpu.memory_space<semaphore_mem>>) src(%dma_wait3A_337 : memref<16384x256xf32, #tpu.memory_space<hbm>>) dst(%arg21 : memref<64x256xf32, #tpu.memory_space<vmem>>)
    %dma_start3A_338 = arith.constant 5 : i32
    %dma_start3A_339 = arith.constant 0 : i32
    %dma_start3A_340 = tpu.memref_slice %arg14[%dma_start3A_338, %dma_start3A_339] : memref<8x64xi32, #tpu.memory_space<vmem>> -> memref<1x64xi32, #tpu.memory_space<vmem>>
    %dma_start3A_341 = tpu.memref_squeeze %dma_start3A_340 : memref<1x64xi32, #tpu.memory_space<vmem>> -> memref<64xi32, #tpu.memory_space<vmem>>
    %dma_start3A_342 = arith.constant 0 : i32
    %dma_start3A_343 = arith.constant 0 : i32
    %dma_start3A_344 = tpu.memref_slice %arg8[%dma_start3A_342, %dma_start3A_343] : memref<100000x256xf32, #tpu.memory_space<hbm>> -> memref<100000x256xf32, #tpu.memory_space<hbm>>
    tpu.enqueue_indirect_dma source(%arg21 : memref<64x256xf32, #tpu.memory_space<vmem>>) target(%dma_start3A_344 : memref<100000x256xf32, #tpu.memory_space<hbm>>) offsets(%dma_start3A_341 : memref<64xi32, #tpu.memory_space<vmem>>) semaphore(%arg29 : memref<!tpu.dma_semaphore, #tpu.memory_space<semaphore_mem>>)
    %dma_wait3A_345 = arith.constant 384 : i32
    %dma_wait3A_346 = tpu.memref_slice %arg13[%dma_wait3A_345] : memref<512xi32, #tpu.memory_space<vmem>> -> memref<64xi32, #tpu.memory_space<vmem>>
    %dma_wait3A_347 = arith.constant 0 : i32
    %dma_wait3A_348 = arith.constant 0 : i32
    %dma_wait3A_349 = tpu.memref_slice %arg4[%dma_wait3A_347, %dma_wait3A_348] : memref<16384x256xf32, #tpu.memory_space<hbm>> -> memref<16384x256xf32, #tpu.memory_space<hbm>>
    tpu.wait_indirect_dma semaphore(%arg26 : memref<!tpu.dma_semaphore, #tpu.memory_space<semaphore_mem>>) src(%dma_wait3A_349 : memref<16384x256xf32, #tpu.memory_space<hbm>>) dst(%arg22 : memref<64x256xf32, #tpu.memory_space<vmem>>)
    %dma_start3A_350 = arith.constant 6 : i32
    %dma_start3A_351 = arith.constant 0 : i32
    %dma_start3A_352 = tpu.memref_slice %arg14[%dma_start3A_350, %dma_start3A_351] : memref<8x64xi32, #tpu.memory_space<vmem>> -> memref<1x64xi32, #tpu.memory_space<vmem>>
    %dma_start3A_353 = tpu.memref_squeeze %dma_start3A_352 : memref<1x64xi32, #tpu.memory_space<vmem>> -> memref<64xi32, #tpu.memory_space<vmem>>
    %dma_start3A_354 = arith.constant 0 : i32
    %dma_start3A_355 = arith.constant 0 : i32
    %dma_start3A_356 = tpu.memref_slice %arg8[%dma_start3A_354, %dma_start3A_355] : memref<100000x256xf32, #tpu.memory_space<hbm>> -> memref<100000x256xf32, #tpu.memory_space<hbm>>
    tpu.enqueue_indirect_dma source(%arg22 : memref<64x256xf32, #tpu.memory_space<vmem>>) target(%dma_start3A_356 : memref<100000x256xf32, #tpu.memory_space<hbm>>) offsets(%dma_start3A_353 : memref<64xi32, #tpu.memory_space<vmem>>) semaphore(%arg30 : memref<!tpu.dma_semaphore, #tpu.memory_space<semaphore_mem>>)
    %dma_wait3A_357 = arith.constant 448 : i32
    %dma_wait3A_358 = tpu.memref_slice %arg13[%dma_wait3A_357] : memref<512xi32, #tpu.memory_space<vmem>> -> memref<64xi32, #tpu.memory_space<vmem>>
    %dma_wait3A_359 = arith.constant 0 : i32
    %dma_wait3A_360 = arith.constant 0 : i32
    %dma_wait3A_361 = tpu.memref_slice %arg4[%dma_wait3A_359, %dma_wait3A_360] : memref<16384x256xf32, #tpu.memory_space<hbm>> -> memref<16384x256xf32, #tpu.memory_space<hbm>>
    tpu.wait_indirect_dma semaphore(%arg27 : memref<!tpu.dma_semaphore, #tpu.memory_space<semaphore_mem>>) src(%dma_wait3A_361 : memref<16384x256xf32, #tpu.memory_space<hbm>>) dst(%arg23 : memref<64x256xf32, #tpu.memory_space<vmem>>)
    %dma_start3A_362 = arith.constant 7 : i32
    %dma_start3A_363 = arith.constant 0 : i32
    %dma_start3A_364 = tpu.memref_slice %arg14[%dma_start3A_362, %dma_start3A_363] : memref<8x64xi32, #tpu.memory_space<vmem>> -> memref<1x64xi32, #tpu.memory_space<vmem>>
    %dma_start3A_365 = tpu.memref_squeeze %dma_start3A_364 : memref<1x64xi32, #tpu.memory_space<vmem>> -> memref<64xi32, #tpu.memory_space<vmem>>
    %dma_start3A_366 = arith.constant 0 : i32
    %dma_start3A_367 = arith.constant 0 : i32
    %dma_start3A_368 = tpu.memref_slice %arg8[%dma_start3A_366, %dma_start3A_367] : memref<100000x256xf32, #tpu.memory_space<hbm>> -> memref<100000x256xf32, #tpu.memory_space<hbm>>
    tpu.enqueue_indirect_dma source(%arg23 : memref<64x256xf32, #tpu.memory_space<vmem>>) target(%dma_start3A_368 : memref<100000x256xf32, #tpu.memory_space<hbm>>) offsets(%dma_start3A_365 : memref<64xi32, #tpu.memory_space<vmem>>) semaphore(%arg31 : memref<!tpu.dma_semaphore, #tpu.memory_space<semaphore_mem>>)
    %dma_wait3A_369 = arith.constant 4 : i32
    %dma_wait3A_370 = arith.constant 0 : i32
    %dma_wait3A_371 = tpu.memref_slice %arg14[%dma_wait3A_369, %dma_wait3A_370] : memref<8x64xi32, #tpu.memory_space<vmem>> -> memref<1x64xi32, #tpu.memory_space<vmem>>
    %dma_wait3A_372 = tpu.memref_squeeze %dma_wait3A_371 : memref<1x64xi32, #tpu.memory_space<vmem>> -> memref<64xi32, #tpu.memory_space<vmem>>
    %dma_wait3A_373 = arith.constant 0 : i32
    %dma_wait3A_374 = arith.constant 0 : i32
    %dma_wait3A_375 = tpu.memref_slice %arg8[%dma_wait3A_373, %dma_wait3A_374] : memref<100000x256xf32, #tpu.memory_space<hbm>> -> memref<100000x256xf32, #tpu.memory_space<hbm>>
    tpu.wait_indirect_dma semaphore(%arg28 : memref<!tpu.dma_semaphore, #tpu.memory_space<semaphore_mem>>) src(%arg20 : memref<64x256xf32, #tpu.memory_space<vmem>>) dst(%dma_wait3A_375 : memref<100000x256xf32, #tpu.memory_space<hbm>>)
    %dma_wait3A_376 = arith.constant 5 : i32
    %dma_wait3A_377 = arith.constant 0 : i32
    %dma_wait3A_378 = tpu.memref_slice %arg14[%dma_wait3A_376, %dma_wait3A_377] : memref<8x64xi32, #tpu.memory_space<vmem>> -> memref<1x64xi32, #tpu.memory_space<vmem>>
    %dma_wait3A_379 = tpu.memref_squeeze %dma_wait3A_378 : memref<1x64xi32, #tpu.memory_space<vmem>> -> memref<64xi32, #tpu.memory_space<vmem>>
    %dma_wait3A_380 = arith.constant 0 : i32
    %dma_wait3A_381 = arith.constant 0 : i32
    %dma_wait3A_382 = tpu.memref_slice %arg8[%dma_wait3A_380, %dma_wait3A_381] : memref<100000x256xf32, #tpu.memory_space<hbm>> -> memref<100000x256xf32, #tpu.memory_space<hbm>>
    tpu.wait_indirect_dma semaphore(%arg29 : memref<!tpu.dma_semaphore, #tpu.memory_space<semaphore_mem>>) src(%arg21 : memref<64x256xf32, #tpu.memory_space<vmem>>) dst(%dma_wait3A_382 : memref<100000x256xf32, #tpu.memory_space<hbm>>)
    %dma_wait3A_383 = arith.constant 6 : i32
    %dma_wait3A_384 = arith.constant 0 : i32
    %dma_wait3A_385 = tpu.memref_slice %arg14[%dma_wait3A_383, %dma_wait3A_384] : memref<8x64xi32, #tpu.memory_space<vmem>> -> memref<1x64xi32, #tpu.memory_space<vmem>>
    %dma_wait3A_386 = tpu.memref_squeeze %dma_wait3A_385 : memref<1x64xi32, #tpu.memory_space<vmem>> -> memref<64xi32, #tpu.memory_space<vmem>>
    %dma_wait3A_387 = arith.constant 0 : i32
    %dma_wait3A_388 = arith.constant 0 : i32
    %dma_wait3A_389 = tpu.memref_slice %arg8[%dma_wait3A_387, %dma_wait3A_388] : memref<100000x256xf32, #tpu.memory_space<hbm>> -> memref<100000x256xf32, #tpu.memory_space<hbm>>
    tpu.wait_indirect_dma semaphore(%arg30 : memref<!tpu.dma_semaphore, #tpu.memory_space<semaphore_mem>>) src(%arg22 : memref<64x256xf32, #tpu.memory_space<vmem>>) dst(%dma_wait3A_389 : memref<100000x256xf32, #tpu.memory_space<hbm>>)
    %dma_wait3A_390 = arith.constant 7 : i32
    %dma_wait3A_391 = arith.constant 0 : i32
    %dma_wait3A_392 = tpu.memref_slice %arg14[%dma_wait3A_390, %dma_wait3A_391] : memref<8x64xi32, #tpu.memory_space<vmem>> -> memref<1x64xi32, #tpu.memory_space<vmem>>
    %dma_wait3A_393 = tpu.memref_squeeze %dma_wait3A_392 : memref<1x64xi32, #tpu.memory_space<vmem>> -> memref<64xi32, #tpu.memory_space<vmem>>
    %dma_wait3A_394 = arith.constant 0 : i32
    %dma_wait3A_395 = arith.constant 0 : i32
    %dma_wait3A_396 = tpu.memref_slice %arg8[%dma_wait3A_394, %dma_wait3A_395] : memref<100000x256xf32, #tpu.memory_space<hbm>> -> memref<100000x256xf32, #tpu.memory_space<hbm>>
    tpu.wait_indirect_dma semaphore(%arg31 : memref<!tpu.dma_semaphore, #tpu.memory_space<semaphore_mem>>) src(%arg23 : memref<64x256xf32, #tpu.memory_space<vmem>>) dst(%dma_wait3A_396 : memref<100000x256xf32, #tpu.memory_space<hbm>>)
    return
  }
}

</mosaic_0001>

<sc_bundles>
// kernel: msg_agg_sc_rows.3.cloned.1.call-start
scs
__scs_entry_jumppad:
0x0: {  	(pc) =	sbr.rel $0x88, $3  }
0x1: {  	(tag) =	ssettag $0x0;
	lr =	simm.s32 $0x1  }
0x2: {  	[smem:$0x3F9C] =	sst lr;
	_ =	strace $0xD0000000  }
0x3: {  	_ = 	snop  }
0x4: {  	_ = 	snop  }
0x5: {  	_ = 	snop  }
0x6: {  	_ = 	snop  }
0x7: {  	_ = 	snop  }
__scs_overlays_trampoline_lowered:
0x8: {  	[smem:$0x3FAB] =	sst s0  }
0x9: {  	[smem:$0x3FAC] =	sst s1  }
0xa: {  	[smem:$0x3FAD] =	sst s2  }
0xb: {  	[smem:$0x3FAE] =	sst s3  }
0xc: {  	[smem:$0x3FAF] =	sst s4  }
0xd: {  	[smem:$0x3FB0] =	sst s5  }
0xe: {  	[smem:$0x3FB1] =	sst s6  }
0xf: {  	[smem:$0x3FB2] =	sst s7  }
0x10: {  	[smem:$0x3FB3] =	sst s8  }
0x11: {  	[smem:$0x3FB4] =	sst s9;
	s0 =	simm.s32 @!p0 $0x0  }
0x12: {  	s1 =	sld [smem:$0x3F9A];
	s0 =	simm.s32 @p0 $0x1  }
0x13: {  	[smem:$0x3FB5] =	sst s0;
	s0 =	simm.s32 @!p1 $0x0  }
0x14: {  	s2 =	sld [smem:$0x3F99];
	s0 =	simm.s32 @p1 $0x1  }
0x15: {  	[smem:$0x3FB6] =	sst s0;
	s0 =	simm.s32 @!p2 $0x0  }
0x16: {  	s3 =	sld [smem:$0x3FDB];
	s0 =	simm.s32 @p2 $0x1  }
0x17: {  	s4 =	simm.s32 $0x1BF5;
	[smem:$0x3FB8] =	sst s0  }
0x18: {  	s0 =	sld [smem:$0x3F9B];
	_ =	swait.ge [sflag:s4], $0x0  }
0x19: {  	s7 =	sld [smem:$0x3F9C]  }
0x1a: {  	s8 =	sadd.s32 $0xFFFFE003, lr  }
0x1b: {  	s9 =	sadd.s32 $0xFFFFFEF7, lr;
	s5 =	simm.s32 $0xFFFFFFFF;
	p2 =	slt.u32 s8, $0xFFFFF086  }
0x1c: {  	p1 =	slt.u32 s9, $0xF7A;
	s5 =	simm.s32 @!p2 $0x0  }
0x1d: {  	s5 =	simm.s32 @p1 $0x1;
	p0 =	seq.s32 s7, s2  }
0x1e: {  	s7 =	smul.u32 @!p0 $0xF7A, s2;
	p2 =	seq.s32 @!p0 s5, $0x0  }
0x1f: {  	s9 =	smul.u32 $0xF7A, s1;
	s8 =	simm.s32 @!p0 $0x1BF5;
	p2 =	por !p2, p0  }
0x20: {  	[sflag:s8] =	ssyncset.s32 @!p0 $0xFFFFF086;
	s6 =	sadd.s32 @!p0 s3, s7;
	s7 =	simm.s32 @!p0 $0x108  }
0x21: {  	s3 =	sadd.s32 s3, s9;
	s6 =	sadd.s32 @!p0 $0x88, s6;
	s7 =	simm.s32 @p2 $0x1082  }
0x22: {  	[simem:s7], [sflag:s8] =	dma.local @!p0 [hbm:s6], $0xF7A  }
0x23: {  	s9 =	sor.u32 $0xD0000000, s2;
	s6 =	simm.s32 $0x108;
	_ =	swait.ge @!p0 [sflag:s8], $0x0  }
0x24: {  	s3 =	sadd.s32 $0x88, s3;
	s6 =	simm.s32 @!p1 $0x1082;
	[sflag:s4] =	ssyncset.s32 $0xFFFFF086  }
0x25: {  	[simem:s6], [sflag:s4] =	dma.local [hbm:s3], $0xF7A  }
0x26: {  	[smem:$0x3F9C] =	sst s1;
	(tag) =	ssettag s2;
	_ =	strace s9  }
0x27: {  	s1 =	sld [smem:$0x3FAC]  }
0x28: {  	s2 =	sld [smem:$0x3FAD]  }
0x29: {  	s4 =	sld [smem:$0x3FAF]  }
0x2a: {  	p0 =	seq.s32 s5, $0x0;
	s5 =	sld [smem:$0x3FB0]  }
0x2b: {  	s6 =	sld [smem:$0x3FB1]  }
0x2c: {  	s7 =	sld [smem:$0x3FB2]  }
0x2d: {  	s3 =	simm.s32 $0x108;
	s8 =	sld [smem:$0x3FB3]  }
0x2e: {  	s3 =	simm.s32 @!p0 $0x1082;
	s9 =	sld [smem:$0x3FB4]  }
0x2f: {  	lr =	sadd.s32 s0, s3;
	s0 =	sld [smem:$0x3FAB]  }
0x30: {  	s3 =	sld [smem:$0x3FAE]  }
0x31: {  	[smem:$0x3FB7] =	sst s10  }
0x32: {  	s10 =	sld [smem:$0x3FB5];
	_ =	sdelay $0x3  }
0x33: {  	p0 =	seq.s32 s10, $0x1;
	s10 =	sld [smem:$0x3FB7];
	_ =	sdelay $0x3  }
0x34: {  	[smem:$0x3FB7] =	sst s10  }
0x35: {  	s10 =	sld [smem:$0x3FB6];
	_ =	sdelay $0x3  }
0x36: {  	p1 =	seq.s32 s10, $0x1;
	s10 =	sld [smem:$0x3FB7];
	_ =	sdelay $0x3  }
0x37: {  	[smem:$0x3FB7] =	sst s10  }
0x38: {  	s10 =	sld [smem:$0x3FB8]  }
0x39: {  	_ = 	snop;
	(pc) =	sbr.ind lr, $3  }
0x3a: {  	_ = 	snop  }
0x3b: {  	_ = 	snop  }
0x3c: {  	p2 =	seq.s32 s10, $0x1;
	s10 =	sld [smem:$0x3FB7]  }
0x3d: {  	_ =	shalt  }
0x3e: {  	_ =	shalt  }
0x3f: {  	_ =	shalt  }
0x40: {  	_ =	shalt  }
0x41: {  	_ =	shalt  }
0x42: {  	_ =	shalt  }
0x43: {  	_ =	shalt  }
0x44: {  	_ =	shalt  }
0x45: {  	_ =	shalt  }
0x46: {  	_ =	shalt  }
0x47: {  	_ =	shalt  }
0x48: {  	_ =	shalt  }
0x49: {  	_ =	shalt  }
0x4a: {  	_ =	shalt  }
0x4b: {  	_ =	shalt  }
0x4c: {  	_ =	shalt  }
0x4d: {  	_ =	shalt  }
0x4e: {  	_ =	shalt  }
0x4f: {  	_ =	shalt  }
0x50: {  	_ =	shalt  }
0x51: {  	_ =	shalt  }
0x52: {  	_ =	shalt  }
0x53: {  	_ =	shalt  }
0x54: {  	_ =	shalt  }
0x55: {  	_ =	shalt  }
0x56: {  	_ =	shalt  }
0x57: {  	_ =	shalt  }
0x58: {  	_ =	shalt  }
0x59: {  	_ =	shalt  }
0x5a: {  	_ =	shalt  }
0x5b: {  	_ =	shalt  }
0x5c: {  	_ =	shalt  }
0x5d: {  	_ =	shalt  }
0x5e: {  	_ =	shalt  }
0x5f: {  	_ =	shalt  }
0x60: {  	_ =	shalt  }
0x61: {  	_ =	shalt  }
0x62: {  	_ =	shalt  }
0x63: {  	_ =	shalt  }
0x64: {  	_ =	shalt  }
0x65: {  	_ =	shalt  }
0x66: {  	_ =	shalt  }
0x67: {  	_ =	shalt  }
0x68: {  	_ =	shalt  }
0x69: {  	_ =	shalt  }
0x6a: {  	_ =	shalt  }
0x6b: {  	_ =	shalt  }
0x6c: {  	_ =	shalt  }
0x6d: {  	_ =	shalt  }
0x6e: {  	_ =	shalt  }
0x6f: {  	_ =	shalt  }
0x70: {  	_ =	shalt  }
0x71: {  	_ =	shalt  }
0x72: {  	_ =	shalt  }
0x73: {  	_ =	shalt  }
0x74: {  	_ =	shalt  }
0x75: {  	_ =	shalt  }
0x76: {  	_ =	shalt  }
0x77: {  	_ =	shalt  }
0x78: {  	_ =	shalt  }
0x79: {  	_ =	shalt  }
0x7a: {  	_ =	shalt  }
0x7b: {  	_ =	shalt  }
0x7c: {  	_ =	shalt  }
0x7d: {  	_ =	shalt  }
0x7e: {  	_ =	shalt  }
0x7f: {  	_ =	shalt  }
0x80: {  	_ =	shalt  }
0x81: {  	_ =	shalt  }
0x82: {  	_ =	shalt  }
0x83: {  	_ =	shalt  }
0x84: {  	_ =	shalt  }
0x85: {  	_ =	shalt  }
0x86: {  	_ =	shalt  }
0x87: {  	_ =	shalt  }
.Lfunc_end0:
.L_simem_size_0:
called_computation.1_lowered:
.L_overlay_start_0:
0x88: {  	s2 =	sld [smem:$0x3FD9]  }
0x89: {  	s3 =	sld [smem:$0x3FFE];
	_ =	sdelay $0x1  }
0x8a: {  	s1 =	srdreg.scid  }
0x8b: {  	s0 =	sand.u32 $0x1, s1  }
0x8c: {  	s14 =	sshll.u32 s0, $0xA;
	s2 =	sadd.s32 s3, s2  }
0x8d: {  	s2 =	sadd.s32 s2, s14  }
0x8e: {  	[smem:$0x3FC3] =	sst s2  }
0x8f: {  	_ = 	snop  }
0x90: {  	s2 =	sld [smem:$0x3FC8]  }
0x91: {  	s15 =	sld [smem:$0x3FD0]  }
0x92: {  	s4 =	sld [smem:$0x3FC7]  }
0x93: {  	s5 =	sld [smem:$0x3FC6]  }
0x94: {  	s7 =	simm.s32 $0xA;
	s8 =	simm.s32 $0x10;
	s6 =	sld [smem:$0x3FC5]  }
0x95: {  	[smem:s8], [sflag:s7] =	dma.local [hbm:s15], $0x1  }
0x96: {  	_ =	swait.eq [sflag:s7], $0x1  }
0x97: {  	s16 =	sld [smem:$0x10];
	[sflag:s7] =	ssyncset.done $0x0  }
0x98: {  	s17 =	sld [smem:$0x11];
	[sflag:s7] =	ssyncadd.s32 $0xFFFFFFFF  }
0x99: {  	s18 =	sld [smem:$0x12];
	(tm) =	ssettm $0x1  }
0x9a: {  	s9 =	sld [smem:$0x3FFB];
	_ =	sdelay $0x3  }
0x9b: {  	_ =	strace s9  }
0x9c: {  	s9 =	sld [smem:$0x3FFC];
	_ =	sdelay $0x3  }
0x9d: {  	_ =	strace s9  }
0x9e: {  	s9 =	sld [smem:$0x3FFD];
	_ =	sdelay $0x3  }
0x9f: {  	_ =	strace s9  }
0xa0: {  	_ =	strace $0x8FFFFFFF  }
0xa1: {  	s19 =	sld [smem:$0x3FDB];
	_ =	sdelay $0x1  }
0xa2: {  	s10 =	simm.s32 $_scs_section_size  }
0xa3: {  	s11 =	simm.s32 $_size__tile_overlayer_lowered;
	s12 =	simm.s32 $_tile_overlayer_lowered  }
0xa4: {  	s22 =	simm.s32 $0x1BFF;
	s21 =	sshll.u32 s12, $0x1;
	s9 =	sadd.s32 s10, s19  }
0xa5: {  	s13 =	simm.s32 $0x0;
	s20 =	sshll.u32 s11, $0x1;
	s11 =	sadd.s32 s21, s9  }
0xa6: {  	[timem:s13], [sflag:s22] =	dma.local [hbm:s11], s20  }
0xa7: {  	_ =	swait.ge [sflag:s22], s20  }
0xa8: {  	s10 =	ssub.s32 $0x0, s20;
	[sflag:s22] =	ssyncset.done $0x0  }
0xa9: {  	[sflag:s22] =	ssyncadd.s32 s10;
	_ =	sdelay $0x1  }
0xaa: {  	s23 =	simm.s32 $0x1B8B  }
0xab: {  	_ =	swait.ge [sflag:s23], $0x1  }
0xac: {  	[sflag:s23] =	ssyncset.done $0x0  }
0xad: {  	s25 =	simm.s32 $0x1B8E;
	s24 =	sld [smem:$0x3FFE];
	[sflag:s23] =	ssyncadd.s32 $0xFFFFFFFF  }
0xae: {  	s26 =	simm.s32 $execute0_lowered;
	[smem:$0x3FD2] =	sst s25  }
0xaf: {  	s11 =	sshll.u32 s26, $0x1;
	_ =	strace $0x80000049;
	[dreg:$0x1] =	wrdreg $0xFFFFFFFF  }
0xb0: {  	s28 =	simm.s32 $_size_execute0_lowered;
	s9 =	sadd.s32 s9, s11;
	[dreg:$0x0] =	wrdreg $0x0  }
0xb1: {  	s11 =	sshll.u32 s28, $0x1;
	[dreg:$0x2] =	wrdreg s9  }
0xb2: {  	[dreg:$0x3] =	wrdreg s11  }
0xb3: {  	[dreg:$0x4] =	wrdreg $0xC0  }
0xb4: {  	_ =	task [dreg:s13], $0x5FFFF  }
0xb5: {  	[dreg:$0x1] =	wrdreg $0xFFFFFFFF  }
0xb6: {  	[dreg:$0x0] =	wrdreg $0x60  }
0xb7: {  	[dreg:$0x2] =	wrdreg s4  }
0xb8: {  	[dreg:$0x3] =	wrdreg s18  }
0xb9: {  	[dreg:$0x4] =	wrdreg s5  }
0xba: {  	[dreg:$0x5] =	wrdreg s6  }
0xbb: {  	[dreg:$0x6] =	wrdreg s2  }
0xbc: {  	[dreg:$0x7] =	wrdreg s24  }
0xbd: {  	[dreg:$0x8] =	wrdreg s16  }
0xbe: {  	[dreg:$0x9] =	wrdreg s17  }
0xbf: {  	[dreg:$0xa] =	wrdreg $0x9  }
0xc0: {  	_ =	task.clear_ibuf [dreg:s13], $0xBFFFF;
	_ =	strace $0x90000049  }
0xc1: {  	s29 =	simm.s32 $0x9;
	_ =	strace $0x8000004B  }
0xc2: {  	_ =	swait.ge [sflag:s29], $0x1  }
0xc3: {  	[sflag:s29] =	ssyncadd.s32 $0xFFFFFFFF  }
0xc4: {  	_ =	strace $0x9000004B  }
0xc5: {  	_ =	sfence  }
0xc6: {  	s30 =	sld [smem:$0x0];
	_ =	sdelay $0x2  }
0xc7: {  	s31 =	sshll.u32 s1, $0xD;
	s1 =	sshrl.u32 s1, $0x2  }
0xc8: {  	s3 =	sand.u32 $0x4000, s31;
	s1 =	sadd.s32 s1, s30  }
0xc9: {  	s0 =	sor.u32 s3, s0;
	s1 =	sshll.u32 s1, $0x11  }
0xca: {  	s0 =	sor.u32 s1, s0  }
0xcb: {  	s0 =	sadd.s32 $0x8F2B, s0  }
0xcc: {  	[sflag:s0] =	ssyncadd.remote.s32 $0x1  }
0xcd: {  	_ =	sfence.sel $0xFFFF  }
0xce: {  	[dreg:$0x0] =	wrdreg $0xFFFFFFFF;
	(pc) =	sbr.abs _section_cstart, $3  }
0xcf: {  	[dreg:$0x1] =	wrdreg $0xFFFFFFFF  }
0xd0: {  	_ =	task.clear_ibuf [dreg:s13], $0x2FFFF;
	_ =	strace $0x9FFFFFFF  }
0xd1: {  	(tm) =	ssettm $0x7FFFFFFF  }
tec
execute0_lowered:
.L_overlay_start_1:
0x0: {  	(tag) =	ssettag $0x1  }
0x1: {  	s1 =	rddreg [dreg:$0x0]  }
0x2: {  	s2 =	rddreg [dreg:$0x1]  }
0x3: {  	s0 =	rddreg [dreg:$0x2]  }
0x4: {  	s23 =	rddreg [dreg:$0x3]  }
0x5: {  	s3 =	rddreg [dreg:$0x4]  }
0x6: {  	s6 =	rddreg [dreg:$0x5]  }
0x7: {  	s4 =	rddreg [dreg:$0x6]  }
0x8: {  	s5 =	srdreg.scid;
	s9 =	stileid.u32  }
0x9: {  	s7 =	rddreg [dreg:$0x7];
	s14 =	simm.s32 $0x800;
	s15 =	simm.s32 $0x9  }
0xa: {  	s29 =	simm.s32 $0x9800;
	s16 =	simm.s32 $0xB800;
	s17 =	simm.s32 $0xC000  }
0xb: {  	s18 =	simm.s32 $0xC800;
	s19 =	simm.s32 $0xD000;
	s20 =	simm.s32 $0xD800  }
0xc: {  	s21 =	simm.s32 $0xE000;
	s22 =	simm.s32 $0xE800;
	s13 =	simm.s32 $0xF000  }
0xd: {  	s8 =	sand.u32 $0x1, s5;
	s9 =	sshll.u32 s9, $0x1;
	s5 =	simm.s32 $0x0  }
0xe: {  	s9 =	sor.u32 s8, s9;
	[smem:$0x7FF] =	sst s5;
	s8 =	ssub.s32 $0x2, s8  }
0xf: {  	s10 =	smul.u32 $0x1F4, s9;
	_ =	strace $0x8000004A;
	s11 =	sshrl.u32 s8, $0x1  }
0x10: {  	s12 =	sshll.u32 s9, $0x6;
	p0 =	sgt.u32 s9, $0x18;
	s8 =	ssub.s32 s8, s11  }
0x11: {  	s24 =	sadd.s32 s1, s12;
	s25 =	sadd.s32 s2, s12;
	s12 =	simm.s32 $0xB000  }
0x12: {  	s1 =	simm.s32 $0xF800;
	s2 =	simm.s32 $0x10000;
	[dreg:$0xe] =	wrdreg s25  }
0x13: {  	s6 =	sadd.s32 s10, s6;
	s3 =	sadd.s32 s3, s10;
	[dreg:$0xf] =	wrdreg s24  }
.Ltmp0:
0x14: {  	s30 =	sadd.s32 s7, s10;
	[dreg:$0xa] =	wrdreg s3;
	(pc) =	sbr.rel .LBB2_1-.Ltmp0, $4  }
0x15: {  	s31 =	smax.u32 s8, $0x1;
	s10 =	simm.s32 $0x8800;
	[dreg:$0xc] =	wrdreg s30  }
0x16: {  	v2 =	vlaneseq.u32;
	s8 =	simm.s32 $0xA000;
	s26 =	sadd.s32 $0x1000, s6;
	[dreg:$0xd] =	wrdreg s31  }
0x17: {  	vm0 =	vmmov $0xffff;
	v3 =	vimm.s32 $0x0;
	v1 =	vshrl.u32 v2, $0x3;
	s28 =	sadd.s32 $0x4200, s6;
	s6 =	simm.s32 $0xA800;
	[dreg:$0x9] =	wrdreg s26  }
0x18: {  	v0 =	vand.u32 $0x7, v2;
	v2 =	vor.u32 $0x8, v2;
	v1 =	vmul.u32 $0x8, v1;
	s3 =	simm.s32 $0x0;
	[dreg:$0xb] =	wrdreg s28;
	s26 =	simm.s32 $0x9000  }
.LBB2_4:
0x19: {  	_ = 	snop  }
0x1a: {  	v8 =	vld [tilespmem:s1+$0x4800]  }
0x1b: {  	v4 =	vsel vm1, v4, v7  }
0x1c: {  	vm1 =	vgt.s32 v6, $0xFFFFFFFF;
	[tilespmem:s2+$0x7800] =	vst v4  }
0x1d: {  	v4 =	vsel vm1, $0x1, v3;
	v5 =	vld.idx.msk [tilespmem:v5+s14+$0x0], $0xffff  }
0x1e: {  	[tilespmem:s3+$0x6800] =	vst v4;
	v4 =	vld [tilespmem:s3+$0x5800]  }
0x1f: {  	vm2 =	vgt.s32 v8, $0x0  }
0x20: {  	v63 =	vnsel vm2, $0x0, v8;
	_ =	sdelay $0x2  }
0x21: {  	v4 =	vsel vm1, v5, v4  }
0x22: {  	vm1 =	vgt.s32 v8, $0xFFFFFFFF;
	[tilespmem:s3+$0x7800] =	vst v4  }
0x23: {  	v4 =	vsel vm1, $0x1, v3;
	v5 =	vld.idx.msk [tilespmem:v63+s14+$0x0], $0xffff  }
0x24: {  	[tilespmem:s1+$0x6800] =	vst v4;
	v4 =	vld [tilespmem:s1+$0x5800];
	_ =	sdelay $0x4  }
0x25: {  	v4 =	vsel vm1, v5, v4  }
0x26: {  	s28 =	rddreg [dreg:$0xb];
	s29 =	simm.s32 $0x6800;
	[tilespmem:s1+$0x7800] =	vst v4  }
0x27: {  	[hbm4b:s28+s5] =	stream.linear.scatter [tilespmem:s29], [sflag:$0x9], $0xFA0, $0x38;
	[tilespmem:$0x18800] =	vst v63  }
0x28: {  	_ =	swait.ge [sflag:s15], $0xFA0  }
0x29: {  	[sflag:s15] =	ssyncset.done $0x0  }
0x2a: {  	s31 =	simm.s32 $0x7800;
	s30 =	rddreg [dreg:$0xc];
	[sflag:s15] =	ssyncadd.s32 $0xFFFFF060  }
0x2b: {  	[hbm4b:s30+s5] =	stream.linear.scatter [tilespmem:s31], [sflag:$0x9], $0xFA0, $0x38;
	[tilespmem:$0x18800] =	vst v63  }
0x2c: {  	_ =	swait.ge [sflag:s15], $0xFA0  }
0x2d: {  	[sflag:s15] =	ssyncset.done $0x0  }
0x2e: {  	[sflag:s15] =	ssyncadd.s32 $0xFFFFF060  }
.LBB2_5:
0x2f: {  	v4 =	vld [tilespmem:$0x280];
	_ =	sdelay $0x4  }
0x30: {  	v5 =	vshll.u32 v4, $0x1  }
0x31: {  	v4 =	vand.u32 $0x7, v4;
	v5 =	vand.u32 $0xFFFFFFF0, v5  }
0x32: {  	v4 =	vor.u32 v4, v5  }
0x33: {  	v5 =	vperm.xlane v4, v0;
	_ =	sdelay $0x1  }
0x34: {  	v4 =	vperm.xlane v4, v2;
	v5 =	vadd.s32 v1, v5;
	_ =	sdelay $0x1  }
0x35: {  	v4 =	vadd.s32 v1, v4;
	_ =	sdelay $0x1  }
0x36: {  	s1 =	simm.s32 $0x10800  }
0x37: {  	[tilespmem:s1], [sflag:$0x3] =	stream.indirect_vreg.gather [hbm4b:s0+s5], $0x80, v5, vm0, $0xb8;
	[tilespmem:$0x18800] =	vst v63  }
0x38: {  	s6 =	simm.s32 $0x11000  }
0x39: {  	[tilespmem:s6], [sflag:$0x3] =	stream.indirect_vreg.gather [hbm4b:s0+s5], $0x80, v4, vm0, $0xb8;
	[tilespmem:$0x18800] =	vst v63  }
0x3a: {  	v4 =	vld [tilespmem:$0x290];
	_ =	sdelay $0x4  }
0x3b: {  	v5 =	vshll.u32 v4, $0x1  }
0x3c: {  	v4 =	vand.u32 $0x7, v4;
	v5 =	vand.u32 $0xFFFFFFF0, v5  }
0x3d: {  	v4 =	vor.u32 v4, v5  }
0x3e: {  	v5 =	vperm.xlane v4, v0;
	_ =	sdelay $0x1  }
0x3f: {  	v4 =	vperm.xlane v4, v2;
	v5 =	vadd.s32 v1, v5;
	_ =	sdelay $0x1  }
0x40: {  	v4 =	vadd.s32 v1, v4;
	_ =	sdelay $0x1  }
0x41: {  	s8 =	simm.s32 $0x11800  }
0x42: {  	[tilespmem:s8], [sflag:$0x3] =	stream.indirect_vreg.gather [hbm4b:s0+s5], $0x80, v5, vm0, $0xb8;
	[tilespmem:$0x18800] =	vst v63  }
0x43: {  	s9 =	simm.s32 $0x12000  }
0x44: {  	[tilespmem:s9], [sflag:$0x3] =	stream.indirect_vreg.gather [hbm4b:s0+s5], $0x80, v4, vm0, $0xb8;
	[tilespmem:$0x18800] =	vst v63  }
0x45: {  	v4 =	vld [tilespmem:$0x2A0];
	_ =	sdelay $0x4  }
0x46: {  	v5 =	vshll.u32 v4, $0x1  }
0x47: {  	v4 =	vand.u32 $0x7, v4;
	v5 =	vand.u32 $0xFFFFFFF0, v5  }
0x48: {  	v4 =	vor.u32 v4, v5  }
0x49: {  	v5 =	vperm.xlane v4, v0;
	_ =	sdelay $0x1  }
0x4a: {  	v4 =	vperm.xlane v4, v2;
	v5 =	vadd.s32 v1, v5;
	_ =	sdelay $0x1  }
0x4b: {  	v4 =	vadd.s32 v1, v4;
	_ =	sdelay $0x1  }
0x4c: {  	s10 =	simm.s32 $0x12800  }
0x4d: {  	[tilespmem:s10], [sflag:$0x3] =	stream.indirect_vreg.gather [hbm4b:s0+s5], $0x80, v5, vm0, $0xb8;
	[tilespmem:$0x18800] =	vst v63  }
0x4e: {  	s11 =	simm.s32 $0x13000  }
0x4f: {  	[tilespmem:s11], [sflag:$0x3] =	stream.indirect_vreg.gather [hbm4b:s0+s5], $0x80, v4, vm0, $0xb8;
	[tilespmem:$0x18800] =	vst v63  }
0x50: {  	v4 =	vld [tilespmem:$0x2B0];
	_ =	sdelay $0x4  }
0x51: {  	v5 =	vshll.u32 v4, $0x1  }
0x52: {  	v4 =	vand.u32 $0x7, v4;
	v5 =	vand.u32 $0xFFFFFFF0, v5  }
0x53: {  	v4 =	vor.u32 v4, v5  }
0x54: {  	v5 =	vperm.xlane v4, v0;
	_ =	sdelay $0x1  }
0x55: {  	v4 =	vperm.xlane v4, v2;
	v5 =	vadd.s32 v1, v5;
	_ =	sdelay $0x1  }
0x56: {  	v4 =	vadd.s32 v1, v4;
	_ =	sdelay $0x1  }
0x57: {  	s12 =	simm.s32 $0x13800  }
0x58: {  	[tilespmem:s12], [sflag:$0x3] =	stream.indirect_vreg.gather [hbm4b:s0+s5], $0x80, v5, vm0, $0xb8;
	[tilespmem:$0x18800] =	vst v63  }
0x59: {  	s13 =	simm.s32 $0x14000;
	s30 =	simm.s32 $0x1  }
0x5a: {  	[tilespmem:s13], [sflag:$0x3] =	stream.indirect_vreg.gather [hbm4b:s0+s5], $0x80, v4, vm0, $0xb8;
	[tilespmem:$0x18800] =	vst v63  }
0x5b: {  	_ =	swait.ge [sflag:s30], $0x4000  }
0x5c: {  	[sflag:s30] =	ssyncset.done $0x0  }
0x5d: {  	[sflag:s30] =	ssyncadd.s32 $0xFFFFC000  }
0x5e: {  	v4 =	vld [tilespmem:$0x400];
	_ =	sdelay $0x4  }
0x5f: {  	v5 =	vshll.u32 v4, $0x1  }
0x60: {  	v4 =	vand.u32 $0x7, v4;
	v5 =	vand.u32 $0xFFFFFFF0, v5  }
0x61: {  	v4 =	vor.u32 v4, v5  }
0x62: {  	v5 =	vperm.xlane v4, v0;
	_ =	sdelay $0x1  }
0x63: {  	v4 =	vperm.xlane v4, v2;
	v5 =	vadd.s32 v1, v5;
	_ =	sdelay $0x1  }
0x64: {  	v4 =	vadd.s32 v1, v4;
	_ =	sdelay $0x1  }
0x65: {  	s15 =	simm.s32 $0x8800  }
0x66: {  	[hbm4b:s4+s5] =	stream.indirect_vreg.scatter [tilespmem:s15], [sflag:$0x5], $0x80, v5, vm0, $0xb8;
	[tilespmem:$0x18800] =	vst v63  }
0x67: {  	s16 =	simm.s32 $0x9000  }
0x68: {  	[hbm4b:s4+s5] =	stream.indirect_vreg.scatter [tilespmem:s16], [sflag:$0x5], $0x80, v4, vm0, $0xb8;
	[tilespmem:$0x18800] =	vst v63  }
0x69: {  	v4 =	vld [tilespmem:$0x410];
	_ =	sdelay $0x4  }
0x6a: {  	v5 =	vshll.u32 v4, $0x1  }
0x6b: {  	v4 =	vand.u32 $0x7, v4;
	v5 =	vand.u32 $0xFFFFFFF0, v5  }
0x6c: {  	v4 =	vor.u32 v4, v5  }
0x6d: {  	v5 =	vperm.xlane v4, v0;
	_ =	sdelay $0x1  }
0x6e: {  	v4 =	vperm.xlane v4, v2;
	v5 =	vadd.s32 v1, v5;
	_ =	sdelay $0x1  }
0x6f: {  	v4 =	vadd.s32 v1, v4;
	_ =	sdelay $0x1  }
0x70: {  	s17 =	simm.s32 $0x9800  }
0x71: {  	[hbm4b:s4+s5] =	stream.indirect_vreg.scatter [tilespmem:s17], [sflag:$0x5], $0x80, v5, vm0, $0xb8;
	[tilespmem:$0x18800] =	vst v63  }
0x72: {  	s8 =	simm.s32 $0xA000  }
0x73: {  	[hbm4b:s4+s5] =	stream.indirect_vreg.scatter [tilespmem:s8], [sflag:$0x5], $0x80, v4, vm0, $0xb8;
	[tilespmem:$0x18800] =	vst v63  }
0x74: {  	v4 =	vld [tilespmem:$0x420];
	_ =	sdelay $0x4  }
0x75: {  	v5 =	vshll.u32 v4, $0x1  }
0x76: {  	v4 =	vand.u32 $0x7, v4;
	v5 =	vand.u32 $0xFFFFFFF0, v5  }
0x77: {  	v4 =	vor.u32 v4, v5  }
0x78: {  	v5 =	vperm.xlane v4, v0;
	_ =	sdelay $0x1  }
0x79: {  	v4 =	vperm.xlane v4, v2;
	v5 =	vadd.s32 v1, v5;
	_ =	sdelay $0x1  }
0x7a: {  	v4 =	vadd.s32 v1, v4;
	_ =	sdelay $0x1  }
0x7b: {  	s6 =	simm.s32 $0xA800  }
0x7c: {  	[hbm4b:s4+s5] =	stream.indirect_vreg.scatter [tilespmem:s6], [sflag:$0x5], $0x80, v5, vm0, $0xb8;
	[tilespmem:$0x18800] =	vst v63  }
0x7d: {  	s12 =	simm.s32 $0xB000  }
0x7e: {  	[hbm4b:s4+s5] =	stream.indirect_vreg.scatter [tilespmem:s12], [sflag:$0x5], $0x80, v4, vm0, $0xb8;
	[tilespmem:$0x18800] =	vst v63  }
0x7f: {  	v4 =	vld [tilespmem:$0x430];
	_ =	sdelay $0x4  }
0x80: {  	v5 =	vshll.u32 v4, $0x1  }
0x81: {  	v4 =	vand.u32 $0x7, v4;
	v5 =	vand.u32 $0xFFFFFFF0, v5  }
0x82: {  	v4 =	vor.u32 v4, v5  }
0x83: {  	v5 =	vperm.xlane v4, v0;
	_ =	sdelay $0x1  }
0x84: {  	v4 =	vperm.xlane v4, v2;
	v5 =	vadd.s32 v1, v5;
	_ =	sdelay $0x1  }
0x85: {  	v4 =	vadd.s32 v1, v4;
	_ =	sdelay $0x1  }
0x86: {  	s16 =	simm.s32 $0xB800  }
0x87: {  	[hbm4b:s4+s5] =	stream.indirect_vreg.scatter [tilespmem:s16], [sflag:$0x5], $0x80, v5, vm0, $0xb8;
	[tilespmem:$0x18800] =	vst v63  }
0x88: {  	s17 =	simm.s32 $0xC000  }
0x89: {  	[hbm4b:s4+s5] =	stream.indirect_vreg.scatter [tilespmem:s17], [sflag:$0x5], $0x80, v4, vm0, $0xb8;
	[tilespmem:$0x18800] =	vst v63  }
0x8a: {  	v4 =	vld [tilespmem:$0x2C0];
	_ =	sdelay $0x4  }
0x8b: {  	v5 =	vshll.u32 v4, $0x1  }
0x8c: {  	v4 =	vand.u32 $0x7, v4;
	v5 =	vand.u32 $0xFFFFFFF0, v5  }
0x8d: {  	v4 =	vor.u32 v4, v5  }
0x8e: {  	v5 =	vperm.xlane v4, v0;
	_ =	sdelay $0x1  }
0x8f: {  	v4 =	vperm.xlane v4, v2;
	v5 =	vadd.s32 v1, v5;
	_ =	sdelay $0x1  }
0x90: {  	v4 =	vadd.s32 v1, v4;
	_ =	sdelay $0x1  }
0x91: {  	s18 =	simm.s32 $0x14800  }
0x92: {  	[tilespmem:s18], [sflag:$0x4] =	stream.indirect_vreg.gather [hbm4b:s0+s5], $0x80, v5, vm0, $0xb8;
	[tilespmem:$0x18800] =	vst v63  }
0x93: {  	s19 =	simm.s32 $0x15000  }
0x94: {  	[tilespmem:s19], [sflag:$0x4] =	stream.indirect_vreg.gather [hbm4b:s0+s5], $0x80, v4, vm0, $0xb8;
	[tilespmem:$0x18800] =	vst v63  }
0x95: {  	v4 =	vld [tilespmem:$0x2D0];
	_ =	sdelay $0x4  }
0x96: {  	v5 =	vshll.u32 v4, $0x1  }
0x97: {  	v4 =	vand.u32 $0x7, v4;
	v5 =	vand.u32 $0xFFFFFFF0, v5  }
0x98: {  	v4 =	vor.u32 v4, v5  }
0x99: {  	v5 =	vperm.xlane v4, v0;
	_ =	sdelay $0x1  }
0x9a: {  	v4 =	vperm.xlane v4, v2;
	v5 =	vadd.s32 v1, v5;
	_ =	sdelay $0x1  }
0x9b: {  	v4 =	vadd.s32 v1, v4;
	_ =	sdelay $0x1  }
0x9c: {  	s20 =	simm.s32 $0x15800  }
0x9d: {  	[tilespmem:s20], [sflag:$0x4] =	stream.indirect_vreg.gather [hbm4b:s0+s5], $0x80, v5, vm0, $0xb8;
	[tilespmem:$0x18800] =	vst v63  }
0x9e: {  	s21 =	simm.s32 $0x16000  }
0x9f: {  	[tilespmem:s21], [sflag:$0x4] =	stream.indirect_vreg.gather [hbm4b:s0+s5], $0x80, v4, vm0, $0xb8;
	[tilespmem:$0x18800] =	vst v63  }
0xa0: {  	v4 =	vld [tilespmem:$0x2E0];
	_ =	sdelay $0x4  }
0xa1: {  	v5 =	vshll.u32 v4, $0x1  }
0xa2: {  	v4 =	vand.u32 $0x7, v4;
	v5 =	vand.u32 $0xFFFFFFF0, v5  }
0xa3: {  	v4 =	vor.u32 v4, v5  }
0xa4: {  	v5 =	vperm.xlane v4, v0;
	_ =	sdelay $0x1  }
0xa5: {  	v4 =	vperm.xlane v4, v2;
	v5 =	vadd.s32 v1, v5;
	_ =	sdelay $0x1  }
0xa6: {  	v4 =	vadd.s32 v1, v4;
	_ =	sdelay $0x1  }
0xa7: {  	s22 =	simm.s32 $0x16800  }
0xa8: {  	[tilespmem:s22], [sflag:$0x4] =	stream.indirect_vreg.gather [hbm4b:s0+s5], $0x80, v5, vm0, $0xb8;
	[tilespmem:$0x18800] =	vst v63  }
0xa9: {  	s23 =	simm.s32 $0x17000  }
0xaa: {  	[tilespmem:s23], [sflag:$0x4] =	stream.indirect_vreg.gather [hbm4b:s0+s5], $0x80, v4, vm0, $0xb8;
	[tilespmem:$0x18800] =	vst v63  }
0xab: {  	v4 =	vld [tilespmem:$0x2F0];
	_ =	sdelay $0x4  }
0xac: {  	v5 =	vshll.u32 v4, $0x1  }
0xad: {  	v4 =	vand.u32 $0x7, v4;
	v5 =	vand.u32 $0xFFFFFFF0, v5  }
0xae: {  	v4 =	vor.u32 v4, v5  }
0xaf: {  	v5 =	vperm.xlane v4, v0;
	_ =	sdelay $0x1  }
0xb0: {  	v4 =	vperm.xlane v4, v2;
	v5 =	vadd.s32 v1, v5;
	_ =	sdelay $0x1  }
0xb1: {  	v4 =	vadd.s32 v1, v4;
	_ =	sdelay $0x1  }
0xb2: {  	s24 =	simm.s32 $0x17800  }
0xb3: {  	[tilespmem:s24], [sflag:$0x4] =	stream.indirect_vreg.gather [hbm4b:s0+s5], $0x80, v5, vm0, $0xb8;
	[tilespmem:$0x18800] =	vst v63  }
0xb4: {  	s25 =	simm.s32 $0x18000;
	s26 =	simm.s32 $0x2  }
0xb5: {  	[tilespmem:s25], [sflag:$0x4] =	stream.indirect_vreg.gather [hbm4b:s0+s5], $0x80, v4, vm0, $0xb8;
	[tilespmem:$0x18800] =	vst v63  }
0xb6: {  	_ =	swait.ge [sflag:s26], $0x4000  }
0xb7: {  	[sflag:s26] =	ssyncset.done $0x0  }
0xb8: {  	[sflag:s26] =	ssyncadd.s32 $0xFFFFC000  }
0xb9: {  	v4 =	vld [tilespmem:$0x480];
	_ =	sdelay $0x4  }
0xba: {  	v5 =	vshll.u32 v4, $0x1  }
0xbb: {  	v4 =	vand.u32 $0x7, v4;
	v5 =	vand.u32 $0xFFFFFFF0, v5  }
0xbc: {  	v4 =	vor.u32 v4, v5  }
0xbd: {  	v5 =	vperm.xlane v4, v0;
	_ =	sdelay $0x1  }
0xbe: {  	v4 =	vperm.xlane v4, v2;
	v5 =	vadd.s32 v1, v5;
	_ =	sdelay $0x1  }
0xbf: {  	v4 =	vadd.s32 v1, v4;
	_ =	sdelay $0x1  }
0xc0: {  	s18 =	simm.s32 $0xC800  }
0xc1: {  	[hbm4b:s4+s5] =	stream.indirect_vreg.scatter [tilespmem:s18], [sflag:$0x6], $0x80, v5, vm0, $0xb8;
	[tilespmem:$0x18800] =	vst v63  }
0xc2: {  	s19 =	simm.s32 $0xD000  }
0xc3: {  	[hbm4b:s4+s5] =	stream.indirect_vreg.scatter [tilespmem:s19], [sflag:$0x6], $0x80, v4, vm0, $0xb8;
	[tilespmem:$0x18800] =	vst v63  }
0xc4: {  	v4 =	vld [tilespmem:$0x490];
	_ =	sdelay $0x4  }
0xc5: {  	v5 =	vshll.u32 v4, $0x1  }
0xc6: {  	v4 =	vand.u32 $0x7, v4;
	v5 =	vand.u32 $0xFFFFFFF0, v5  }
0xc7: {  	v4 =	vor.u32 v4, v5  }
0xc8: {  	v5 =	vperm.xlane v4, v0;
	_ =	sdelay $0x1  }
0xc9: {  	v4 =	vperm.xlane v4, v2;
	v5 =	vadd.s32 v1, v5;
	_ =	sdelay $0x1  }
0xca: {  	v4 =	vadd.s32 v1, v4;
	_ =	sdelay $0x1  }
0xcb: {  	s20 =	simm.s32 $0xD800  }
0xcc: {  	[hbm4b:s4+s5] =	stream.indirect_vreg.scatter [tilespmem:s20], [sflag:$0x6], $0x80, v5, vm0, $0xb8;
	[tilespmem:$0x18800] =	vst v63  }
0xcd: {  	s21 =	simm.s32 $0xE000  }
0xce: {  	[hbm4b:s4+s5] =	stream.indirect_vreg.scatter [tilespmem:s21], [sflag:$0x6], $0x80, v4, vm0, $0xb8;
	[tilespmem:$0x18800] =	vst v63  }
0xcf: {  	v4 =	vld [tilespmem:$0x4A0];
	_ =	sdelay $0x4  }
0xd0: {  	v5 =	vshll.u32 v4, $0x1  }
0xd1: {  	v4 =	vand.u32 $0x7, v4;
	v5 =	vand.u32 $0xFFFFFFF0, v5  }
0xd2: {  	v4 =	vor.u32 v4, v5  }
0xd3: {  	v5 =	vperm.xlane v4, v0;
	_ =	sdelay $0x1  }
0xd4: {  	v4 =	vperm.xlane v4, v2;
	v5 =	vadd.s32 v1, v5;
	_ =	sdelay $0x1  }
0xd5: {  	v4 =	vadd.s32 v1, v4;
	_ =	sdelay $0x1  }
0xd6: {  	s22 =	simm.s32 $0xE800  }
0xd7: {  	[hbm4b:s4+s5] =	stream.indirect_vreg.scatter [tilespmem:s22], [sflag:$0x6], $0x80, v5, vm0, $0xb8;
	[tilespmem:$0x18800] =	vst v63  }
0xd8: {  	s13 =	simm.s32 $0xF000  }
0xd9: {  	[hbm4b:s4+s5] =	stream.indirect_vreg.scatter [tilespmem:s13], [sflag:$0x6], $0x80, v4, vm0, $0xb8;
	[tilespmem:$0x18800] =	vst v63  }
0xda: {  	v4 =	vld [tilespmem:$0x4B0];
	_ =	sdelay $0x4  }
0xdb: {  	v5 =	vshll.u32 v4, $0x1  }
0xdc: {  	v4 =	vand.u32 $0x7, v4;
	v5 =	vand.u32 $0xFFFFFFF0, v5  }
0xdd: {  	v4 =	vor.u32 v4, v5  }
0xde: {  	v5 =	vperm.xlane v4, v0;
	_ =	sdelay $0x1  }
0xdf: {  	v4 =	vperm.xlane v4, v2;
	v5 =	vadd.s32 v1, v5;
	_ =	sdelay $0x1  }
0xe0: {  	v4 =	vadd.s32 v1, v4;
	_ =	sdelay $0x1  }
0xe1: {  	s1 =	simm.s32 $0xF800  }
0xe2: {  	[hbm4b:s4+s5] =	stream.indirect_vreg.scatter [tilespmem:s1], [sflag:$0x6], $0x80, v5, vm0, $0xb8;
	[tilespmem:$0x18800] =	vst v63  }
0xe3: {  	s2 =	simm.s32 $0x10000;
	s3 =	simm.s32 $0x5  }
0xe4: {  	[hbm4b:s4+s5] =	stream.indirect_vreg.scatter [tilespmem:s2], [sflag:$0x6], $0x80, v4, vm0, $0xb8;
	[tilespmem:$0x18800] =	vst v63  }
0xe5: {  	_ =	swait.ge [sflag:s3], $0x4000  }
0xe6: {  	[sflag:s3] =	ssyncset.done $0x0  }
0xe7: {  	[sflag:s3] =	ssyncadd.s32 $0xFFFFC000  }
0xe8: {  	v4 =	vld [tilespmem:$0x300];
	_ =	sdelay $0x4  }
0xe9: {  	v5 =	vshll.u32 v4, $0x1  }
0xea: {  	v4 =	vand.u32 $0x7, v4;
	v5 =	vand.u32 $0xFFFFFFF0, v5  }
0xeb: {  	v4 =	vor.u32 v4, v5  }
0xec: {  	v5 =	vperm.xlane v4, v0;
	_ =	sdelay $0x1  }
0xed: {  	v4 =	vperm.xlane v4, v2;
	v5 =	vadd.s32 v1, v5;
	_ =	sdelay $0x1  }
0xee: {  	v4 =	vadd.s32 v1, v4;
	_ =	sdelay $0x1  }
0xef: {  	s9 =	simm.s32 $0x8800  }
0xf0: {  	[tilespmem:s9], [sflag:$0x1] =	stream.indirect_vreg.gather [hbm4b:s0+s5], $0x80, v5, vm0, $0xb8;
	[tilespmem:$0x18800] =	vst v63  }
0xf1: {  	s11 =	simm.s32 $0x9000  }
0xf2: {  	[tilespmem:s11], [sflag:$0x1] =	stream.indirect_vreg.gather [hbm4b:s0+s5], $0x80, v4, vm0, $0xb8;
	[tilespmem:$0x18800] =	vst v63  }
0xf3: {  	v4 =	vld [tilespmem:$0x310];
	_ =	sdelay $0x4  }
0xf4: {  	v5 =	vshll.u32 v4, $0x1  }
0xf5: {  	v4 =	vand.u32 $0x7, v4;
	v5 =	vand.u32 $0xFFFFFFF0, v5  }
0xf6: {  	v4 =	vor.u32 v4, v5  }
0xf7: {  	v5 =	vperm.xlane v4, v0;
	_ =	sdelay $0x1  }
0xf8: {  	v4 =	vperm.xlane v4, v2;
	v5 =	vadd.s32 v1, v5;
	_ =	sdelay $0x1  }
0xf9: {  	v4 =	vadd.s32 v1, v4;
	_ =	sdelay $0x1  }
0xfa: {  	s10 =	simm.s32 $0x9800  }
0xfb: {  	[tilespmem:s10], [sflag:$0x1] =	stream.indirect_vreg.gather [hbm4b:s0+s5], $0x80, v5, vm0, $0xb8;
	[tilespmem:$0x18800] =	vst v63  }
0xfc: {  	_ = 	snop  }
0xfd: {  	[tilespmem:s8], [sflag:$0x1] =	stream.indirect_vreg.gather [hbm4b:s0+s5], $0x80, v4, vm0, $0xb8;
	[tilespmem:$0x18800] =	vst v63  }
0xfe: {  	v4 =	vld [tilespmem:$0x320];
	_ =	sdelay $0x4  }
0xff: {  	v5 =	vshll.u32 v4, $0x1  }
0x100: {  	v4 =	vand.u32 $0x7, v4;
	v5 =	vand.u32 $0xFFFFFFF0, v5  }
0x101: {  	v4 =	vor.u32 v4, v5  }
0x102: {  	v5 =	vperm.xlane v4, v0;
	_ =	sdelay $0x1  }
0x103: {  	v4 =	vperm.xlane v4, v2;
	v5 =	vadd.s32 v1, v5;
	_ =	sdelay $0x1  }
0x104: {  	v4 =	vadd.s32 v1, v4;
	_ =	sdelay $0x2  }
0x105: {  	[tilespmem:s6], [sflag:$0x1] =	stream.indirect_vreg.gather [hbm4b:s0+s5], $0x80, v5, vm0, $0xb8;
	[tilespmem:$0x18800] =	vst v63  }
0x106: {  	_ = 	snop  }
0x107: {  	[tilespmem:s12], [sflag:$0x1] =	stream.indirect_vreg.gather [hbm4b:s0+s5], $0x80, v4, vm0, $0xb8;
	[tilespmem:$0x18800] =	vst v63  }
0x108: {  	v4 =	vld [tilespmem:$0x330];
	_ =	sdelay $0x4  }
0x109: {  	v5 =	vshll.u32 v4, $0x1  }
0x10a: {  	v4 =	vand.u32 $0x7, v4;
	v5 =	vand.u32 $0xFFFFFFF0, v5  }
0x10b: {  	v4 =	vor.u32 v4, v5  }
0x10c: {  	v5 =	vperm.xlane v4, v0;
	_ =	sdelay $0x1  }
0x10d: {  	v4 =	vperm.xlane v4, v2;
	v5 =	vadd.s32 v1, v5;
	_ =	sdelay $0x1  }
0x10e: {  	v4 =	vadd.s32 v1, v4;
	_ =	sdelay $0x2  }
0x10f: {  	[tilespmem:s16], [sflag:$0x1] =	stream.indirect_vreg.gather [hbm4b:s0+s5], $0x80, v5, vm0, $0xb8;
	[tilespmem:$0x18800] =	vst v63  }
0x110: {  	s9 =	simm.s32 $0x3  }
0x111: {  	[tilespmem:s17], [sflag:$0x1] =	stream.indirect_vreg.gather [hbm4b:s0+s5], $0x80, v4, vm0, $0xb8;
	[tilespmem:$0x18800] =	vst v63  }
0x112: {  	_ =	swait.ge [sflag:s9], $0x4000  }
0x113: {  	[sflag:s9] =	ssyncset.done $0x0  }
0x114: {  	[sflag:s9] =	ssyncadd.s32 $0xFFFFC000  }
0x115: {  	v4 =	vld [tilespmem:$0x500];
	_ =	sdelay $0x4  }
0x116: {  	v5 =	vshll.u32 v4, $0x1  }
0x117: {  	v4 =	vand.u32 $0x7, v4;
	v5 =	vand.u32 $0xFFFFFFF0, v5  }
0x118: {  	v4 =	vor.u32 v4, v5  }
0x119: {  	v5 =	vperm.xlane v4, v0;
	_ =	sdelay $0x1  }
0x11a: {  	v4 =	vperm.xlane v4, v2;
	v5 =	vadd.s32 v1, v5;
	_ =	sdelay $0x1  }
0x11b: {  	v4 =	vadd.s32 v1, v4;
	_ =	sdelay $0x1  }
0x11c: {  	s10 =	simm.s32 $0x10800  }
0x11d: {  	[hbm4b:s4+s5] =	stream.indirect_vreg.scatter [tilespmem:s10], [sflag:$0x7], $0x80, v5, vm0, $0xb8;
	[tilespmem:$0x18800] =	vst v63  }
0x11e: {  	s15 =	simm.s32 $0x11000  }
0x11f: {  	[hbm4b:s4+s5] =	stream.indirect_vreg.scatter [tilespmem:s15], [sflag:$0x7], $0x80, v4, vm0, $0xb8;
	[tilespmem:$0x18800] =	vst v63  }
0x120: {  	v4 =	vld [tilespmem:$0x510];
	_ =	sdelay $0x4  }
0x121: {  	v5 =	vshll.u32 v4, $0x1  }
0x122: {  	v4 =	vand.u32 $0x7, v4;
	v5 =	vand.u32 $0xFFFFFFF0, v5  }
0x123: {  	v4 =	vor.u32 v4, v5  }
0x124: {  	v5 =	vperm.xlane v4, v0;
	_ =	sdelay $0x1  }
0x125: {  	v4 =	vperm.xlane v4, v2;
	v5 =	vadd.s32 v1, v5;
	_ =	sdelay $0x1  }
0x126: {  	v4 =	vadd.s32 v1, v4;
	_ =	sdelay $0x1  }
0x127: {  	s26 =	simm.s32 $0x11800  }
0x128: {  	[hbm4b:s4+s5] =	stream.indirect_vreg.scatter [tilespmem:s26], [sflag:$0x7], $0x80, v5, vm0, $0xb8;
	[tilespmem:$0x18800] =	vst v63  }
0x129: {  	s11 =	simm.s32 $0x12000  }
0x12a: {  	[hbm4b:s4+s5] =	stream.indirect_vreg.scatter [tilespmem:s11], [sflag:$0x7], $0x80, v4, vm0, $0xb8;
	[tilespmem:$0x18800] =	vst v63  }
0x12b: {  	v4 =	vld [tilespmem:$0x520];
	_ =	sdelay $0x4  }
0x12c: {  	v5 =	vshll.u32 v4, $0x1  }
0x12d: {  	v4 =	vand.u32 $0x7, v4;
	v5 =	vand.u32 $0xFFFFFFF0, v5  }
0x12e: {  	v4 =	vor.u32 v4, v5  }
0x12f: {  	v5 =	vperm.xlane v4, v0;
	_ =	sdelay $0x1  }
0x130: {  	v4 =	vperm.xlane v4, v2;
	v5 =	vadd.s32 v1, v5;
	_ =	sdelay $0x1  }
0x131: {  	v4 =	vadd.s32 v1, v4;
	_ =	sdelay $0x1  }
0x132: {  	s29 =	simm.s32 $0x12800  }
0x133: {  	[hbm4b:s4+s5] =	stream.indirect_vreg.scatter [tilespmem:s29], [sflag:$0x7], $0x80, v5, vm0, $0xb8;
	[tilespmem:$0x18800] =	vst v63  }
0x134: {  	s3 =	smov.u32 s7;
	s7 =	simm.s32 $0x13000  }
0x135: {  	[hbm4b:s4+s5] =	stream.indirect_vreg.scatter [tilespmem:s7], [sflag:$0x7], $0x80, v4, vm0, $0xb8;
	[tilespmem:$0x18800] =	vst v63  }
0x136: {  	v4 =	vld [tilespmem:$0x530];
	_ =	sdelay $0x4  }
0x137: {  	v5 =	vshll.u32 v4, $0x1  }
0x138: {  	v4 =	vand.u32 $0x7, v4;
	v5 =	vand.u32 $0xFFFFFFF0, v5  }
0x139: {  	v4 =	vor.u32 v4, v5  }
0x13a: {  	v5 =	vperm.xlane v4, v0;
	_ =	sdelay $0x1  }
0x13b: {  	v4 =	vperm.xlane v4, v2;
	v5 =	vadd.s32 v1, v5;
	_ =	sdelay $0x1  }
0x13c: {  	v4 =	vadd.s32 v1, v4;
	_ =	sdelay $0x1  }
0x13d: {  	s31 =	simm.s32 $0x13800  }
0x13e: {  	[hbm4b:s4+s5] =	stream.indirect_vreg.scatter [tilespmem:s31], [sflag:$0x7], $0x80, v5, vm0, $0xb8;
	[tilespmem:$0x18800] =	vst v63  }
0x13f: {  	s28 =	simm.s32 $0x14000;
	s23 =	simm.s32 $0x6  }
0x140: {  	[hbm4b:s4+s5] =	stream.indirect_vreg.scatter [tilespmem:s28], [sflag:$0x7], $0x80, v4, vm0, $0xb8;
	[tilespmem:$0x18800] =	vst v63  }
0x141: {  	_ =	swait.ge [sflag:s23], $0x4000  }
0x142: {  	[sflag:s23] =	ssyncset.done $0x0  }
0x143: {  	[sflag:s23] =	ssyncadd.s32 $0xFFFFC000  }
0x144: {  	v4 =	vld [tilespmem:$0x340];
	_ =	sdelay $0x4  }
0x145: {  	v5 =	vshll.u32 v4, $0x1  }
0x146: {  	v4 =	vand.u32 $0x7, v4;
	v5 =	vand.u32 $0xFFFFFFF0, v5  }
0x147: {  	v4 =	vor.u32 v4, v5  }
0x148: {  	v5 =	vperm.xlane v4, v0;
	_ =	sdelay $0x1  }
0x149: {  	v4 =	vperm.xlane v4, v2;
	v5 =	vadd.s32 v1, v5;
	_ =	sdelay $0x1  }
0x14a: {  	v4 =	vadd.s32 v1, v4;
	_ =	sdelay $0x2  }
0x14b: {  	[tilespmem:s18], [sflag:$0x2] =	stream.indirect_vreg.gather [hbm4b:s0+s5], $0x80, v5, vm0, $0xb8;
	[tilespmem:$0x18800] =	vst v63  }
0x14c: {  	_ = 	snop  }
0x14d: {  	[tilespmem:s19], [sflag:$0x2] =	stream.indirect_vreg.gather [hbm4b:s0+s5], $0x80, v4, vm0, $0xb8;
	[tilespmem:$0x18800] =	vst v63  }
0x14e: {  	v4 =	vld [tilespmem:$0x350];
	_ =	sdelay $0x4  }
0x14f: {  	v5 =	vshll.u32 v4, $0x1  }
0x150: {  	v4 =	vand.u32 $0x7, v4;
	v5 =	vand.u32 $0xFFFFFFF0, v5  }
0x151: {  	v4 =	vor.u32 v4, v5  }
0x152: {  	v5 =	vperm.xlane v4, v0;
	_ =	sdelay $0x1  }
0x153: {  	v4 =	vperm.xlane v4, v2;
	v5 =	vadd.s32 v1, v5;
	_ =	sdelay $0x1  }
0x154: {  	v4 =	vadd.s32 v1, v4;
	_ =	sdelay $0x2  }
0x155: {  	[tilespmem:s20], [sflag:$0x2] =	stream.indirect_vreg.gather [hbm4b:s0+s5], $0x80, v5, vm0, $0xb8;
	[tilespmem:$0x18800] =	vst v63  }
0x156: {  	_ = 	snop  }
0x157: {  	[tilespmem:s21], [sflag:$0x2] =	stream.indirect_vreg.gather [hbm4b:s0+s5], $0x80, v4, vm0, $0xb8;
	[tilespmem:$0x18800] =	vst v63  }
0x158: {  	v4 =	vld [tilespmem:$0x360];
	_ =	sdelay $0x4  }
0x159: {  	v5 =	vshll.u32 v4, $0x1  }
0x15a: {  	v4 =	vand.u32 $0x7, v4;
	v5 =	vand.u32 $0xFFFFFFF0, v5  }
0x15b: {  	v4 =	vor.u32 v4, v5  }
0x15c: {  	v5 =	vperm.xlane v4, v0;
	_ =	sdelay $0x1  }
0x15d: {  	v4 =	vperm.xlane v4, v2;
	v5 =	vadd.s32 v1, v5;
	_ =	sdelay $0x1  }
0x15e: {  	v4 =	vadd.s32 v1, v4;
	_ =	sdelay $0x2  }
0x15f: {  	[tilespmem:s22], [sflag:$0x2] =	stream.indirect_vreg.gather [hbm4b:s0+s5], $0x80, v5, vm0, $0xb8;
	[tilespmem:$0x18800] =	vst v63  }
0x160: {  	_ = 	snop  }
0x161: {  	[tilespmem:s13], [sflag:$0x2] =	stream.indirect_vreg.gather [hbm4b:s0+s5], $0x80, v4, vm0, $0xb8;
	[tilespmem:$0x18800] =	vst v63  }
0x162: {  	v4 =	vld [tilespmem:$0x370];
	_ =	sdelay $0x4  }
0x163: {  	v5 =	vshll.u32 v4, $0x1  }
0x164: {  	v4 =	vand.u32 $0x7, v4;
	v5 =	vand.u32 $0xFFFFFFF0, v5  }
0x165: {  	v4 =	vor.u32 v4, v5  }
0x166: {  	v5 =	vperm.xlane v4, v0;
	_ =	sdelay $0x1  }
0x167: {  	v4 =	vperm.xlane v4, v2;
	v5 =	vadd.s32 v1, v5;
	_ =	sdelay $0x1  }
0x168: {  	v4 =	vadd.s32 v1, v4;
	_ =	sdelay $0x2  }
0x169: {  	[tilespmem:s1], [sflag:$0x2] =	stream.indirect_vreg.gather [hbm4b:s0+s5], $0x80, v5, vm0, $0xb8;
	[tilespmem:$0x18800] =	vst v63  }
0x16a: {  	s24 =	simm.s32 $0x4  }
0x16b: {  	[tilespmem:s2], [sflag:$0x2] =	stream.indirect_vreg.gather [hbm4b:s0+s5], $0x80, v4, vm0, $0xb8;
	[tilespmem:$0x18800] =	vst v63  }
0x16c: {  	_ =	swait.ge [sflag:s24], $0x4000  }
0x16d: {  	[sflag:s24] =	ssyncset.done $0x0  }
0x16e: {  	[sflag:s24] =	ssyncadd.s32 $0xFFFFC000  }
0x16f: {  	v4 =	vld [tilespmem:$0x580];
	_ =	sdelay $0x4  }
0x170: {  	v5 =	vshll.u32 v4, $0x1  }
0x171: {  	v4 =	vand.u32 $0x7, v4;
	v5 =	vand.u32 $0xFFFFFFF0, v5  }
0x172: {  	v4 =	vor.u32 v4, v5  }
0x173: {  	v5 =	vperm.xlane v4, v0;
	_ =	sdelay $0x1  }
0x174: {  	v4 =	vperm.xlane v4, v2;
	v5 =	vadd.s32 v1, v5;
	_ =	sdelay $0x1  }
0x175: {  	v4 =	vadd.s32 v1, v4;
	_ =	sdelay $0x1  }
0x176: {  	s23 =	simm.s32 $0x14800  }
0x177: {  	[hbm4b:s4+s5] =	stream.indirect_vreg.scatter [tilespmem:s23], [sflag:$0x8], $0x80, v5, vm0, $0xb8;
	[tilespmem:$0x18800] =	vst v63  }
0x178: {  	s25 =	simm.s32 $0x15000  }
0x179: {  	[hbm4b:s4+s5] =	stream.indirect_vreg.scatter [tilespmem:s25], [sflag:$0x8], $0x80, v4, vm0, $0xb8;
	[tilespmem:$0x18800] =	vst v63  }
0x17a: {  	v4 =	vld [tilespmem:$0x590];
	_ =	sdelay $0x4  }
0x17b: {  	v5 =	vshll.u32 v4, $0x1  }
0x17c: {  	v4 =	vand.u32 $0x7, v4;
	v5 =	vand.u32 $0xFFFFFFF0, v5  }
0x17d: {  	v4 =	vor.u32 v4, v5  }
0x17e: {  	v5 =	vperm.xlane v4, v0;
	_ =	sdelay $0x1  }
0x17f: {  	v4 =	vperm.xlane v4, v2;
	v5 =	vadd.s32 v1, v5;
	_ =	sdelay $0x1  }
0x180: {  	v4 =	vadd.s32 v1, v4;
	_ =	sdelay $0x1  }
0x181: {  	s25 =	simm.s32 $0x15800  }
0x182: {  	[hbm4b:s4+s5] =	stream.indirect_vreg.scatter [tilespmem:s25], [sflag:$0x8], $0x80, v5, vm0, $0xb8;
	[tilespmem:$0x18800] =	vst v63  }
0x183: {  	s25 =	simm.s32 $0x16000  }
0x184: {  	[hbm4b:s4+s5] =	stream.indirect_vreg.scatter [tilespmem:s25], [sflag:$0x8], $0x80, v4, vm0, $0xb8;
	[tilespmem:$0x18800] =	vst v63  }
0x185: {  	v4 =	vld [tilespmem:$0x5A0];
	_ =	sdelay $0x4  }
0x186: {  	v5 =	vshll.u32 v4, $0x1  }
0x187: {  	v4 =	vand.u32 $0x7, v4;
	v5 =	vand.u32 $0xFFFFFFF0, v5  }
0x188: {  	v4 =	vor.u32 v4, v5  }
0x189: {  	v5 =	vperm.xlane v4, v0;
	_ =	sdelay $0x1  }
0x18a: {  	v4 =	vperm.xlane v4, v2;
	v5 =	vadd.s32 v1, v5;
	_ =	sdelay $0x1  }
0x18b: {  	v4 =	vadd.s32 v1, v4;
	_ =	sdelay $0x1  }
0x18c: {  	s25 =	simm.s32 $0x16800  }
0x18d: {  	[hbm4b:s4+s5] =	stream.indirect_vreg.scatter [tilespmem:s25], [sflag:$0x8], $0x80, v5, vm0, $0xb8;
	[tilespmem:$0x18800] =	vst v63  }
0x18e: {  	s25 =	simm.s32 $0x17000  }
0x18f: {  	[hbm4b:s4+s5] =	stream.indirect_vreg.scatter [tilespmem:s25], [sflag:$0x8], $0x80, v4, vm0, $0xb8;
	[tilespmem:$0x18800] =	vst v63  }
0x190: {  	v4 =	vld [tilespmem:$0x5B0];
	_ =	sdelay $0x4  }
0x191: {  	v5 =	vshll.u32 v4, $0x1  }
0x192: {  	v4 =	vand.u32 $0x7, v4;
	v5 =	vand.u32 $0xFFFFFFF0, v5  }
0x193: {  	v4 =	vor.u32 v4, v5  }
0x194: {  	v5 =	vperm.xlane v4, v0;
	_ =	sdelay $0x1  }
0x195: {  	v4 =	vperm.xlane v4, v2;
	v5 =	vadd.s32 v1, v5;
	_ =	sdelay $0x1  }
0x196: {  	v4 =	vadd.s32 v1, v4;
	_ =	sdelay $0x1  }
0x197: {  	s25 =	simm.s32 $0x17800  }
0x198: {  	[hbm4b:s4+s5] =	stream.indirect_vreg.scatter [tilespmem:s25], [sflag:$0x8], $0x80, v5, vm0, $0xb8;
	[tilespmem:$0x18800] =	vst v63  }
0x199: {  	s25 =	simm.s32 $0x18000  }
0x19a: {  	[hbm4b:s4+s5] =	stream.indirect_vreg.scatter [tilespmem:s25], [sflag:$0x8], $0x80, v4, vm0, $0xb8;
	[tilespmem:$0x18800] =	vst v63  }
0x19b: {  	s25 =	simm.s32 $0x7  }
0x19c: {  	_ =	swait.ge [sflag:s25], $0x4000  }
0x19d: {  	[sflag:s25] =	ssyncset.done $0x0  }
0x19e: {  	[sflag:s25] =	ssyncadd.s32 $0xFFFFC000  }
0x19f: {  	v4 =	vld [tilespmem:$0x380];
	_ =	sdelay $0x4  }
0x1a0: {  	v5 =	vshll.u32 v4, $0x1  }
0x1a1: {  	v4 =	vand.u32 $0x7, v4;
	v5 =	vand.u32 $0xFFFFFFF0, v5  }
0x1a2: {  	v4 =	vor.u32 v4, v5  }
0x1a3: {  	v5 =	vperm.xlane v4, v0;
	_ =	sdelay $0x1  }
0x1a4: {  	v4 =	vperm.xlane v4, v2;
	v5 =	vadd.s32 v1, v5;
	_ =	sdelay $0x1  }
0x1a5: {  	v4 =	vadd.s32 v1, v4;
	_ =	sdelay $0x2  }
0x1a6: {  	[tilespmem:s10], [sflag:$0x3] =	stream.indirect_vreg.gather [hbm4b:s0+s5], $0x80, v5, vm0, $0xb8;
	[tilespmem:$0x18800] =	vst v63  }
0x1a7: {  	_ = 	snop  }
0x1a8: {  	[tilespmem:s15], [sflag:$0x3] =	stream.indirect_vreg.gather [hbm4b:s0+s5], $0x80, v4, vm0, $0xb8;
	[tilespmem:$0x18800] =	vst v63  }
0x1a9: {  	v4 =	vld [tilespmem:$0x390];
	_ =	sdelay $0x4  }
0x1aa: {  	v5 =	vshll.u32 v4, $0x1  }
0x1ab: {  	v4 =	vand.u32 $0x7, v4;
	v5 =	vand.u32 $0xFFFFFFF0, v5  }
0x1ac: {  	v4 =	vor.u32 v4, v5  }
0x1ad: {  	v5 =	vperm.xlane v4, v0;
	_ =	sdelay $0x1  }
0x1ae: {  	v4 =	vperm.xlane v4, v2;
	v5 =	vadd.s32 v1, v5;
	_ =	sdelay $0x1  }
0x1af: {  	v4 =	vadd.s32 v1, v4;
	_ =	sdelay $0x2  }
0x1b0: {  	[tilespmem:s26], [sflag:$0x3] =	stream.indirect_vreg.gather [hbm4b:s0+s5], $0x80, v5, vm0, $0xb8;
	[tilespmem:$0x18800] =	vst v63  }
0x1b1: {  	_ = 	snop  }
0x1b2: {  	[tilespmem:s11], [sflag:$0x3] =	stream.indirect_vreg.gather [hbm4b:s0+s5], $0x80, v4, vm0, $0xb8;
	[tilespmem:$0x18800] =	vst v63  }
0x1b3: {  	v4 =	vld [tilespmem:$0x3A0];
	_ =	sdelay $0x4  }
0x1b4: {  	v5 =	vshll.u32 v4, $0x1  }
0x1b5: {  	v4 =	vand.u32 $0x7, v4;
	v5 =	vand.u32 $0xFFFFFFF0, v5  }
0x1b6: {  	v4 =	vor.u32 v4, v5  }
0x1b7: {  	v5 =	vperm.xlane v4, v0;
	_ =	sdelay $0x1  }
0x1b8: {  	v4 =	vperm.xlane v4, v2;
	v5 =	vadd.s32 v1, v5;
	_ =	sdelay $0x1  }
0x1b9: {  	v4 =	vadd.s32 v1, v4;
	_ =	sdelay $0x2  }
0x1ba: {  	[tilespmem:s29], [sflag:$0x3] =	stream.indirect_vreg.gather [hbm4b:s0+s5], $0x80, v5, vm0, $0xb8;
	[tilespmem:$0x18800] =	vst v63  }
0x1bb: {  	_ = 	snop  }
0x1bc: {  	[tilespmem:s7], [sflag:$0x3] =	stream.indirect_vreg.gather [hbm4b:s0+s5], $0x80, v4, vm0, $0xb8;
	[tilespmem:$0x18800] =	vst v63  }
0x1bd: {  	v4 =	vld [tilespmem:$0x3B0];
	_ =	sdelay $0x4  }
0x1be: {  	v5 =	vshll.u32 v4, $0x1  }
0x1bf: {  	v4 =	vand.u32 $0x7, v4;
	v5 =	vand.u32 $0xFFFFFFF0, v5  }
0x1c0: {  	v4 =	vor.u32 v4, v5  }
0x1c1: {  	v5 =	vperm.xlane v4, v0;
	_ =	sdelay $0x1  }
0x1c2: {  	v4 =	vperm.xlane v4, v2;
	v5 =	vadd.s32 v1, v5;
	_ =	sdelay $0x1  }
0x1c3: {  	v4 =	vadd.s32 v1, v4;
	_ =	sdelay $0x2  }
0x1c4: {  	[tilespmem:s31], [sflag:$0x3] =	stream.indirect_vreg.gather [hbm4b:s0+s5], $0x80, v5, vm0, $0xb8;
	[tilespmem:$0x18800] =	vst v63  }
0x1c5: {  	_ = 	snop  }
0x1c6: {  	[tilespmem:s28], [sflag:$0x3] =	stream.indirect_vreg.gather [hbm4b:s0+s5], $0x80, v4, vm0, $0xb8;
	[tilespmem:$0x18800] =	vst v63  }
0x1c7: {  	_ =	swait.ge [sflag:s30], $0x4000  }
0x1c8: {  	[sflag:s30] =	ssyncset.done $0x0  }
0x1c9: {  	[sflag:s30] =	ssyncadd.s32 $0xFFFFC000  }
0x1ca: {  	v4 =	vld [tilespmem:$0x600];
	_ =	sdelay $0x4  }
0x1cb: {  	v5 =	vshll.u32 v4, $0x1  }
0x1cc: {  	v4 =	vand.u32 $0x7, v4;
	v5 =	vand.u32 $0xFFFFFFF0, v5  }
0x1cd: {  	v4 =	vor.u32 v4, v5  }
0x1ce: {  	v5 =	vperm.xlane v4, v0;
	_ =	sdelay $0x1  }
0x1cf: {  	v4 =	vperm.xlane v4, v2;
	v5 =	vadd.s32 v1, v5;
	_ =	sdelay $0x1  }
0x1d0: {  	v4 =	vadd.s32 v1, v4;
	_ =	sdelay $0x1  }
0x1d1: {  	s28 =	simm.s32 $0x8800  }
0x1d2: {  	[hbm4b:s4+s5] =	stream.indirect_vreg.scatter [tilespmem:s28], [sflag:$0x5], $0x80, v5, vm0, $0xb8;
	[tilespmem:$0x18800] =	vst v63  }
0x1d3: {  	s30 =	simm.s32 $0x9000  }
0x1d4: {  	[hbm4b:s4+s5] =	stream.indirect_vreg.scatter [tilespmem:s30], [sflag:$0x5], $0x80, v4, vm0, $0xb8;
	[tilespmem:$0x18800] =	vst v63  }
0x1d5: {  	v4 =	vld [tilespmem:$0x610];
	_ =	sdelay $0x4  }
0x1d6: {  	v5 =	vshll.u32 v4, $0x1  }
0x1d7: {  	v4 =	vand.u32 $0x7, v4;
	v5 =	vand.u32 $0xFFFFFFF0, v5  }
0x1d8: {  	v4 =	vor.u32 v4, v5  }
0x1d9: {  	v5 =	vperm.xlane v4, v0;
	_ =	sdelay $0x1  }
0x1da: {  	v4 =	vperm.xlane v4, v2;
	v5 =	vadd.s32 v1, v5;
	_ =	sdelay $0x1  }
0x1db: {  	v4 =	vadd.s32 v1, v4;
	_ =	sdelay $0x1  }
0x1dc: {  	s31 =	simm.s32 $0x9800  }
0x1dd: {  	[hbm4b:s4+s5] =	stream.indirect_vreg.scatter [tilespmem:s31], [sflag:$0x5], $0x80, v5, vm0, $0xb8;
	[tilespmem:$0x18800] =	vst v63  }
0x1de: {  	_ = 	snop  }
0x1df: {  	[hbm4b:s4+s5] =	stream.indirect_vreg.scatter [tilespmem:s8], [sflag:$0x5], $0x80, v4, vm0, $0xb8;
	[tilespmem:$0x18800] =	vst v63  }
0x1e0: {  	v4 =	vld [tilespmem:$0x620];
	_ =	sdelay $0x4  }
0x1e1: {  	v5 =	vshll.u32 v4, $0x1  }
0x1e2: {  	v4 =	vand.u32 $0x7, v4;
	v5 =	vand.u32 $0xFFFFFFF0, v5  }
0x1e3: {  	v4 =	vor.u32 v4, v5  }
0x1e4: {  	v5 =	vperm.xlane v4, v0;
	_ =	sdelay $0x1  }
0x1e5: {  	v4 =	vperm.xlane v4, v2;
	v5 =	vadd.s32 v1, v5;
	_ =	sdelay $0x1  }
0x1e6: {  	v4 =	vadd.s32 v1, v4;
	_ =	sdelay $0x2  }
0x1e7: {  	[hbm4b:s4+s5] =	stream.indirect_vreg.scatter [tilespmem:s6], [sflag:$0x5], $0x80, v5, vm0, $0xb8;
	[tilespmem:$0x18800] =	vst v63  }
0x1e8: {  	_ = 	snop  }
0x1e9: {  	[hbm4b:s4+s5] =	stream.indirect_vreg.scatter [tilespmem:s12], [sflag:$0x5], $0x80, v4, vm0, $0xb8;
	[tilespmem:$0x18800] =	vst v63  }
0x1ea: {  	v4 =	vld [tilespmem:$0x630];
	_ =	sdelay $0x4  }
0x1eb: {  	v5 =	vshll.u32 v4, $0x1  }
0x1ec: {  	v4 =	vand.u32 $0x7, v4;
	v5 =	vand.u32 $0xFFFFFFF0, v5  }
0x1ed: {  	v4 =	vor.u32 v4, v5  }
0x1ee: {  	v5 =	vperm.xlane v4, v0;
	_ =	sdelay $0x1  }
0x1ef: {  	v4 =	vperm.xlane v4, v2;
	v5 =	vadd.s32 v1, v5;
	_ =	sdelay $0x1  }
0x1f0: {  	v4 =	vadd.s32 v1, v4;
	_ =	sdelay $0x2  }
0x1f1: {  	[hbm4b:s4+s5] =	stream.indirect_vreg.scatter [tilespmem:s16], [sflag:$0x5], $0x80, v5, vm0, $0xb8;
	[tilespmem:$0x18800] =	vst v63  }
0x1f2: {  	s30 =	simm.s32 $0x8  }
0x1f3: {  	[hbm4b:s4+s5] =	stream.indirect_vreg.scatter [tilespmem:s17], [sflag:$0x5], $0x80, v4, vm0, $0xb8;
	[tilespmem:$0x18800] =	vst v63  }
0x1f4: {  	_ =	swait.ge [sflag:s30], $0x4000  }
0x1f5: {  	[sflag:s30] =	ssyncset.done $0x0  }
0x1f6: {  	[sflag:s30] =	ssyncadd.s32 $0xFFFFC000  }
0x1f7: {  	v4 =	vld [tilespmem:$0x3C0];
	_ =	sdelay $0x4  }
0x1f8: {  	v5 =	vshll.u32 v4, $0x1  }
0x1f9: {  	v4 =	vand.u32 $0x7, v4;
	v5 =	vand.u32 $0xFFFFFFF0, v5  }
0x1fa: {  	v4 =	vor.u32 v4, v5  }
0x1fb: {  	v5 =	vperm.xlane v4, v0;
	_ =	sdelay $0x1  }
0x1fc: {  	v4 =	vperm.xlane v4, v2;
	v5 =	vadd.s32 v1, v5;
	_ =	sdelay $0x1  }
0x1fd: {  	v4 =	vadd.s32 v1, v4;
	_ =	sdelay $0x2  }
0x1fe: {  	[tilespmem:s23], [sflag:$0x4] =	stream.indirect_vreg.gather [hbm4b:s0+s5], $0x80, v5, vm0, $0xb8;
	[tilespmem:$0x18800] =	vst v63  }
0x1ff: {  	s11 =	simm.s32 $0x15000  }
0x200: {  	[tilespmem:s11], [sflag:$0x4] =	stream.indirect_vreg.gather [hbm4b:s0+s5], $0x80, v4, vm0, $0xb8;
	[tilespmem:$0x18800] =	vst v63  }
0x201: {  	v4 =	vld [tilespmem:$0x3D0];
	_ =	sdelay $0x4  }
0x202: {  	v5 =	vshll.u32 v4, $0x1  }
0x203: {  	v4 =	vand.u32 $0x7, v4;
	v5 =	vand.u32 $0xFFFFFFF0, v5  }
0x204: {  	v4 =	vor.u32 v4, v5  }
0x205: {  	v5 =	vperm.xlane v4, v0;
	_ =	sdelay $0x1  }
0x206: {  	v4 =	vperm.xlane v4, v2;
	v5 =	vadd.s32 v1, v5;
	_ =	sdelay $0x1  }
0x207: {  	v4 =	vadd.s32 v1, v4;
	_ =	sdelay $0x1  }
0x208: {  	s28 =	simm.s32 $0x15800  }
0x209: {  	[tilespmem:s28], [sflag:$0x4] =	stream.indirect_vreg.gather [hbm4b:s0+s5], $0x80, v5, vm0, $0xb8;
	[tilespmem:$0x18800] =	vst v63  }
0x20a: {  	s31 =	simm.s32 $0x16000  }
0x20b: {  	[tilespmem:s31], [sflag:$0x4] =	stream.indirect_vreg.gather [hbm4b:s0+s5], $0x80, v4, vm0, $0xb8;
	[tilespmem:$0x18800] =	vst v63  }
0x20c: {  	v4 =	vld [tilespmem:$0x3E0];
	_ =	sdelay $0x4  }
0x20d: {  	v5 =	vshll.u32 v4, $0x1  }
0x20e: {  	v4 =	vand.u32 $0x7, v4;
	v5 =	vand.u32 $0xFFFFFFF0, v5  }
0x20f: {  	v4 =	vor.u32 v4, v5  }
0x210: {  	v5 =	vperm.xlane v4, v0;
	_ =	sdelay $0x1  }
0x211: {  	v4 =	vperm.xlane v4, v2;
	v5 =	vadd.s32 v1, v5;
	_ =	sdelay $0x1  }
0x212: {  	v4 =	vadd.s32 v1, v4;
	_ =	sdelay $0x1  }
0x213: {  	s11 =	simm.s32 $0x16800  }
0x214: {  	[tilespmem:s11], [sflag:$0x4] =	stream.indirect_vreg.gather [hbm4b:s0+s5], $0x80, v5, vm0, $0xb8;
	[tilespmem:$0x18800] =	vst v63  }
0x215: {  	s31 =	simm.s32 $0x17000  }
0x216: {  	[tilespmem:s31], [sflag:$0x4] =	stream.indirect_vreg.gather [hbm4b:s0+s5], $0x80, v4, vm0, $0xb8;
	[tilespmem:$0x18800] =	vst v63  }
0x217: {  	v4 =	vld [tilespmem:$0x3F0];
	_ =	sdelay $0x4  }
0x218: {  	v5 =	vshll.u32 v4, $0x1  }
0x219: {  	v4 =	vand.u32 $0x7, v4;
	v5 =	vand.u32 $0xFFFFFFF0, v5  }
0x21a: {  	v4 =	vor.u32 v4, v5  }
0x21b: {  	v5 =	vperm.xlane v4, v0;
	_ =	sdelay $0x1  }
0x21c: {  	v4 =	vperm.xlane v4, v2;
	v5 =	vadd.s32 v1, v5;
	_ =	sdelay $0x1  }
0x21d: {  	v4 =	vadd.s32 v1, v4;
	_ =	sdelay $0x1  }
0x21e: {  	s31 =	simm.s32 $0x17800  }
0x21f: {  	[tilespmem:s31], [sflag:$0x4] =	stream.indirect_vreg.gather [hbm4b:s0+s5], $0x80, v5, vm0, $0xb8;
	[tilespmem:$0x18800] =	vst v63  }
0x220: {  	s11 =	simm.s32 $0x18000  }
0x221: {  	[tilespmem:s11], [sflag:$0x4] =	stream.indirect_vreg.gather [hbm4b:s0+s5], $0x80, v4, vm0, $0xb8;
	[tilespmem:$0x18800] =	vst v63  }
0x222: {  	s11 =	simm.s32 $0x2  }
0x223: {  	_ =	swait.ge [sflag:s11], $0x4000  }
0x224: {  	[sflag:s11] =	ssyncset.done $0x0  }
0x225: {  	[sflag:s11] =	ssyncadd.s32 $0xFFFFC000  }
0x226: {  	v4 =	vld [tilespmem:$0x680];
	_ =	sdelay $0x4  }
0x227: {  	v5 =	vshll.u32 v4, $0x1  }
0x228: {  	v4 =	vand.u32 $0x7, v4;
	v5 =	vand.u32 $0xFFFFFFF0, v5  }
0x229: {  	v4 =	vor.u32 v4, v5  }
0x22a: {  	v5 =	vperm.xlane v4, v0;
	_ =	sdelay $0x1  }
0x22b: {  	v4 =	vperm.xlane v4, v2;
	v5 =	vadd.s32 v1, v5;
	_ =	sdelay $0x1  }
0x22c: {  	v4 =	vadd.s32 v1, v4;
	_ =	sdelay $0x2  }
0x22d: {  	[hbm4b:s4+s5] =	stream.indirect_vreg.scatter [tilespmem:s18], [sflag:$0x6], $0x80, v5, vm0, $0xb8;
	[tilespmem:$0x18800] =	vst v63  }
0x22e: {  	_ = 	snop  }
0x22f: {  	[hbm4b:s4+s5] =	stream.indirect_vreg.scatter [tilespmem:s19], [sflag:$0x6], $0x80, v4, vm0, $0xb8;
	[tilespmem:$0x18800] =	vst v63  }
0x230: {  	v4 =	vld [tilespmem:$0x690];
	_ =	sdelay $0x4  }
0x231: {  	v5 =	vshll.u32 v4, $0x1  }
0x232: {  	v4 =	vand.u32 $0x7, v4;
	v5 =	vand.u32 $0xFFFFFFF0, v5  }
0x233: {  	v4 =	vor.u32 v4, v5  }
0x234: {  	v5 =	vperm.xlane v4, v0;
	_ =	sdelay $0x1  }
0x235: {  	v4 =	vperm.xlane v4, v2;
	v5 =	vadd.s32 v1, v5;
	_ =	sdelay $0x1  }
0x236: {  	v4 =	vadd.s32 v1, v4;
	_ =	sdelay $0x2  }
0x237: {  	[hbm4b:s4+s5] =	stream.indirect_vreg.scatter [tilespmem:s20], [sflag:$0x6], $0x80, v5, vm0, $0xb8;
	[tilespmem:$0x18800] =	vst v63  }
0x238: {  	_ = 	snop  }
0x239: {  	[hbm4b:s4+s5] =	stream.indirect_vreg.scatter [tilespmem:s21], [sflag:$0x6], $0x80, v4, vm0, $0xb8;
	[tilespmem:$0x18800] =	vst v63  }
0x23a: {  	v4 =	vld [tilespmem:$0x6A0];
	_ =	sdelay $0x4  }
0x23b: {  	v5 =	vshll.u32 v4, $0x1  }
0x23c: {  	v4 =	vand.u32 $0x7, v4;
	v5 =	vand.u32 $0xFFFFFFF0, v5  }
0x23d: {  	v4 =	vor.u32 v4, v5  }
0x23e: {  	v5 =	vperm.xlane v4, v0;
	_ =	sdelay $0x1  }
0x23f: {  	v4 =	vperm.xlane v4, v2;
	v5 =	vadd.s32 v1, v5;
	_ =	sdelay $0x1  }
0x240: {  	v4 =	vadd.s32 v1, v4;
	_ =	sdelay $0x2  }
0x241: {  	[hbm4b:s4+s5] =	stream.indirect_vreg.scatter [tilespmem:s22], [sflag:$0x6], $0x80, v5, vm0, $0xb8;
	[tilespmem:$0x18800] =	vst v63  }
0x242: {  	_ = 	snop  }
0x243: {  	[hbm4b:s4+s5] =	stream.indirect_vreg.scatter [tilespmem:s13], [sflag:$0x6], $0x80, v4, vm0, $0xb8;
	[tilespmem:$0x18800] =	vst v63  }
0x244: {  	v4 =	vld [tilespmem:$0x6B0];
	_ =	sdelay $0x4  }
0x245: {  	v5 =	vshll.u32 v4, $0x1  }
0x246: {  	v4 =	vand.u32 $0x7, v4;
	v5 =	vand.u32 $0xFFFFFFF0, v5  }
0x247: {  	v4 =	vor.u32 v4, v5  }
0x248: {  	v5 =	vperm.xlane v4, v0;
	_ =	sdelay $0x1  }
0x249: {  	v4 =	vperm.xlane v4, v2;
	v5 =	vadd.s32 v1, v5;
	_ =	sdelay $0x1  }
0x24a: {  	v4 =	vadd.s32 v1, v4;
	_ =	sdelay $0x2  }
0x24b: {  	[hbm4b:s4+s5] =	stream.indirect_vreg.scatter [tilespmem:s1], [sflag:$0x6], $0x80, v5, vm0, $0xb8;
	[tilespmem:$0x18800] =	vst v63  }
0x24c: {  	_ = 	snop  }
0x24d: {  	[hbm4b:s4+s5] =	stream.indirect_vreg.scatter [tilespmem:s2], [sflag:$0x6], $0x80, v4, vm0, $0xb8;
	[tilespmem:$0x18800] =	vst v63  }
0x24e: {  	s11 =	rddreg [dreg:$0xd];
	_ =	swait.ge [sflag:s9], $0x4000  }
0x24f: {  	[sflag:s9] =	ssyncset.done $0x0  }
0x250: {  	[sflag:s9] =	ssyncadd.s32 $0xFFFFC000  }
0x251: {  	v4 =	vld [tilespmem:$0x700];
	_ =	sdelay $0x4  }
0x252: {  	v5 =	vshll.u32 v4, $0x1  }
0x253: {  	v4 =	vand.u32 $0x7, v4;
	v5 =	vand.u32 $0xFFFFFFF0, v5  }
0x254: {  	v4 =	vor.u32 v4, v5  }
0x255: {  	v5 =	vperm.xlane v4, v0;
	_ =	sdelay $0x1  }
0x256: {  	v4 =	vperm.xlane v4, v2;
	v5 =	vadd.s32 v1, v5;
	_ =	sdelay $0x1  }
0x257: {  	v4 =	vadd.s32 v1, v4;
	_ =	sdelay $0x1  }
0x258: {  	s9 =	simm.s32 $0x10800  }
0x259: {  	[hbm4b:s4+s5] =	stream.indirect_vreg.scatter [tilespmem:s9], [sflag:$0x7], $0x80, v5, vm0, $0xb8;
	[tilespmem:$0x18800] =	vst v63  }
0x25a: {  	s9 =	simm.s32 $0x11000  }
0x25b: {  	[hbm4b:s4+s5] =	stream.indirect_vreg.scatter [tilespmem:s9], [sflag:$0x7], $0x80, v4, vm0, $0xb8;
	[tilespmem:$0x18800] =	vst v63  }
0x25c: {  	v4 =	vld [tilespmem:$0x710];
	_ =	sdelay $0x4  }
0x25d: {  	v5 =	vshll.u32 v4, $0x1  }
0x25e: {  	v4 =	vand.u32 $0x7, v4;
	v5 =	vand.u32 $0xFFFFFFF0, v5  }
0x25f: {  	v4 =	vor.u32 v4, v5  }
0x260: {  	v5 =	vperm.xlane v4, v0;
	_ =	sdelay $0x1  }
0x261: {  	v4 =	vperm.xlane v4, v2;
	v5 =	vadd.s32 v1, v5;
	_ =	sdelay $0x1  }
0x262: {  	v4 =	vadd.s32 v1, v4;
	_ =	sdelay $0x1  }
0x263: {  	s9 =	simm.s32 $0x11800  }
0x264: {  	[hbm4b:s4+s5] =	stream.indirect_vreg.scatter [tilespmem:s9], [sflag:$0x7], $0x80, v5, vm0, $0xb8;
	[tilespmem:$0x18800] =	vst v63  }
0x265: {  	s9 =	simm.s32 $0x12000  }
0x266: {  	[hbm4b:s4+s5] =	stream.indirect_vreg.scatter [tilespmem:s9], [sflag:$0x7], $0x80, v4, vm0, $0xb8;
	[tilespmem:$0x18800] =	vst v63  }
0x267: {  	v4 =	vld [tilespmem:$0x720];
	_ =	sdelay $0x4  }
0x268: {  	v5 =	vshll.u32 v4, $0x1  }
0x269: {  	v4 =	vand.u32 $0x7, v4;
	v5 =	vand.u32 $0xFFFFFFF0, v5  }
0x26a: {  	v4 =	vor.u32 v4, v5  }
0x26b: {  	v5 =	vperm.xlane v4, v0;
	_ =	sdelay $0x1  }
0x26c: {  	v4 =	vperm.xlane v4, v2;
	v5 =	vadd.s32 v1, v5;
	_ =	sdelay $0x1  }
0x26d: {  	v4 =	vadd.s32 v1, v4;
	_ =	sdelay $0x1  }
0x26e: {  	s9 =	simm.s32 $0x12800  }
0x26f: {  	[hbm4b:s4+s5] =	stream.indirect_vreg.scatter [tilespmem:s9], [sflag:$0x7], $0x80, v5, vm0, $0xb8;
	[tilespmem:$0x18800] =	vst v63  }
0x270: {  	s9 =	simm.s32 $0x13000  }
0x271: {  	[hbm4b:s4+s5] =	stream.indirect_vreg.scatter [tilespmem:s9], [sflag:$0x7], $0x80, v4, vm0, $0xb8;
	[tilespmem:$0x18800] =	vst v63  }
0x272: {  	v4 =	vld [tilespmem:$0x730];
	_ =	sdelay $0x4  }
0x273: {  	v5 =	vshll.u32 v4, $0x1  }
0x274: {  	v4 =	vand.u32 $0x7, v4;
	v5 =	vand.u32 $0xFFFFFFF0, v5  }
0x275: {  	v4 =	vor.u32 v4, v5  }
0x276: {  	v5 =	vperm.xlane v4, v0;
	_ =	sdelay $0x1  }
0x277: {  	v4 =	vperm.xlane v4, v2;
	v5 =	vadd.s32 v1, v5;
	_ =	sdelay $0x1  }
0x278: {  	v4 =	vadd.s32 v1, v4;
	_ =	sdelay $0x1  }
0x279: {  	s9 =	simm.s32 $0x13800  }
0x27a: {  	[hbm4b:s4+s5] =	stream.indirect_vreg.scatter [tilespmem:s9], [sflag:$0x7], $0x80, v5, vm0, $0xb8;
	[tilespmem:$0x18800] =	vst v63  }
0x27b: {  	s9 =	simm.s32 $0x14000  }
0x27c: {  	[hbm4b:s4+s5] =	stream.indirect_vreg.scatter [tilespmem:s9], [sflag:$0x7], $0x80, v4, vm0, $0xb8;
	[tilespmem:$0x18800] =	vst v63  }
0x27d: {  	_ =	swait.ge [sflag:s24], $0x4000  }
0x27e: {  	[sflag:s24] =	ssyncset.done $0x0  }
0x27f: {  	[sflag:s24] =	ssyncadd.s32 $0xFFFFC000  }
0x280: {  	v4 =	vld [tilespmem:$0x780];
	_ =	sdelay $0x4  }
0x281: {  	v5 =	vshll.u32 v4, $0x1  }
0x282: {  	v4 =	vand.u32 $0x7, v4;
	v5 =	vand.u32 $0xFFFFFFF0, v5  }
0x283: {  	v4 =	vor.u32 v4, v5  }
0x284: {  	v5 =	vperm.xlane v4, v0;
	_ =	sdelay $0x1  }
0x285: {  	v4 =	vperm.xlane v4, v2;
	v5 =	vadd.s32 v1, v5;
	_ =	sdelay $0x1  }
0x286: {  	v4 =	vadd.s32 v1, v4;
	_ =	sdelay $0x1  }
0x287: {  	s23 =	simm.s32 $0x14800  }
0x288: {  	[hbm4b:s4+s5] =	stream.indirect_vreg.scatter [tilespmem:s23], [sflag:$0x8], $0x80, v5, vm0, $0xb8;
	[tilespmem:$0x18800] =	vst v63  }
0x289: {  	s23 =	simm.s32 $0x15000  }
0x28a: {  	[hbm4b:s4+s5] =	stream.indirect_vreg.scatter [tilespmem:s23], [sflag:$0x8], $0x80, v4, vm0, $0xb8;
	[tilespmem:$0x18800] =	vst v63  }
0x28b: {  	v4 =	vld [tilespmem:$0x790];
	_ =	sdelay $0x4  }
0x28c: {  	v5 =	vshll.u32 v4, $0x1  }
0x28d: {  	v4 =	vand.u32 $0x7, v4;
	v5 =	vand.u32 $0xFFFFFFF0, v5  }
0x28e: {  	v4 =	vor.u32 v4, v5  }
0x28f: {  	v5 =	vperm.xlane v4, v0;
	_ =	sdelay $0x1  }
0x290: {  	v4 =	vperm.xlane v4, v2;
	v5 =	vadd.s32 v1, v5;
	_ =	sdelay $0x1  }
0x291: {  	v4 =	vadd.s32 v1, v4;
	_ =	sdelay $0x1  }
0x292: {  	s28 =	simm.s32 $0x15800  }
0x293: {  	[hbm4b:s4+s5] =	stream.indirect_vreg.scatter [tilespmem:s28], [sflag:$0x8], $0x80, v5, vm0, $0xb8;
	[tilespmem:$0x18800] =	vst v63  }
0x294: {  	s28 =	simm.s32 $0x16000  }
0x295: {  	[hbm4b:s4+s5] =	stream.indirect_vreg.scatter [tilespmem:s28], [sflag:$0x8], $0x80, v4, vm0, $0xb8;
	[tilespmem:$0x18800] =	vst v63  }
0x296: {  	v4 =	vld [tilespmem:$0x7A0];
	_ =	sdelay $0x4  }
0x297: {  	v5 =	vshll.u32 v4, $0x1  }
0x298: {  	v4 =	vand.u32 $0x7, v4;
	v5 =	vand.u32 $0xFFFFFFF0, v5  }
0x299: {  	v4 =	vor.u32 v4, v5  }
0x29a: {  	v5 =	vperm.xlane v4, v0;
	_ =	sdelay $0x1  }
0x29b: {  	v4 =	vperm.xlane v4, v2;
	v5 =	vadd.s32 v1, v5;
	_ =	sdelay $0x1  }
0x29c: {  	v4 =	vadd.s32 v1, v4;
	_ =	sdelay $0x1  }
0x29d: {  	s7 =	simm.s32 $0x16800  }
0x29e: {  	[hbm4b:s4+s5] =	stream.indirect_vreg.scatter [tilespmem:s7], [sflag:$0x8], $0x80, v5, vm0, $0xb8;
	[tilespmem:$0x18800] =	vst v63  }
0x29f: {  	s9 =	simm.s32 $0x17000  }
0x2a0: {  	[hbm4b:s4+s5] =	stream.indirect_vreg.scatter [tilespmem:s9], [sflag:$0x8], $0x80, v4, vm0, $0xb8;
	[tilespmem:$0x18800] =	vst v63  }
0x2a1: {  	v4 =	vld [tilespmem:$0x7B0];
	_ =	sdelay $0x4  }
0x2a2: {  	v5 =	vshll.u32 v4, $0x1  }
0x2a3: {  	v4 =	vand.u32 $0x7, v4;
	v5 =	vand.u32 $0xFFFFFFF0, v5  }
0x2a4: {  	v4 =	vor.u32 v4, v5  }
0x2a5: {  	v5 =	vperm.xlane v4, v0;
	_ =	sdelay $0x1  }
0x2a6: {  	v4 =	vperm.xlane v4, v2;
	v5 =	vadd.s32 v1, v5;
	_ =	sdelay $0x1  }
0x2a7: {  	v4 =	vadd.s32 v1, v4;
	_ =	sdelay $0x1  }
0x2a8: {  	s31 =	simm.s32 $0x17800  }
0x2a9: {  	[hbm4b:s4+s5] =	stream.indirect_vreg.scatter [tilespmem:s31], [sflag:$0x8], $0x80, v5, vm0, $0xb8;
	[tilespmem:$0x18800] =	vst v63  }
0x2aa: {  	s23 =	simm.s32 $0x18000;
	s28 =	simm.s32 $0x5  }
0x2ab: {  	[hbm4b:s4+s5] =	stream.indirect_vreg.scatter [tilespmem:s23], [sflag:$0x8], $0x80, v4, vm0, $0xb8;
	[tilespmem:$0x18800] =	vst v63  }
0x2ac: {  	s24 =	rddreg [dreg:$0xf];
	_ =	swait.ge [sflag:s28], $0x4000  }
0x2ad: {  	[sflag:s28] =	ssyncset.done $0x0  }
0x2ae: {  	s31 =	simm.s32 $0x6;
	[sflag:s28] =	ssyncadd.s32 $0xFFFFC000  }
0x2af: {  	_ =	swait.ge [sflag:s31], $0x4000  }
0x2b0: {  	[sflag:s31] =	ssyncset.done $0x0  }
0x2b1: {  	s3 =	sadd.s32 $0x1, s3;
	[sflag:s31] =	ssyncadd.s32 $0xFFFFC000  }
0x2b2: {  	p1 =	sne.s32 s3, s11;
	s23 =	rddreg [dreg:$0x3];
	_ =	swait.ge [sflag:s25], $0x4000  }
.Ltmp1:
0x2b3: {  	[sflag:s25] =	ssyncset.done $0x0;
	(pc) =	sbr.rel @!p1 .LBB2_6-.Ltmp1, $4  }
0x2b4: {  	[sflag:s25] =	ssyncadd.s32 $0xFFFFC000  }
0x2b5: {  	s25 =	rddreg [dreg:$0xe];
	_ =	swait.ge [sflag:s30], $0x4000  }
0x2b6: {  	s10 =	simm.s32 $0x8800;
	s15 =	simm.s32 $0x9;
	[sflag:s30] =	ssyncset.done $0x0  }
0x2b7: {  	s26 =	simm.s32 $0x9000;
	s29 =	simm.s32 $0x9800;
	[sflag:s30] =	ssyncadd.s32 $0xFFFFC000  }
.LBB2_1:
0x2b8: {  	[tilespmem:s5], [sflag:$0x9] =	stream.linear.gather [hbm4b:s24+s5], $0x200, $0x38;
	[tilespmem:$0x18800] =	vst v63  }
0x2b9: {  	s7 =	simm.s32 $0x200  }
0x2ba: {  	[tilespmem:s7], [sflag:$0x9] =	stream.linear.gather [hbm4b:s25+s5], $0x200, $0x38;
	[tilespmem:$0x18800] =	vst v63  }
0x2bb: {  	_ = 	snop  }
0x2bc: {  	[tilespmem:s14], [sflag:$0x9] =	stream.linear.gather [hbm4b:s23+s5], $0x4000, $0x38;
	[tilespmem:$0x18800] =	vst v63  }
0x2bd: {  	_ =	swait.ge [sflag:s15], $0x200  }
0x2be: {  	[sflag:s15] =	ssyncset.done $0x0  }
0x2bf: {  	[sflag:s15] =	ssyncadd.s32 $0xFFFFFE00  }
0x2c0: {  	_ =	swait.ge [sflag:s15], $0x200  }
0x2c1: {  	[sflag:s15] =	ssyncset.done $0x0  }
0x2c2: {  	[sflag:s15] =	ssyncadd.s32 $0xFFFFFE00  }
0x2c3: {  	v4 =	vld [tilespmem:$0x0]  }
0x2c4: {  	v5 =	vld [tilespmem:$0x10]  }
0x2c5: {  	v6 =	vld [tilespmem:$0x20]  }
0x2c6: {  	v7 =	vld [tilespmem:$0x30]  }
0x2c7: {  	v8 =	vld [tilespmem:$0x40]  }
0x2c8: {  	v9 =	vld [tilespmem:$0x50]  }
0x2c9: {  	v46 =	vld [tilespmem:$0x80];
	[tilespmem:$0x400] =	vst v4  }
0x2ca: {  	v47 =	vld [tilespmem:$0x90];
	[tilespmem:$0x410] =	vst v5  }
0x2cb: {  	v48 =	vld [tilespmem:$0xA0];
	[tilespmem:$0x420] =	vst v6  }
0x2cc: {  	v49 =	vld [tilespmem:$0xB0];
	[tilespmem:$0x430] =	vst v7  }
0x2cd: {  	v4 =	vld [tilespmem:$0x60];
	[tilespmem:$0x480] =	vst v8  }
0x2ce: {  	v50 =	vld [tilespmem:$0xE0];
	[tilespmem:$0x490] =	vst v9  }
0x2cf: {  	v5 =	vld [tilespmem:$0x70];
	[tilespmem:$0x500] =	vst v46  }
0x2d0: {  	v51 =	vld [tilespmem:$0xF0];
	[tilespmem:$0x510] =	vst v47  }
0x2d1: {  	v52 =	vld [tilespmem:$0x100];
	[tilespmem:$0x520] =	vst v48  }
0x2d2: {  	[tilespmem:$0x4A0] =	vst v4;
	v4 =	vld [tilespmem:$0xC0]  }
0x2d3: {  	v53 =	vld [tilespmem:$0x110];
	[tilespmem:$0x530] =	vst v49  }
0x2d4: {  	[tilespmem:$0x4B0] =	vst v5;
	v5 =	vld [tilespmem:$0xD0]  }
0x2d5: {  	v54 =	vld [tilespmem:$0x140];
	[tilespmem:$0x5A0] =	vst v50  }
0x2d6: {  	v55 =	vld [tilespmem:$0x150];
	[tilespmem:$0x5B0] =	vst v51  }
0x2d7: {  	[tilespmem:$0x580] =	vst v4;
	v4 =	vld [tilespmem:$0x120]  }
0x2d8: {  	v56 =	vld [tilespmem:$0x160];
	[tilespmem:$0x600] =	vst v52  }
0x2d9: {  	[tilespmem:$0x590] =	vst v5;
	v5 =	vld [tilespmem:$0x130]  }
0x2da: {  	v57 =	vld [tilespmem:$0x200];
	[tilespmem:$0x610] =	vst v53  }
0x2db: {  	v58 =	vld [tilespmem:$0x190];
	[tilespmem:$0x680] =	vst v54  }
0x2dc: {  	[tilespmem:$0x620] =	vst v4;
	v4 =	vld [tilespmem:$0x170]  }
0x2dd: {  	v59 =	vld [tilespmem:$0x1A0];
	[tilespmem:$0x690] =	vst v55  }
0x2de: {  	[tilespmem:$0x630] =	vst v5;
	v5 =	vld [tilespmem:$0x180]  }
0x2df: {  	v60 =	vld [tilespmem:$0x1B0];
	[tilespmem:$0x6A0] =	vst v56;
	v10 =	vshll.u32 v57, $0x1  }
0x2e0: {  	v61 =	vld [tilespmem:$0x1E0];
	v9 =	vand.u32 $0x7, v57;
	[tilespmem:$0x710] =	vst v58;
	v10 =	vand.u32 $0xFFFFFFF0, v10  }
0x2e1: {  	v9 =	vor.u32 v9, v10;
	[tilespmem:$0x6B0] =	vst v4;
	v4 =	vld [tilespmem:$0x1C0]  }
0x2e2: {  	v62 =	vld [tilespmem:$0x1F0];
	[tilespmem:$0x720] =	vst v59;
	v10 =	vperm.xlane v9, v0  }
0x2e3: {  	[tilespmem:$0x700] =	vst v5;
	v5 =	vld [tilespmem:$0x1D0]  }
0x2e4: {  	[tilespmem:$0x730] =	vst v60;
	v9 =	vperm.xlane v9, v2;
	v63 =	vadd.s32 v1, v10  }
0x2e5: {  	[tilespmem:$0x7A0] =	vst v61  }
0x2e6: {  	[tilespmem:$0x780] =	vst v4;
	v4 =	vadd.s32 v1, v9  }
0x2e7: {  	[tilespmem:$0x7B0] =	vst v62  }
0x2e8: {  	[tilespmem:$0x790] =	vst v5  }
0x2e9: {  	[tilespmem:s10], [sflag:$0x1] =	stream.indirect_vreg.gather [hbm4b:s0+s5], $0x80, v63, vm0, $0xb8;
	[tilespmem:$0x18800] =	vst v63  }
0x2ea: {  	_ = 	snop  }
0x2eb: {  	[tilespmem:s26], [sflag:$0x1] =	stream.indirect_vreg.gather [hbm4b:s0+s5], $0x80, v4, vm0, $0xb8;
	[tilespmem:$0x18800] =	vst v63  }
0x2ec: {  	v4 =	vld [tilespmem:$0x210];
	_ =	sdelay $0x4  }
0x2ed: {  	v5 =	vshll.u32 v4, $0x1  }
0x2ee: {  	v4 =	vand.u32 $0x7, v4;
	v5 =	vand.u32 $0xFFFFFFF0, v5  }
0x2ef: {  	v4 =	vor.u32 v4, v5  }
0x2f0: {  	v5 =	vperm.xlane v4, v0;
	_ =	sdelay $0x1  }
0x2f1: {  	v4 =	vperm.xlane v4, v2;
	v5 =	vadd.s32 v1, v5;
	_ =	sdelay $0x1  }
0x2f2: {  	v4 =	vadd.s32 v1, v4;
	_ =	sdelay $0x2  }
0x2f3: {  	[tilespmem:s29], [sflag:$0x1] =	stream.indirect_vreg.gather [hbm4b:s0+s5], $0x80, v5, vm0, $0xb8;
	[tilespmem:$0x18800] =	vst v63  }
0x2f4: {  	_ = 	snop  }
0x2f5: {  	[tilespmem:s8], [sflag:$0x1] =	stream.indirect_vreg.gather [hbm4b:s0+s5], $0x80, v4, vm0, $0xb8;
	[tilespmem:$0x18800] =	vst v63  }
0x2f6: {  	v4 =	vld [tilespmem:$0x220];
	_ =	sdelay $0x4  }
0x2f7: {  	v5 =	vshll.u32 v4, $0x1  }
0x2f8: {  	v4 =	vand.u32 $0x7, v4;
	v5 =	vand.u32 $0xFFFFFFF0, v5  }
0x2f9: {  	v4 =	vor.u32 v4, v5  }
0x2fa: {  	v5 =	vperm.xlane v4, v0;
	_ =	sdelay $0x1  }
0x2fb: {  	v4 =	vperm.xlane v4, v2;
	v5 =	vadd.s32 v1, v5;
	_ =	sdelay $0x1  }
0x2fc: {  	v4 =	vadd.s32 v1, v4;
	_ =	sdelay $0x2  }
0x2fd: {  	[tilespmem:s6], [sflag:$0x1] =	stream.indirect_vreg.gather [hbm4b:s0+s5], $0x80, v5, vm0, $0xb8;
	[tilespmem:$0x18800] =	vst v63  }
0x2fe: {  	_ = 	snop  }
0x2ff: {  	[tilespmem:s12], [sflag:$0x1] =	stream.indirect_vreg.gather [hbm4b:s0+s5], $0x80, v4, vm0, $0xb8;
	[tilespmem:$0x18800] =	vst v63  }
0x300: {  	v4 =	vld [tilespmem:$0x230];
	_ =	sdelay $0x4  }
0x301: {  	v5 =	vshll.u32 v4, $0x1  }
0x302: {  	v4 =	vand.u32 $0x7, v4;
	v5 =	vand.u32 $0xFFFFFFF0, v5  }
0x303: {  	v4 =	vor.u32 v4, v5  }
0x304: {  	v5 =	vperm.xlane v4, v0;
	_ =	sdelay $0x1  }
0x305: {  	v4 =	vperm.xlane v4, v2;
	v5 =	vadd.s32 v1, v5;
	_ =	sdelay $0x1  }
0x306: {  	v4 =	vadd.s32 v1, v4;
	_ =	sdelay $0x2  }
0x307: {  	[tilespmem:s16], [sflag:$0x1] =	stream.indirect_vreg.gather [hbm4b:s0+s5], $0x80, v5, vm0, $0xb8;
	[tilespmem:$0x18800] =	vst v63  }
0x308: {  	_ = 	snop  }
0x309: {  	[tilespmem:s17], [sflag:$0x1] =	stream.indirect_vreg.gather [hbm4b:s0+s5], $0x80, v4, vm0, $0xb8;
	[tilespmem:$0x18800] =	vst v63  }
0x30a: {  	v4 =	vld [tilespmem:$0x240];
	_ =	sdelay $0x4  }
0x30b: {  	v5 =	vshll.u32 v4, $0x1  }
0x30c: {  	v4 =	vand.u32 $0x7, v4;
	v5 =	vand.u32 $0xFFFFFFF0, v5  }
0x30d: {  	v4 =	vor.u32 v4, v5  }
0x30e: {  	v5 =	vperm.xlane v4, v0;
	_ =	sdelay $0x1  }
0x30f: {  	v4 =	vperm.xlane v4, v2;
	v5 =	vadd.s32 v1, v5;
	_ =	sdelay $0x1  }
0x310: {  	v4 =	vadd.s32 v1, v4;
	_ =	sdelay $0x2  }
0x311: {  	[tilespmem:s18], [sflag:$0x2] =	stream.indirect_vreg.gather [hbm4b:s0+s5], $0x80, v5, vm0, $0xb8;
	[tilespmem:$0x18800] =	vst v63  }
0x312: {  	_ = 	snop  }
0x313: {  	[tilespmem:s19], [sflag:$0x2] =	stream.indirect_vreg.gather [hbm4b:s0+s5], $0x80, v4, vm0, $0xb8;
	[tilespmem:$0x18800] =	vst v63  }
0x314: {  	v4 =	vld [tilespmem:$0x250];
	_ =	sdelay $0x4  }
0x315: {  	v5 =	vshll.u32 v4, $0x1  }
0x316: {  	v4 =	vand.u32 $0x7, v4;
	v5 =	vand.u32 $0xFFFFFFF0, v5  }
0x317: {  	v4 =	vor.u32 v4, v5  }
0x318: {  	v5 =	vperm.xlane v4, v0;
	_ =	sdelay $0x1  }
0x319: {  	v4 =	vperm.xlane v4, v2;
	v5 =	vadd.s32 v1, v5;
	_ =	sdelay $0x1  }
0x31a: {  	v4 =	vadd.s32 v1, v4;
	_ =	sdelay $0x2  }
0x31b: {  	[tilespmem:s20], [sflag:$0x2] =	stream.indirect_vreg.gather [hbm4b:s0+s5], $0x80, v5, vm0, $0xb8;
	[tilespmem:$0x18800] =	vst v63  }
0x31c: {  	_ = 	snop  }
0x31d: {  	[tilespmem:s21], [sflag:$0x2] =	stream.indirect_vreg.gather [hbm4b:s0+s5], $0x80, v4, vm0, $0xb8;
	[tilespmem:$0x18800] =	vst v63  }
0x31e: {  	v4 =	vld [tilespmem:$0x260];
	_ =	sdelay $0x4  }
0x31f: {  	v5 =	vshll.u32 v4, $0x1  }
0x320: {  	v4 =	vand.u32 $0x7, v4;
	v5 =	vand.u32 $0xFFFFFFF0, v5  }
0x321: {  	v4 =	vor.u32 v4, v5  }
0x322: {  	v5 =	vperm.xlane v4, v0;
	_ =	sdelay $0x1  }
0x323: {  	v4 =	vperm.xlane v4, v2;
	v5 =	vadd.s32 v1, v5;
	_ =	sdelay $0x1  }
0x324: {  	v4 =	vadd.s32 v1, v4;
	_ =	sdelay $0x2  }
0x325: {  	[tilespmem:s22], [sflag:$0x2] =	stream.indirect_vreg.gather [hbm4b:s0+s5], $0x80, v5, vm0, $0xb8;
	[tilespmem:$0x18800] =	vst v63  }
0x326: {  	_ = 	snop  }
0x327: {  	[tilespmem:s13], [sflag:$0x2] =	stream.indirect_vreg.gather [hbm4b:s0+s5], $0x80, v4, vm0, $0xb8;
	[tilespmem:$0x18800] =	vst v63  }
0x328: {  	v4 =	vld [tilespmem:$0x270];
	_ =	sdelay $0x4  }
0x329: {  	v5 =	vshll.u32 v4, $0x1  }
0x32a: {  	v4 =	vand.u32 $0x7, v4;
	v5 =	vand.u32 $0xFFFFFFF0, v5  }
0x32b: {  	v4 =	vor.u32 v4, v5  }
0x32c: {  	v5 =	vperm.xlane v4, v0;
	_ =	sdelay $0x1  }
0x32d: {  	v4 =	vperm.xlane v4, v2;
	v5 =	vadd.s32 v1, v5;
	_ =	sdelay $0x1  }
0x32e: {  	v4 =	vadd.s32 v1, v4;
	_ =	sdelay $0x2  }
0x32f: {  	[tilespmem:s1], [sflag:$0x2] =	stream.indirect_vreg.gather [hbm4b:s0+s5], $0x80, v5, vm0, $0xb8;
	[tilespmem:$0x18800] =	vst v63  }
.Ltmp2:
0x330: {  	_ = 	snop;
	(pc) =	sbr.rel @p0 .LBB2_5-.Ltmp2, $4  }
0x331: {  	[tilespmem:s2], [sflag:$0x2] =	stream.indirect_vreg.gather [hbm4b:s0+s5], $0x80, v4, vm0, $0xb8;
	[tilespmem:$0x18800] =	vst v63  }
0x332: {  	_ =	swait.ge [sflag:s15], $0x4000  }
0x333: {  	[sflag:s15] =	ssyncset.done $0x0  }
0x334: {  	s7 =	smov.u32 s3;
	[sflag:s15] =	ssyncadd.s32 $0xFFFFC000  }
0x335: {  	s1 =	simm.s32 $0x0;
	s2 =	rddreg [dreg:$0x9];
	s3 =	simm.s32 $0x4800  }
0x336: {  	[tilespmem:s3], [sflag:$0x9] =	stream.linear.gather [hbm4b:s2+s1], $0xFA0, $0x38;
	[tilespmem:$0x18800] =	vst v63  }
0x337: {  	s30 =	rddreg [dreg:$0xa];
	s31 =	simm.s32 $0x5800  }
0x338: {  	[tilespmem:s31], [sflag:$0x9] =	stream.linear.gather [hbm4b:s30+s1], $0xFA0, $0x38;
	[tilespmem:$0x18800] =	vst v63  }
0x339: {  	_ =	swait.ge [sflag:s15], $0xFA0  }
0x33a: {  	[sflag:s15] =	ssyncset.done $0x0  }
0x33b: {  	[sflag:s15] =	ssyncadd.s32 $0xFFFFF060  }
0x33c: {  	_ =	swait.ge [sflag:s15], $0xFA0  }
0x33d: {  	[sflag:s15] =	ssyncset.done $0x0  }
0x33e: {  	s2 =	simm.s32 $0x0;
	[sflag:s15] =	ssyncadd.s32 $0xFFFFF060  }
0x33f: {  	v4 =	vld [tilespmem:s2+$0x4800];
	_ =	sdelay $0x4  }
0x340: {  	vm1 =	vgt.s32 v4, $0x0  }
0x341: {  	v5 =	vnsel vm1, $0x0, v4  }
0x342: {  	s3 =	simm.s32 $0x10  }
0x343: {  	v6 =	vld [tilespmem:s3+$0x4800];
	_ =	sdelay $0x1  }
0x344: {  	vm1 =	vgt.s32 v4, $0xFFFFFFFF  }
0x345: {  	v7 =	vsel vm1, $0x1, v3;
	v4 =	vld.idx.msk [tilespmem:v5+s14+$0x0], $0xffff  }
0x346: {  	[tilespmem:s2+$0x6800] =	vst v7;
	v7 =	vld [tilespmem:s2+$0x5800]  }
0x347: {  	vm2 =	vgt.s32 v6, $0x0  }
0x348: {  	v5 =	vnsel vm2, $0x0, v6  }
0x349: {  	s13 =	simm.s32 $0xC0;
	s1 =	simm.s32 $0x20  }
.LBB2_3:
0x34a: {  	p1 =	sne.s32 s13, $0x3E40;
	v8 =	vld [tilespmem:s1+$0x4800]  }
0x34b: {  	v4 =	vsel vm1, v4, v7;
	vm1 =	vgt.s32 v6, $0xFFFFFFFF  }
0x34c: {  	v6 =	vsel vm1, $0x1, v3;
	[tilespmem:s2+$0x7800] =	vst v4;
	s2 =	smov.u32 s3;
	s3 =	smov.u32 s1  }
.Ltmp3:
0x34d: {  	v4 =	vld.idx.msk [tilespmem:v5+s14+$0x0], $0xffff;
	[tilespmem:s2+$0x6800] =	vst v6;
	(pc) =	sbr.rel @p1 .LBB2_3-.Ltmp3, $4  }
0x34e: {  	v7 =	vld [tilespmem:s2+$0x5800]  }
0x34f: {  	vm2 =	vgt.s32 v8, $0x0;
	v6 =	vmov v8  }
0x350: {  	v5 =	vnsel vm2, $0x0, v6  }
0x351: {  	s1 =	sshra.s32 s13, $0x2;
	s13 =	sadd.s32 $0x40, s13  }
.Ltmp4:
0x352: {  	_ = 	snop;
	(pc) =	sbr.rel .LBB2_4-.Ltmp4, $1  }
0x353: {  	_ =	sdelay $0x3  }
.LBB2_6:
0x354: {  	_ =	sfence.sel $0x180000  }
0x355: {  	[bflag:$0x0] =	sbarrier.arrive $0xFFFF  }
0x356: {  	_ =	strace $0x9000004A  }
0x357: {  	s0 =	stileid.u32;
	[bflag:$0x2] =	sbarrier.arrive $0xFFFF  }
0x358: {  	p0 =	sne.s32 s0, $0x0;
	s0 =	rddreg [dreg:$0x8]  }
0x359: {  	s0 =	sadd.s32 @!p0 $0x100000, s0  }
0x35a: {  	[sflag:s0] =	ssyncadd.tile.s32 @!p0 $0x1;
	_ =	shalt  }
.Lfunc_end2:
_tile_overlayer_lowered:
.L_overlay_start_2:
0x35b: {  	(tag) =	ssettag $0x2  }
0x35c: {  	s0 =	rddreg [dreg:$0x0];
	s2 =	stileid.u32  }
0x35d: {  	s1 =	rddreg [dreg:$0x1];
	p0 =	sne.s32 s2, $0x0  }
0x35e: {  	s3 =	rddreg [dreg:$0x2];
	[bflag:$0x3] =	sbarrier.arrive $0xFFFF;
	s2 =	simm.s32 @!p0 $0x1C0A  }
0x35f: {  	[timem:s3], [sflag:s2] =	dma.local @!p0 [hbm:s0], s1  }
0x360: {  	s0 =	simm.s32 @!p0 $0xA  }
0x361: {  	_ =	swait.ge @!p0 [sflag:s0], s1  }
0x362: {  	s1 =	ssub.s32 @!p0 $0x0, s1;
	[sflag:s0] =	ssyncset.done @!p0 $0x0  }
0x363: {  	[sflag:s0] =	ssyncadd.s32 @!p0 s1  }
0x364: {  	[bflag:$0x3] =	sbarrier.arrive $0xFFFF  }
0x365: {  	_ =	shalt  }

// kernel: msg_agg_sc_table.3.cloned.1.call-start
scs
__scs_entry_jumppad:
0x0: {  	(pc) =	sbr.rel $0x88, $3  }
0x1: {  	(tag) =	ssettag $0x0;
	lr =	simm.s32 $0x1  }
0x2: {  	[smem:$0x3F9C] =	sst lr;
	_ =	strace $0xD0000000  }
0x3: {  	_ = 	snop  }
0x4: {  	_ = 	snop  }
0x5: {  	_ = 	snop  }
0x6: {  	_ = 	snop  }
0x7: {  	_ = 	snop  }
__scs_overlays_trampoline_lowered:
0x8: {  	[smem:$0x3FAB] =	sst s0  }
0x9: {  	[smem:$0x3FAC] =	sst s1  }
0xa: {  	[smem:$0x3FAD] =	sst s2  }
0xb: {  	[smem:$0x3FAE] =	sst s3  }
0xc: {  	[smem:$0x3FAF] =	sst s4  }
0xd: {  	[smem:$0x3FB0] =	sst s5  }
0xe: {  	[smem:$0x3FB1] =	sst s6  }
0xf: {  	[smem:$0x3FB2] =	sst s7  }
0x10: {  	[smem:$0x3FB3] =	sst s8  }
0x11: {  	[smem:$0x3FB4] =	sst s9;
	s0 =	simm.s32 @!p0 $0x0  }
0x12: {  	s1 =	sld [smem:$0x3F9A];
	s0 =	simm.s32 @p0 $0x1  }
0x13: {  	[smem:$0x3FB5] =	sst s0;
	s0 =	simm.s32 @!p1 $0x0  }
0x14: {  	s2 =	sld [smem:$0x3F99];
	s0 =	simm.s32 @p1 $0x1  }
0x15: {  	[smem:$0x3FB6] =	sst s0;
	s0 =	simm.s32 @!p2 $0x0  }
0x16: {  	s3 =	sld [smem:$0x3FDB];
	s0 =	simm.s32 @p2 $0x1  }
0x17: {  	s4 =	simm.s32 $0x1BF5;
	[smem:$0x3FB8] =	sst s0  }
0x18: {  	s0 =	sld [smem:$0x3F9B];
	_ =	swait.ge [sflag:s4], $0x0  }
0x19: {  	s7 =	sld [smem:$0x3F9C]  }
0x1a: {  	s8 =	sadd.s32 $0xFFFFE003, lr  }
0x1b: {  	s9 =	sadd.s32 $0xFFFFFEF7, lr;
	s5 =	simm.s32 $0xFFFFFFFF;
	p2 =	slt.u32 s8, $0xFFFFF086  }
0x1c: {  	p1 =	slt.u32 s9, $0xF7A;
	s5 =	simm.s32 @!p2 $0x0  }
0x1d: {  	s5 =	simm.s32 @p1 $0x1;
	p0 =	seq.s32 s7, s2  }
0x1e: {  	s7 =	smul.u32 @!p0 $0xF7A, s2;
	p2 =	seq.s32 @!p0 s5, $0x0  }
0x1f: {  	s9 =	smul.u32 $0xF7A, s1;
	s8 =	simm.s32 @!p0 $0x1BF5;
	p2 =	por !p2, p0  }
0x20: {  	[sflag:s8] =	ssyncset.s32 @!p0 $0xFFFFF086;
	s6 =	sadd.s32 @!p0 s3, s7;
	s7 =	simm.s32 @!p0 $0x108  }
0x21: {  	s3 =	sadd.s32 s3, s9;
	s6 =	sadd.s32 @!p0 $0x88, s6;
	s7 =	simm.s32 @p2 $0x1082  }
0x22: {  	[simem:s7], [sflag:s8] =	dma.local @!p0 [hbm:s6], $0xF7A  }
0x23: {  	s9 =	sor.u32 $0xD0000000, s2;
	s6 =	simm.s32 $0x108;
	_ =	swait.ge @!p0 [sflag:s8], $0x0  }
0x24: {  	s3 =	sadd.s32 $0x88, s3;
	s6 =	simm.s32 @!p1 $0x1082;
	[sflag:s4] =	ssyncset.s32 $0xFFFFF086  }
0x25: {  	[simem:s6], [sflag:s4] =	dma.local [hbm:s3], $0xF7A  }
0x26: {  	[smem:$0x3F9C] =	sst s1;
	(tag) =	ssettag s2;
	_ =	strace s9  }
0x27: {  	s1 =	sld [smem:$0x3FAC]  }
0x28: {  	s2 =	sld [smem:$0x3FAD]  }
0x29: {  	s4 =	sld [smem:$0x3FAF]  }
0x2a: {  	p0 =	seq.s32 s5, $0x0;
	s5 =	sld [smem:$0x3FB0]  }
0x2b: {  	s6 =	sld [smem:$0x3FB1]  }
0x2c: {  	s7 =	sld [smem:$0x3FB2]  }
0x2d: {  	s3 =	simm.s32 $0x108;
	s8 =	sld [smem:$0x3FB3]  }
0x2e: {  	s3 =	simm.s32 @!p0 $0x1082;
	s9 =	sld [smem:$0x3FB4]  }
0x2f: {  	lr =	sadd.s32 s0, s3;
	s0 =	sld [smem:$0x3FAB]  }
0x30: {  	s3 =	sld [smem:$0x3FAE]  }
0x31: {  	[smem:$0x3FB7] =	sst s10  }
0x32: {  	s10 =	sld [smem:$0x3FB5];
	_ =	sdelay $0x3  }
0x33: {  	p0 =	seq.s32 s10, $0x1;
	s10 =	sld [smem:$0x3FB7];
	_ =	sdelay $0x3  }
0x34: {  	[smem:$0x3FB7] =	sst s10  }
0x35: {  	s10 =	sld [smem:$0x3FB6];
	_ =	sdelay $0x3  }
0x36: {  	p1 =	seq.s32 s10, $0x1;
	s10 =	sld [smem:$0x3FB7];
	_ =	sdelay $0x3  }
0x37: {  	[smem:$0x3FB7] =	sst s10  }
0x38: {  	s10 =	sld [smem:$0x3FB8]  }
0x39: {  	_ = 	snop;
	(pc) =	sbr.ind lr, $3  }
0x3a: {  	_ = 	snop  }
0x3b: {  	_ = 	snop  }
0x3c: {  	p2 =	seq.s32 s10, $0x1;
	s10 =	sld [smem:$0x3FB7]  }
0x3d: {  	_ =	shalt  }
0x3e: {  	_ =	shalt  }
0x3f: {  	_ =	shalt  }
0x40: {  	_ =	shalt  }
0x41: {  	_ =	shalt  }
0x42: {  	_ =	shalt  }
0x43: {  	_ =	shalt  }
0x44: {  	_ =	shalt  }
0x45: {  	_ =	shalt  }
0x46: {  	_ =	shalt  }
0x47: {  	_ =	shalt  }
0x48: {  	_ =	shalt  }
0x49: {  	_ =	shalt  }
0x4a: {  	_ =	shalt  }
0x4b: {  	_ =	shalt  }
0x4c: {  	_ =	shalt  }
0x4d: {  	_ =	shalt  }
0x4e: {  	_ =	shalt  }
0x4f: {  	_ =	shalt  }
0x50: {  	_ =	shalt  }
0x51: {  	_ =	shalt  }
0x52: {  	_ =	shalt  }
0x53: {  	_ =	shalt  }
0x54: {  	_ =	shalt  }
0x55: {  	_ =	shalt  }
0x56: {  	_ =	shalt  }
0x57: {  	_ =	shalt  }
0x58: {  	_ =	shalt  }
0x59: {  	_ =	shalt  }
0x5a: {  	_ =	shalt  }
0x5b: {  	_ =	shalt  }
0x5c: {  	_ =	shalt  }
0x5d: {  	_ =	shalt  }
0x5e: {  	_ =	shalt  }
0x5f: {  	_ =	shalt  }
0x60: {  	_ =	shalt  }
0x61: {  	_ =	shalt  }
0x62: {  	_ =	shalt  }
0x63: {  	_ =	shalt  }
0x64: {  	_ =	shalt  }
0x65: {  	_ =	shalt  }
0x66: {  	_ =	shalt  }
0x67: {  	_ =	shalt  }
0x68: {  	_ =	shalt  }
0x69: {  	_ =	shalt  }
0x6a: {  	_ =	shalt  }
0x6b: {  	_ =	shalt  }
0x6c: {  	_ =	shalt  }
0x6d: {  	_ =	shalt  }
0x6e: {  	_ =	shalt  }
0x6f: {  	_ =	shalt  }
0x70: {  	_ =	shalt  }
0x71: {  	_ =	shalt  }
0x72: {  	_ =	shalt  }
0x73: {  	_ =	shalt  }
0x74: {  	_ =	shalt  }
0x75: {  	_ =	shalt  }
0x76: {  	_ =	shalt  }
0x77: {  	_ =	shalt  }
0x78: {  	_ =	shalt  }
0x79: {  	_ =	shalt  }
0x7a: {  	_ =	shalt  }
0x7b: {  	_ =	shalt  }
0x7c: {  	_ =	shalt  }
0x7d: {  	_ =	shalt  }
0x7e: {  	_ =	shalt  }
0x7f: {  	_ =	shalt  }
0x80: {  	_ =	shalt  }
0x81: {  	_ =	shalt  }
0x82: {  	_ =	shalt  }
0x83: {  	_ =	shalt  }
0x84: {  	_ =	shalt  }
0x85: {  	_ =	shalt  }
0x86: {  	_ =	shalt  }
0x87: {  	_ =	shalt  }
.Lfunc_end0:
.L_simem_size_0:
called_computation_lowered:
.L_overlay_start_0:
0x88: {  	s2 =	sld [smem:$0x3FD9]  }
0x89: {  	s3 =	sld [smem:$0x3FFE];
	_ =	sdelay $0x1  }
0x8a: {  	s1 =	srdreg.scid  }
0x8b: {  	s0 =	sand.u32 $0x1, s1  }
0x8c: {  	s14 =	sshll.u32 s0, $0xA;
	s2 =	sadd.s32 s3, s2  }
0x8d: {  	s2 =	sadd.s32 s2, s14  }
0x8e: {  	[smem:$0x3FC3] =	sst s2  }
0x8f: {  	_ = 	snop  }
0x90: {  	s2 =	sld [smem:$0x3FD0];
	_ =	sdelay $0x2  }
0x91: {  	s4 =	simm.s32 $0xA;
	s5 =	simm.s32 $0x10;
	s15 =	sld [smem:$0x3FC7]  }
0x92: {  	[smem:s5], [sflag:s4] =	dma.local [hbm:s2], $0x1  }
0x93: {  	_ =	swait.eq [sflag:s4], $0x1  }
0x94: {  	[sflag:s4] =	ssyncset.done $0x0  }
0x95: {  	[sflag:s4] =	ssyncadd.s32 $0xFFFFFFFF  }
0x96: {  	s16 =	sld [smem:$0x12];
	(tm) =	ssettm $0x1  }
0x97: {  	s17 =	sld [smem:$0x3FFB];
	_ =	sdelay $0x3  }
0x98: {  	_ =	strace s17  }
0x99: {  	s4 =	sld [smem:$0x3FFC];
	_ =	sdelay $0x3  }
0x9a: {  	_ =	strace s4  }
0x9b: {  	s4 =	sld [smem:$0x3FFD];
	_ =	sdelay $0x3  }
0x9c: {  	_ =	strace s4  }
0x9d: {  	_ =	strace $0x8FFFFFFF  }
0x9e: {  	s18 =	sld [smem:$0x3FDB];
	_ =	sdelay $0x1  }
0x9f: {  	s19 =	simm.s32 $_scs_section_size  }
0xa0: {  	s6 =	simm.s32 $_size__tile_overlayer_lowered;
	s7 =	simm.s32 $_tile_overlayer_lowered  }
0xa1: {  	s22 =	simm.s32 $0x1BFF;
	s21 =	sshll.u32 s7, $0x1;
	s4 =	sadd.s32 s19, s18  }
0xa2: {  	s8 =	simm.s32 $0x0;
	s20 =	sshll.u32 s6, $0x1;
	s6 =	sadd.s32 s21, s4  }
0xa3: {  	[timem:s8], [sflag:s22] =	dma.local [hbm:s6], s20  }
0xa4: {  	_ =	swait.ge [sflag:s22], s20  }
0xa5: {  	s5 =	ssub.s32 $0x0, s20;
	[sflag:s22] =	ssyncset.done $0x0  }
0xa6: {  	[sflag:s22] =	ssyncadd.s32 s5;
	_ =	sdelay $0x1  }
0xa7: {  	s23 =	simm.s32 $0x1B8B  }
0xa8: {  	_ =	swait.ge [sflag:s23], $0x1  }
0xa9: {  	[sflag:s23] =	ssyncset.done $0x0  }
0xaa: {  	s25 =	simm.s32 $0x1B8E;
	s24 =	sld [smem:$0x3FFE];
	[sflag:s23] =	ssyncadd.s32 $0xFFFFFFFF  }
0xab: {  	s26 =	simm.s32 $execute0_lowered;
	[smem:$0x3FD2] =	sst s25  }
0xac: {  	s6 =	sshll.u32 s26, $0x1;
	_ =	strace $0x80000046;
	[dreg:$0x1] =	wrdreg $0xFFFFFFFF  }
0xad: {  	s28 =	simm.s32 $_size_execute0_lowered;
	s4 =	sadd.s32 s4, s6;
	[dreg:$0x0] =	wrdreg $0x0  }
0xae: {  	s6 =	sshll.u32 s28, $0x1;
	[dreg:$0x2] =	wrdreg s4  }
0xaf: {  	[dreg:$0x3] =	wrdreg s6  }
0xb0: {  	[dreg:$0x4] =	wrdreg $0xC0  }
0xb1: {  	_ =	task [dreg:s8], $0x5FFFF  }
0xb2: {  	[dreg:$0x1] =	wrdreg $0xFFFFFFFF  }
0xb3: {  	[dreg:$0x0] =	wrdreg $0x60  }
0xb4: {  	[dreg:$0x2] =	wrdreg s15  }
0xb5: {  	[dreg:$0x3] =	wrdreg s16  }
0xb6: {  	[dreg:$0x4] =	wrdreg s24  }
0xb7: {  	[dreg:$0x5] =	wrdreg $0x9  }
0xb8: {  	_ =	task.clear_ibuf [dreg:s8], $0x6FFFF;
	_ =	strace $0x90000046  }
0xb9: {  	s29 =	simm.s32 $0x9;
	_ =	strace $0x80000048  }
0xba: {  	_ =	swait.ge [sflag:s29], $0x1  }
0xbb: {  	[sflag:s29] =	ssyncadd.s32 $0xFFFFFFFF  }
0xbc: {  	_ =	strace $0x90000048  }
0xbd: {  	_ =	sfence  }
0xbe: {  	s30 =	sld [smem:$0x0];
	_ =	sdelay $0x2  }
0xbf: {  	s31 =	sshll.u32 s1, $0xD;
	s1 =	sshrl.u32 s1, $0x2  }
0xc0: {  	s3 =	sand.u32 $0x4000, s31;
	s1 =	sadd.s32 s1, s30  }
0xc1: {  	s0 =	sor.u32 s3, s0;
	s1 =	sshll.u32 s1, $0x11  }
0xc2: {  	s0 =	sor.u32 s1, s0  }
0xc3: {  	s0 =	sadd.s32 $0x8F2B, s0  }
0xc4: {  	[sflag:s0] =	ssyncadd.remote.s32 $0x1  }
0xc5: {  	_ =	sfence.sel $0xFFFF  }
0xc6: {  	[dreg:$0x0] =	wrdreg $0xFFFFFFFF;
	(pc) =	sbr.abs _section_cstart, $3  }
0xc7: {  	[dreg:$0x1] =	wrdreg $0xFFFFFFFF  }
0xc8: {  	_ =	task.clear_ibuf [dreg:s8], $0x2FFFF;
	_ =	strace $0x9FFFFFFF  }
0xc9: {  	(tm) =	ssettm $0x7FFFFFFF  }
tec
execute0_lowered:
.L_overlay_start_1:
0x0: {  	(tag) =	ssettag $0x1  }
0x1: {  	s1 =	rddreg [dreg:$0x0]  }
0x2: {  	s2 =	srdreg.scid;
	s0 =	stileid.u32  }
0x3: {  	s6 =	rddreg [dreg:$0x1];
	s4 =	sand.u32 $0x1, s2;
	s10 =	smul.u32 $0x7D00, s0  }
0x4: {  	s5 =	rddreg [dreg:$0x2];
	s13 =	smul.u32 $0x3E80, s4  }
0x5: {  	s3 =	simm.s32 $0x0;
	s29 =	sshll.u32 s0, $0x1;
	s2 =	rddreg [dreg:$0x3]  }
0x6: {  	[smem:$0x7FF] =	sst s3;
	s9 =	sor.u32 s4, s29;
	s10 =	sadd.s32 s13, s10  }
0x7: {  	s8 =	ssub.s32 $0x2, s4;
	_ =	strace $0x80000047;
	s10 =	sshrl.u32 s10, $0x2  }
0x8: {  	s7 =	smul.u32 $0xFA0, s9;
	s12 =	sshrl.u32 s8, $0x1;
	s31 =	sadd.s32 $0x4000, s10  }
0x9: {  	s30 =	sshll.u32 s9, $0x6;
	p0 =	sgt.u32 s9, $0x18;
	s8 =	ssub.s32 s8, s12;
	v2 =	vmov s31  }
0xa: {  	s6 =	sadd.s32 s6, s30;
	s12 =	simm.s32 $0x2;
	s13 =	simm.s32 $0x0  }
0xb: {  	s11 =	sshrl.u32 s7, $0x3;
	s4 =	sadd.s32 $0x4000, s7;
	s8 =	smax.u32 s8, $0x1  }
0xc: {  	s11 =	sadd.s32 s11, s5;
	s5 =	sshll.u32 s9, $0x9;
	s9 =	simm.s32 $0x1  }
0xd: {  	v0 =	vimm.s32 $0xFFFFFFFF;
	v1 =	vlaneseq.u32;
	s10 =	simm.s32 $0x4000;
	s7 =	sadd.s32 $0x1000, s11;
	s11 =	simm.s32 $0x1C700  }
.LBB2_1:
0xe: {  	[tilespmem:s3], [sflag:$0x1] =	stream.linear.gather [hbm4b:s1+s3], $0x4000, $0x38;
	[tilespmem:$0x1C980] =	vst v63  }
0xf: {  	[tilespmem:$0x1C900] =	vst v0  }
0x10: {  	[tilespmem:$0x1C910] =	vst v0  }
0x11: {  	[tilespmem:$0x1C920] =	vst v0  }
.Ltmp0:
0x12: {  	[tilespmem:$0x1C930] =	vst v0;
	(pc) =	sbr.rel @p0 .LBB2_5-.Ltmp0, $4  }
0x13: {  	[tilespmem:$0x1C940] =	vst v0  }
0x14: {  	[tilespmem:$0x1C950] =	vst v0  }
0x15: {  	[tilespmem:$0x1C960] =	vst v0  }
0x16: {  	[tilespmem:$0x1C970] =	vst v0  }
0x17: {  	s14 =	simm.s32 $0x40;
	s15 =	simm.s32 $0x0  }
.LBB2_3:
0x18: {  	p1 =	sne.s32 s14, $0x3E40;
	[tilespmem:v2+s15+$0x0 ss:$0x1] =	vst.idx.msk $0xffff, v0;
	s15 =	smov.u32 s14;
	s14 =	sadd.s32 $0x40, s14  }
.Ltmp1:
0x19: {  	(pc) =	sbr.rel @p1 .LBB2_3-.Ltmp1, $2  }
0x1a: {  	_ =	sdelay $0x2  }
0x1b: {  	s15 =	sshra.s32 s15, $0x2  }
0x1c: {  	_ =	sdelay $0x3  }
0x1d: {  	[tilespmem:v2+s15+$0x0 ss:$0x1] =	vst.idx.msk $0xffff, v0  }
.LBB2_5:
0x1e: {  	_ =	swait.ge [sflag:s9], $0x4000  }
0x1f: {  	[sflag:s9] =	ssyncset.done $0x0  }
0x20: {  	s14 =	simm.s32 $0x40;
	[sflag:s9] =	ssyncadd.s32 $0xFFFFC000  }
0x21: {  	v4 =	vld [tilespmem:s14+$0xFFFFFFC0]  }
0x22: {  	v5 =	vld [tilespmem:s14+$0xFFFFFFD0]  }
0x23: {  	v6 =	vld [tilespmem:s14+$0xFFFFFFE0]  }
0x24: {  	v7 =	vld [tilespmem:s14+$0xFFFFFFF0]  }
0x25: {  	v8 =	vld [tilespmem:s14+$0x0]  }
0x26: {  	v9 =	vld [tilespmem:s14+$0x10];
	(xrf1) =	vunique.msk.u32 $0xffff, v4  }
0x27: {  	v10 =	vld [tilespmem:s14+$0x20];
	(xrf1) =	vunique.msk.u32 $0xffff, v5  }
0x28: {  	(xrf1) =	vunique.msk.u32 $0xffff, v6  }
0x29: {  	v3 =	vld [tilespmem:s14+$0x30];
	(xrf1) =	vunique.msk.u32 $0xffff, v7  }
0x2a: {  	(xrf1) =	vunique.msk.u32 $0xffff, v8  }
0x2b: {  	(xrf1) =	vunique.msk.u32 $0xffff, v9  }
0x2c: {  	(xrf1) =	vunique.msk.u32 $0xffff, v10;
	_ =	sdelay $0x1  }
0x2d: {  	(xrf1) =	vunique.msk.u32 $0xffff, v3;
	_ =	sdelay $0x5  }
0x2e: {  	_, v11, vm0 =	vpop (xrf1)  }
0x2f: {  	_, v11, vm1 =	vpop (xrf1)  }
0x30: {  	_, v11, vm2 =	vpop (xrf1)  }
0x31: {  	_, v11, vm3 =	vpop (xrf1)  }
0x32: {  	s15 =	simm.s32 $0x0;
	_, v11, vm4 =	vpop (xrf1)  }
0x33: {  	s16 =	simm.s32 $0x10;
	v11 =	vor.u32 s15, v1;
	_, v12, vm5 =	vpop (xrf1)  }
0x34: {  	s25 =	simm.s32 $0x20;
	[tilespmem:v4+s10+$0x0] =	vst.idx.msk vm0, v11;
	v4 =	vor.u32 s16, v1;
	_, v63, vm6 =	vpop (xrf1)  }
0x35: {  	s26 =	simm.s32 $0x30;
	[tilespmem:v5+s10+$0x0] =	vst.idx.msk vm1, v4;
	v4 =	vor.u32 s25, v1  }
0x36: {  	s28 =	simm.s32 $0x40;
	_, v5, vm0 =	vpop (xrf1);
	[tilespmem:v6+s10+$0x0] =	vst.idx.msk vm2, v4;
	v4 =	vor.u32 s26, v1  }
0x37: {  	s29 =	simm.s32 $0x50;
	[tilespmem:v7+s10+$0x0] =	vst.idx.msk vm3, v4;
	v4 =	vor.u32 s28, v1  }
0x38: {  	s30 =	simm.s32 $0x60;
	[tilespmem:v8+s10+$0x0] =	vst.idx.msk vm4, v4;
	v4 =	vor.u32 s29, v1  }
0x39: {  	s31 =	simm.s32 $0x70;
	[tilespmem:v9+s10+$0x0] =	vst.idx.msk vm5, v4;
	v4 =	vor.u32 s30, v1  }
0x3a: {  	s15 =	simm.s32 $0xF0;
	[tilespmem:v10+s10+$0x0] =	vst.idx.msk vm6, v4;
	v4 =	vor.u32 s31, v1  }
.LBB2_6:
0x3b: {  	p1 =	sne.s32 s15, $0x3FF0  }
0x3c: {  	[tilespmem:v3+s10+$0x0] =	vst.idx.msk vm0, v4;
	s14 =	sadd.s32 $0x80, s14;
	s16 =	smov.u32 s15;
	s15 =	sadd.s32 $0x80, s15  }
0x3d: {  	v4 =	vld [tilespmem:s14+$0xFFFFFFC0]  }
0x3e: {  	v5 =	vld [tilespmem:s14+$0xFFFFFFD0]  }
0x3f: {  	v6 =	vld [tilespmem:s14+$0xFFFFFFE0]  }
0x40: {  	v7 =	vld [tilespmem:s14+$0xFFFFFFF0]  }
0x41: {  	v8 =	vld [tilespmem:s14+$0x0]  }
0x42: {  	v9 =	vld [tilespmem:s14+$0x10];
	(xrf1) =	vunique.msk.u32 $0xffff, v4  }
0x43: {  	v10 =	vld [tilespmem:s14+$0x20];
	(xrf1) =	vunique.msk.u32 $0xffff, v5  }
0x44: {  	v3 =	vld [tilespmem:s14+$0x30];
	(xrf1) =	vunique.msk.u32 $0xffff, v6  }
0x45: {  	(xrf1) =	vunique.msk.u32 $0xffff, v7  }
0x46: {  	(xrf1) =	vunique.msk.u32 $0xffff, v8  }
0x47: {  	(xrf1) =	vunique.msk.u32 $0xffff, v9  }
0x48: {  	(xrf1) =	vunique.msk.u32 $0xffff, v10  }
0x49: {  	(xrf1) =	vunique.msk.u32 $0xffff, v3;
	_ =	sdelay $0x6  }
0x4a: {  	_, v11, vm0 =	vpop (xrf1)  }
0x4b: {  	_, v11, vm1 =	vpop (xrf1)  }
0x4c: {  	_, v11, vm2 =	vpop (xrf1)  }
0x4d: {  	_, v11, vm3 =	vpop (xrf1)  }
0x4e: {  	s17 =	sadd.s32 $0xFFFFFF90, s16;
	_, v11, vm4 =	vpop (xrf1)  }
0x4f: {  	s18 =	sadd.s32 $0xFFFFFFA0, s16;
	v13 =	vor.u32 s17, v1;
	_, v12, vm5 =	vpop (xrf1)  }
0x50: {  	s17 =	sadd.s32 $0xFFFFFFB0, s16;
	[tilespmem:v4+s10+$0x0] =	vst.idx.msk vm0, v13;
	v4 =	vor.u32 s18, v1;
	_, v11, vm6 =	vpop (xrf1)  }
0x51: {  	s18 =	sadd.s32 $0xFFFFFFC0, s16;
	[tilespmem:v5+s10+$0x0] =	vst.idx.msk vm1, v4;
	v4 =	vor.u32 s17, v1;
	_, v5, vm0 =	vpop (xrf1)  }
.Ltmp2:
0x52: {  	s17 =	sadd.s32 $0xFFFFFFD0, s16;
	[tilespmem:v6+s10+$0x0] =	vst.idx.msk vm2, v4;
	v4 =	vor.u32 s18, v1;
	(pc) =	sbr.rel @p1 .LBB2_6-.Ltmp2, $4  }
0x53: {  	s18 =	sadd.s32 $0xFFFFFFE0, s16;
	[tilespmem:v7+s10+$0x0] =	vst.idx.msk vm3, v4;
	v4 =	vor.u32 s17, v1  }
0x54: {  	s17 =	sadd.s32 $0xFFFFFFF0, s16;
	[tilespmem:v8+s10+$0x0] =	vst.idx.msk vm4, v4;
	v4 =	vor.u32 s18, v1  }
0x55: {  	[tilespmem:v9+s10+$0x0] =	vst.idx.msk vm5, v4;
	v4 =	vor.u32 s17, v1  }
0x56: {  	[tilespmem:v10+s10+$0x0] =	vst.idx.msk vm6, v4;
	v4 =	vor.u32 s16, v1  }
0x57: {  	_ =	sdelay $0x4  }
0x58: {  	[tilespmem:v3+s10+$0x0] =	vst.idx.msk vm0, v4  }
0x59: {  	v3 =	vld [tilespmem:s5+$0x0];
	_ =	sdelay $0x7  }
0x5a: {  	v3 =	vld.idx.msk [tilespmem:v3+s10+$0x0], $0xffff;
	_ =	sdelay $0x4  }
0x5b: {  	[tilespmem:$0x1C700] =	vst v3  }
0x5c: {  	v3 =	vld [tilespmem:s5+$0x10];
	_ =	sdelay $0x7  }
0x5d: {  	v3 =	vld.idx.msk [tilespmem:v3+s10+$0x0], $0xffff;
	_ =	sdelay $0x4  }
0x5e: {  	[tilespmem:$0x1C710] =	vst v3  }
0x5f: {  	v3 =	vld [tilespmem:s5+$0x20];
	_ =	sdelay $0x7  }
0x60: {  	v3 =	vld.idx.msk [tilespmem:v3+s10+$0x0], $0xffff;
	_ =	sdelay $0x4  }
0x61: {  	[tilespmem:$0x1C720] =	vst v3  }
0x62: {  	v3 =	vld [tilespmem:s5+$0x30];
	_ =	sdelay $0x7  }
0x63: {  	v3 =	vld.idx.msk [tilespmem:v3+s10+$0x0], $0xffff;
	_ =	sdelay $0x4  }
0x64: {  	[tilespmem:$0x1C730] =	vst v3  }
0x65: {  	v3 =	vld [tilespmem:s5+$0x40];
	_ =	sdelay $0x7  }
0x66: {  	v3 =	vld.idx.msk [tilespmem:v3+s10+$0x0], $0xffff;
	_ =	sdelay $0x4  }
0x67: {  	[tilespmem:$0x1C740] =	vst v3  }
0x68: {  	v3 =	vld [tilespmem:s5+$0x50];
	_ =	sdelay $0x7  }
0x69: {  	v3 =	vld.idx.msk [tilespmem:v3+s10+$0x0], $0xffff;
	_ =	sdelay $0x4  }
0x6a: {  	[tilespmem:$0x1C750] =	vst v3  }
0x6b: {  	v3 =	vld [tilespmem:s5+$0x60];
	_ =	sdelay $0x7  }
0x6c: {  	v3 =	vld.idx.msk [tilespmem:v3+s10+$0x0], $0xffff;
	_ =	sdelay $0x4  }
0x6d: {  	[tilespmem:$0x1C760] =	vst v3  }
0x6e: {  	v3 =	vld [tilespmem:s5+$0x70];
	_ =	sdelay $0x7  }
0x6f: {  	v3 =	vld.idx.msk [tilespmem:v3+s10+$0x0], $0xffff;
	_ =	sdelay $0x4  }
0x70: {  	[tilespmem:$0x1C770] =	vst v3  }
0x71: {  	v3 =	vld [tilespmem:s5+$0x80];
	_ =	sdelay $0x7  }
0x72: {  	v3 =	vld.idx.msk [tilespmem:v3+s10+$0x0], $0xffff;
	_ =	sdelay $0x4  }
0x73: {  	[tilespmem:$0x1C780] =	vst v3  }
0x74: {  	v3 =	vld [tilespmem:s5+$0x90];
	_ =	sdelay $0x7  }
0x75: {  	v3 =	vld.idx.msk [tilespmem:v3+s10+$0x0], $0xffff;
	_ =	sdelay $0x4  }
0x76: {  	[tilespmem:$0x1C790] =	vst v3  }
0x77: {  	v3 =	vld [tilespmem:s5+$0xA0];
	_ =	sdelay $0x7  }
0x78: {  	v3 =	vld.idx.msk [tilespmem:v3+s10+$0x0], $0xffff;
	_ =	sdelay $0x4  }
0x79: {  	[tilespmem:$0x1C7A0] =	vst v3  }
0x7a: {  	v3 =	vld [tilespmem:s5+$0xB0];
	_ =	sdelay $0x7  }
0x7b: {  	v3 =	vld.idx.msk [tilespmem:v3+s10+$0x0], $0xffff;
	_ =	sdelay $0x4  }
0x7c: {  	[tilespmem:$0x1C7B0] =	vst v3  }
0x7d: {  	v3 =	vld [tilespmem:s5+$0xC0];
	_ =	sdelay $0x7  }
0x7e: {  	v3 =	vld.idx.msk [tilespmem:v3+s10+$0x0], $0xffff;
	_ =	sdelay $0x4  }
0x7f: {  	[tilespmem:$0x1C7C0] =	vst v3  }
0x80: {  	v3 =	vld [tilespmem:s5+$0xD0];
	_ =	sdelay $0x7  }
0x81: {  	v3 =	vld.idx.msk [tilespmem:v3+s10+$0x0], $0xffff;
	_ =	sdelay $0x4  }
0x82: {  	[tilespmem:$0x1C7D0] =	vst v3  }
0x83: {  	v3 =	vld [tilespmem:s5+$0xE0];
	_ =	sdelay $0x7  }
0x84: {  	v3 =	vld.idx.msk [tilespmem:v3+s10+$0x0], $0xffff;
	_ =	sdelay $0x4  }
0x85: {  	[tilespmem:$0x1C7E0] =	vst v3  }
0x86: {  	v3 =	vld [tilespmem:s5+$0xF0];
	_ =	sdelay $0x7  }
0x87: {  	v3 =	vld.idx.msk [tilespmem:v3+s10+$0x0], $0xffff;
	_ =	sdelay $0x4  }
0x88: {  	[tilespmem:$0x1C7F0] =	vst v3  }
0x89: {  	v3 =	vld [tilespmem:s5+$0x100];
	_ =	sdelay $0x7  }
0x8a: {  	v3 =	vld.idx.msk [tilespmem:v3+s10+$0x0], $0xffff;
	_ =	sdelay $0x4  }
0x8b: {  	[tilespmem:$0x1C800] =	vst v3  }
0x8c: {  	v3 =	vld [tilespmem:s5+$0x110];
	_ =	sdelay $0x7  }
0x8d: {  	v3 =	vld.idx.msk [tilespmem:v3+s10+$0x0], $0xffff;
	_ =	sdelay $0x4  }
0x8e: {  	[tilespmem:$0x1C810] =	vst v3  }
0x8f: {  	v3 =	vld [tilespmem:s5+$0x120];
	_ =	sdelay $0x7  }
0x90: {  	v3 =	vld.idx.msk [tilespmem:v3+s10+$0x0], $0xffff;
	_ =	sdelay $0x4  }
0x91: {  	[tilespmem:$0x1C820] =	vst v3  }
0x92: {  	v3 =	vld [tilespmem:s5+$0x130];
	_ =	sdelay $0x7  }
0x93: {  	v3 =	vld.idx.msk [tilespmem:v3+s10+$0x0], $0xffff;
	_ =	sdelay $0x4  }
0x94: {  	[tilespmem:$0x1C830] =	vst v3  }
0x95: {  	v3 =	vld [tilespmem:s5+$0x140];
	_ =	sdelay $0x7  }
0x96: {  	v3 =	vld.idx.msk [tilespmem:v3+s10+$0x0], $0xffff;
	_ =	sdelay $0x4  }
0x97: {  	[tilespmem:$0x1C840] =	vst v3  }
0x98: {  	v3 =	vld [tilespmem:s5+$0x150];
	_ =	sdelay $0x7  }
0x99: {  	v3 =	vld.idx.msk [tilespmem:v3+s10+$0x0], $0xffff;
	_ =	sdelay $0x4  }
0x9a: {  	[tilespmem:$0x1C850] =	vst v3  }
0x9b: {  	v3 =	vld [tilespmem:s5+$0x160];
	_ =	sdelay $0x7  }
0x9c: {  	v3 =	vld.idx.msk [tilespmem:v3+s10+$0x0], $0xffff;
	_ =	sdelay $0x4  }
0x9d: {  	[tilespmem:$0x1C860] =	vst v3  }
0x9e: {  	v3 =	vld [tilespmem:s5+$0x170];
	_ =	sdelay $0x7  }
0x9f: {  	v3 =	vld.idx.msk [tilespmem:v3+s10+$0x0], $0xffff;
	_ =	sdelay $0x4  }
0xa0: {  	[tilespmem:$0x1C870] =	vst v3  }
0xa1: {  	v3 =	vld [tilespmem:s5+$0x180];
	_ =	sdelay $0x7  }
0xa2: {  	v3 =	vld.idx.msk [tilespmem:v3+s10+$0x0], $0xffff;
	_ =	sdelay $0x4  }
0xa3: {  	[tilespmem:$0x1C880] =	vst v3  }
0xa4: {  	v3 =	vld [tilespmem:s5+$0x190];
	_ =	sdelay $0x7  }
0xa5: {  	v3 =	vld.idx.msk [tilespmem:v3+s10+$0x0], $0xffff;
	_ =	sdelay $0x4  }
0xa6: {  	[tilespmem:$0x1C890] =	vst v3  }
0xa7: {  	v3 =	vld [tilespmem:s5+$0x1A0];
	_ =	sdelay $0x7  }
0xa8: {  	v3 =	vld.idx.msk [tilespmem:v3+s10+$0x0], $0xffff;
	_ =	sdelay $0x4  }
0xa9: {  	[tilespmem:$0x1C8A0] =	vst v3  }
0xaa: {  	v3 =	vld [tilespmem:s5+$0x1B0];
	_ =	sdelay $0x7  }
0xab: {  	v3 =	vld.idx.msk [tilespmem:v3+s10+$0x0], $0xffff;
	_ =	sdelay $0x4  }
0xac: {  	[tilespmem:$0x1C8B0] =	vst v3  }
0xad: {  	v3 =	vld [tilespmem:s5+$0x1C0];
	_ =	sdelay $0x7  }
0xae: {  	v3 =	vld.idx.msk [tilespmem:v3+s10+$0x0], $0xffff;
	_ =	sdelay $0x4  }
0xaf: {  	[tilespmem:$0x1C8C0] =	vst v3  }
0xb0: {  	v3 =	vld [tilespmem:s5+$0x1D0];
	_ =	sdelay $0x7  }
0xb1: {  	v3 =	vld.idx.msk [tilespmem:v3+s10+$0x0], $0xffff;
	_ =	sdelay $0x4  }
0xb2: {  	[tilespmem:$0x1C8D0] =	vst v3  }
0xb3: {  	v3 =	vld [tilespmem:s5+$0x1E0];
	_ =	sdelay $0x7  }
0xb4: {  	v3 =	vld.idx.msk [tilespmem:v3+s10+$0x0], $0xffff;
	_ =	sdelay $0x4  }
0xb5: {  	[tilespmem:$0x1C8E0] =	vst v3  }
0xb6: {  	v3 =	vld [tilespmem:s5+$0x1F0];
	_ =	sdelay $0x7  }
0xb7: {  	v3 =	vld.idx.msk [tilespmem:v3+s10+$0x0], $0xffff;
	_ =	sdelay $0x4  }
0xb8: {  	[tilespmem:$0x1C8F0] =	vst v3  }
0xb9: {  	[hbm4b:s6+s3] =	stream.linear.scatter [tilespmem:s11], [sflag:$0x2], $0x200, $0x38;
	[tilespmem:$0x1C980] =	vst v63  }
0xba: {  	s14 =	simm.s32 @!p0 $0x0  }
0xbb: {  	[hbm4b:s7+s14] =	stream.linear.scatter @!p0 [tilespmem:s4], [sflag:$0x3], $0xFA0, $0x38;
	[tilespmem:$0x1C980] =	vst v63  }
0xbc: {  	s13 =	sadd.s32 $0x1, s13;
	s14 =	simm.s32 @!p0 $0x3  }
0xbd: {  	p1 =	sne.s32 s13, s8;
	_ =	swait.ge @!p0 [sflag:s14], $0xFA0  }
.Ltmp3:
0xbe: {  	[sflag:s14] =	ssyncset.done @!p0 $0x0;
	(pc) =	sbr.rel @p1 .LBB2_1-.Ltmp3, $4  }
0xbf: {  	[sflag:s14] =	ssyncadd.s32 @!p0 $0xFFFFF060  }
0xc0: {  	_ =	swait.ge [sflag:s12], $0x200  }
0xc1: {  	[sflag:s12] =	ssyncset.done $0x0  }
0xc2: {  	[sflag:s12] =	ssyncadd.s32 $0xFFFFFE00  }
0xc3: {  	_ =	sfence.sel $0x180000  }
0xc4: {  	[bflag:$0x0] =	sbarrier.arrive $0xFFFF  }
0xc5: {  	p0 =	sne.s32 s0, $0x0;
	_ =	strace $0x90000047  }
0xc6: {  	s0 =	sadd.s32 @!p0 $0x100000, s2;
	[bflag:$0x2] =	sbarrier.arrive $0xFFFF  }
0xc7: {  	[sflag:s0] =	ssyncadd.tile.s32 @!p0 $0x1;
	_ =	shalt  }
.Lfunc_end2:
_tile_overlayer_lowered:
.L_overlay_start_2:
0xc8: {  	(tag) =	ssettag $0x2  }
0xc9: {  	s0 =	rddreg [dreg:$0x0];
	s2 =	stileid.u32  }
0xca: {  	s1 =	rddreg [dreg:$0x1];
	p0 =	sne.s32 s2, $0x0  }
0xcb: {  	s3 =	rddreg [dreg:$0x2];
	[bflag:$0x3] =	sbarrier.arrive $0xFFFF;
	s2 =	simm.s32 @!p0 $0x1C03  }
0xcc: {  	[timem:s3], [sflag:s2] =	dma.local @!p0 [hbm:s0], s1  }
0xcd: {  	s0 =	simm.s32 @!p0 $0x3  }
0xce: {  	_ =	swait.ge @!p0 [sflag:s0], s1  }
0xcf: {  	s1 =	ssub.s32 @!p0 $0x0, s1;
	[sflag:s0] =	ssyncset.done @!p0 $0x0  }
0xd0: {  	[sflag:s0] =	ssyncadd.s32 @!p0 s1  }
0xd1: {  	[bflag:$0x3] =	sbarrier.arrive $0xFFFF  }
0xd2: {  	_ =	shalt  }

</sc_bundles>
